<compile_context>
chip_gen: v7x
topology: tpu7x:2x2x1
jax: 0.10.2.dev20260603
libtpu: 0.0.44.dev20260713+nightly
codegen_flags: <defaults>
</compile_context>

<pallas_src>
import jax
import jax.numpy as jnp
from jax import lax
from jax.experimental import pallas as pl
from jax.experimental.pallas import tpu as pltpu
from jax.experimental.pallas import tpu_sc as plsc

_N, _K, _C, _G = 10000, 16, 128, 8

_TW = 128
_OC = 64
_OKW = 72

_NW = 32
_CHUNK = 40
_AW = 16

_BN = 1000
_BC = 200


def _relu(x):
    return jnp.maximum(x, 0.0)


def _dot(a, b):
    return jnp.dot(a, b, preferred_element_type=jnp.float32)


def _bn_scale():
    return 1.0 / jnp.sqrt(jnp.float32(1.0) + jnp.float32(1e-5))


def _pack_bf16(v):
    bits = lax.bitcast_convert_type(v, jnp.uint32)
    c = v.shape[-1] // 2
    lo = (bits[:, 0:c] + jnp.uint32(0x8000)) >> jnp.uint32(16)
    hi = (bits[:, c:2 * c] + jnp.uint32(0x8000)) & jnp.uint32(0xFFFF0000)
    return lax.bitcast_convert_type(hi | lo, jnp.float32)


def _unpack_bf16(p):
    bits = lax.bitcast_convert_type(p, jnp.uint32)
    lo = lax.bitcast_convert_type(bits << jnp.uint32(16), jnp.float32)
    hi = lax.bitcast_convert_type(bits & jnp.uint32(0xFFFF0000), jnp.float32)
    return jnp.concatenate([lo, hi], axis=-1)


def _pre_body(feat_ref, coord_ref, fc1w_ref, wq_ref, bq_ref, wk_ref, bk_ref,
              wv_ref, bv_ref, ww1_ref, tbl_ref, ctr_ref):
    s0 = _bn_scale()
    bn = feat_ref.shape[0]
    x = _relu(s0 * _dot(feat_ref[...], fc1w_ref[...]))
    q = _relu(s0 * (_dot(x, wq_ref[...]) + bq_ref[...]))
    k = _relu(s0 * (_dot(x, wk_ref[...]) + bk_ref[...]))
    vp = _pack_bf16(_dot(x, wv_ref[...]) + bv_ref[...])
    kw = _dot(k, ww1_ref[...])
    qw = _dot(q, ww1_ref[...])
    coordb = coord_ref[...]
    pad5 = jnp.zeros((bn, 5), jnp.float32)
    tbl_ref[...] = jnp.concatenate(
        [vp, coordb, pad5, kw, jnp.zeros((bn, _TW - _OKW - _G), jnp.float32)],
        axis=1)
    ctr_ref[...] = jnp.concatenate([coordb, pad5, qw], axis=1)


def _pre(feat, coord, fc1w, Wq, bq, Wk, bk, Wv, bv, ww1):
    n, c = feat.shape
    g = ww1.shape[1]
    grid = (n // _BN,)
    full = lambda shape: pl.BlockSpec(shape, lambda i: (0, 0))
    blocked = lambda w: pl.BlockSpec((_BN, w), lambda i: (i, 0))
    return pl.pallas_call(
        _pre_body,
        grid=grid,
        in_specs=[blocked(c), blocked(3), full((c, c)), full((c, c)),
                  full((1, c)), full((c, c)), full((1, c)), full((c, c)),
                  full((1, c)), full((c, g))],
        out_specs=[blocked(_TW), blocked(_AW)],
        out_shape=[jax.ShapeDtypeStruct((n, _TW), jnp.float32),
                   jax.ShapeDtypeStruct((n, _AW), jnp.float32)],
        compiler_params=pltpu.CompilerParams(
            dimension_semantics=("parallel",)),
    )(feat, coord, fc1w, Wq, bq.reshape(1, c), Wk, bk.reshape(1, c), Wv,
      bv.reshape(1, c), ww1)


_NSLOT = 8
_LOOK = 6


def _make_gather(nch):
    epad = _NW * nch * _CHUNK

    def body(tbl_hbm, idx_hbm, tblg_out, idxall, vbuf, *sems):
        gsem = sems[:_NSLOT]
        wsem = sems[_NSLOT:]
        cid = lax.axis_index("c")
        sid = lax.axis_index("s")
        wid = sid * 2 + cid
        rowbase = wid * nch
        base = rowbase * _CHUNK

        pltpu.sync_copy(idx_hbm.at[pl.ds(rowbase, nch)], idxall)

        def start_g(slot, chunk):
            pltpu.async_copy(tbl_hbm.at[idxall.at[chunk]], vbuf.at[slot],
                             gsem[slot])

        def wait_g(slot, chunk):
            pltpu.make_async_copy(tbl_hbm.at[idxall.at[chunk]],
                                  vbuf.at[slot], gsem[slot]).wait()

        def start_w(slot, chunk):
            off = base + chunk * _CHUNK
            pltpu.async_copy(vbuf.at[slot], tblg_out.at[pl.ds(off, _CHUNK)],
                             wsem[slot])

        def wait_w(slot, chunk):
            off = base + chunk * _CHUNK
            pltpu.make_async_copy(vbuf.at[slot],
                                  tblg_out.at[pl.ds(off, _CHUNK)],
                                  wsem[slot]).wait()

        for c in range(_LOOK):
            start_g(c % _NSLOT, c)

        def loop(grp, carry):
            for j in range(_NSLOT):
                c = grp * _NSLOT + j
                wait_g(j, c)
                start_w(j, c)
                nj = (j + _LOOK) % _NSLOT

                @pl.when(c + _LOOK < nch)
                def _():
                    @pl.when(c >= _NSLOT - _LOOK)
                    def _():
                        wait_w(nj, c + _LOOK - _NSLOT)
                    start_g(nj, c + _LOOK)
            return carry

        lax.fori_loop(0, nch // _NSLOT, loop, 0)

        for i in range(_LOOK):
            wait_w(_NSLOT - _LOOK + i, nch - _LOOK + i)

    mesh = plsc.VectorSubcoreMesh(core_axis_name="c", subcore_axis_name="s")
    return pl.kernel(
        body,
        out_type=jax.ShapeDtypeStruct((epad, _TW), jnp.float32),
        mesh=mesh,
        scratch_types=([pltpu.VMEM((nch, _CHUNK), jnp.int32),
                        pltpu.VMEM((_NSLOT, _CHUNK, _TW), jnp.float32)]
                       + [pltpu.SemaphoreType.DMA] * (2 * _NSLOT)),
    )


def _gather(tbl, idx_grp, nch):
    return _make_gather(nch)(tbl, idx_grp)


def _post_body(tblg_ref, ctr_ref, feat_ref, pw1_ref, pb1_ref,
               pw2_ref, pb2_ref, ww1_ref, wb1_ref, ww2_ref, wb2_ref,
               fc3w_ref, out_ref):
    s0 = _bn_scale()
    bc, c = out_ref.shape
    k = _K
    g = _G
    e = bc * k

    tblg = tblg_ref[...]
    auxg = tblg[:, _OC:_OC + _AW]
    ctr = ctr_ref[...]
    crep = jnp.broadcast_to(ctr[:, None, :], (bc, k, _AW)).reshape(e, _AW)

    pos8 = auxg[:, 0:8] - crep[:, 0:8]
    h = _relu(s0 * (_dot(pos8, pw1_ref[...]) + pb1_ref[...]))
    peb = _dot(h, pw2_ref[...]) + pb2_ref[...]

    kwg = auxg[:, 8:16]
    qwr = crep[:, 8:16]
    lg = kwg - qwr + _dot(peb, ww1_ref[...]) + wb1_ref[...]
    t = _relu(s0 * lg)
    wl = (_dot(t, ww2_ref[...]) + wb2_ref[...]).reshape(bc, k, g)

    m = jnp.max(wl, axis=1, keepdims=True)
    ex = jnp.exp(wl - m)
    w = (ex / jnp.sum(ex, axis=1, keepdims=True)).reshape(e, g)

    gid = lax.broadcasted_iota(jnp.int32, (g, c), 0)
    chid = lax.broadcasted_iota(jnp.int32, (g, c), 1) // (c // g)
    rexp = (gid == chid).astype(jnp.float32)
    wexp = _dot(w, rexp)

    val = _unpack_bf16(tblg[:, 0:_OC]) + peb
    attn = jnp.sum((val * wexp).reshape(bc, k, c), axis=1)
    ao = _relu(s0 * attn)
    out_ref[...] = _relu(feat_ref[...] + s0 * _dot(ao, fc3w_ref[...]))


def _post(tblg, ctr, feat, pw1p, pb1, pw2, pb2, ww1, wb1, ww2, wb2, fc3w):
    n, c = feat.shape
    g = ww1.shape[1]
    grid = (n // _BC,)
    full = lambda shape: pl.BlockSpec(shape, lambda i: (0, 0))
    return pl.pallas_call(
        _post_body,
        grid=grid,
        in_specs=[pl.BlockSpec((_BC * _K, _TW), lambda i: (i, 0)),
                  pl.BlockSpec((_BC, _AW), lambda i: (i, 0)),
                  pl.BlockSpec((_BC, c), lambda i: (i, 0)),
                  full((8, c)), full((1, c)), full((c, c)), full((1, c)),
                  full((c, g)), full((1, g)), full((g, g)), full((1, g)),
                  full((c, c))],
        out_specs=pl.BlockSpec((_BC, c), lambda i: (i, 0)),
        out_shape=jax.ShapeDtypeStruct((n, c), jnp.float32),
        compiler_params=pltpu.CompilerParams(
            dimension_semantics=("parallel",)),
    )(tblg, ctr, feat, pw1p, pb1.reshape(1, c), pw2, pb2.reshape(1, c),
      ww1, wb1.reshape(1, g), ww2, wb2.reshape(1, g), fc3w)


def kernel(feat, coord, reference_index, Wq, bq, Wk, bk, Wv, bv, pw1, pb1,
           pw2, pb2, ww1, wb1, ww2, wb2, fc1w, fc3w):
    n, c = feat.shape
    k = reference_index.shape[1]

    tbl, ctr = _pre(feat, coord, fc1w, Wq, bq, Wk, bk, Wv, bv, ww1)

    idx_flat = reference_index.reshape(-1).astype(jnp.int32)
    pw1p = jnp.pad(pw1, ((0, 5), (0, 0)))

    splits = (5000, 5000)
    gathered = []
    n0 = 0
    for ns in splits:
        e0, e1 = n0 * k, (n0 + ns) * k
        nch = -(-(e1 - e0) // (_NW * _CHUNK * _NSLOT)) * _NSLOT
        epad = _NW * nch * _CHUNK
        idx_i = jnp.concatenate(
            [idx_flat[e0:e1],
             jnp.zeros((epad - (e1 - e0),), jnp.int32)]).reshape(-1, _CHUNK)
        gathered.append((_gather(tbl, idx_i, nch), n0, ns))
        n0 += ns

    outs = []
    for tblg_i, n0, ns in gathered:
        outs.append(_post(tblg_i, ctr[n0:n0 + ns], feat[n0:n0 + ns], pw1p,
                          pb1, pw2, pb2, ww1, wb1, ww2, wb2, fc3w))
    return jnp.concatenate(outs, axis=0)

# --- scband reference (transcript-rebuilt; emitter-appended) ---
"""Pipeline reference for scband-retro-fpn-52218212384897 (READ-ONLY COPY).

The authoritative reference and input builder live on the scoring server;
editing this copy changes nothing except your own understanding.
"""

import jax, jax.numpy as jnp
import numpy as np

N, K, C, G = 10000, 16, 128, 8
EPS = 1e-5

def _bn(x):
    # BatchNorm1d in eval mode with running_mean=0, running_var=1, gamma=1, beta=0
    return x / jnp.sqrt(1.0 + EPS)

def setup_inputs(seed: int = 0):
    key = jax.random.key(seed)
    ks = jax.random.split(key, 20)
    s = 1.0 / np.sqrt(C)
    inp = {}
    inp['feat'] = jax.random.normal(ks[0], (N, C), dtype=jnp.float32)
    inp['coord'] = jax.random.uniform(ks[1], (N, 3), dtype=jnp.float32) * 10.0
    inp['reference_index'] = jax.random.randint(ks[2], (N, K), 0, N, dtype=jnp.int32)
    inp['Wq'] = jax.random.normal(ks[3], (C, C), dtype=jnp.float32) * s
    inp['bq'] = jnp.zeros((C,), jnp.float32)
    inp['Wk'] = jax.random.normal(ks[4], (C, C), dtype=jnp.float32) * s
    inp['bk'] = jnp.zeros((C,), jnp.float32)
    inp['Wv'] = jax.random.normal(ks[5], (C, C), dtype=jnp.float32) * s
    inp['bv'] = jnp.zeros((C,), jnp.float32)
    inp['pw1'] = jax.random.normal(ks[6], (3, C), dtype=jnp.float32) * 0.5
    inp['pb1'] = jnp.zeros((C,), jnp.float32)
    inp['pw2'] = jax.random.normal(ks[7], (C, C), dtype=jnp.float32) * s
    inp['pb2'] = jnp.zeros((C,), jnp.float32)
    inp['ww1'] = jax.random.normal(ks[8], (C, G), dtype=jnp.float32) * s
    inp['wb1'] = jnp.zeros((G,), jnp.float32)
    inp['ww2'] = jax.random.normal(ks[9], (G, G), dtype=jnp.float32) * (1.0 / np.sqrt(G))
    inp['wb2'] = jnp.zeros((G,), jnp.float32)
    inp['fc1w'] = jax.random.normal(ks[10], (C, C), dtype=jnp.float32) * s
    inp['fc3w'] = jax.random.normal(ks[11], (C, C), dtype=jnp.float32) * s
    return inp

def _forward(feat, coord, Wq, bq, Wk, bk, Wv, bv, pw1, pb1, pw2, pb2, ww1, wb1, ww2, wb2, fc1w, fc3w, reference_index):
    identity = feat
    # Block: feat = act(norm1(fc1(feat)))
    x = jax.nn.relu(_bn(feat @ fc1w))
    # GroupedVectorAttention
    q = jax.nn.relu(_bn(x @ Wq + bq))
    k = jax.nn.relu(_bn(x @ Wk + bk))
    v = x @ Wv + bv
    idx = reference_index
    # pointops.grouping(with_xyz=True): gather neighbors + relative xyz
    key_g = jnp.take(k, idx, axis=0)            # [N, K, C]
    val = jnp.take(v, idx, axis=0)              # [N, K, C]
    pos = jnp.take(coord, idx, axis=0) - coord[:, None, :]  # relative coords [N, K, 3]
    rel = key_g - q[:, None, :]
    # pe_bias branch
    peb = jax.nn.relu(_bn(pos @ pw1 + pb1)) @ pw2 + pb2
    rel = rel + peb
    val = val + peb
    # weight encoding -> softmax over neighbor axis
    w = jax.nn.relu(_bn(rel @ ww1 + wb1)) @ ww2 + wb2   # [N, K, G]
    w = jax.nn.softmax(w, axis=1)
    mask = jnp.sign(idx + 1).astype(w.dtype)
    w = w * mask[:, :, None]
    val_g = val.reshape(N, K, G, C // G)
    attn = jnp.einsum('nsgi,nsg->ngi', val_g, w).reshape(N, C)
    # Block tail
    attn = jax.nn.relu(_bn(attn))
    out = _bn(attn @ fc3w)
    return jax.nn.relu(identity + out)

def reference(feat, coord, reference_index, Wq, bq, Wk, bk, Wv, bv, pw1, pb1, pw2, pb2, ww1, wb1, ww2, wb2, fc1w, fc3w):
    return _forward(feat, coord, Wq, bq, Wk, bk, Wv, bv, pw1, pb1, pw2, pb2, ww1, wb1, ww2, wb2, fc1w, fc3w, reference_index)

if __name__ == "__main__":
    import jax
    _d = setup_inputs()
    print(jax.jit(kernel)(*tuple(_d.values())))

</pallas_src>

<mosaic_0001>
#map = affine_map<(d0, d1) -> (0, 0)>
module attributes {stable_mosaic.version = 14 : i64} {
  func.func @body(%arg0: i32, %arg1: i32, %arg2: memref<10000x128xf32, #tpu.memory_space<hbm>>, %arg3: memref<2048x40xi32, #tpu.memory_space<hbm>>, %arg4: memref<81920x128xf32, #tpu.memory_space<hbm>>, %arg5: memref<64x40xi32, #tpu.memory_space<vmem>>, %arg6: memref<8x40x128xf32, #tpu.memory_space<vmem>>, %arg7: memref<!tpu.dma_semaphore, #tpu.memory_space<semaphore_mem>>, %arg8: memref<!tpu.dma_semaphore, #tpu.memory_space<semaphore_mem>>, %arg9: memref<!tpu.dma_semaphore, #tpu.memory_space<semaphore_mem>>, %arg10: memref<!tpu.dma_semaphore, #tpu.memory_space<semaphore_mem>>, %arg11: memref<!tpu.dma_semaphore, #tpu.memory_space<semaphore_mem>>, %arg12: memref<!tpu.dma_semaphore, #tpu.memory_space<semaphore_mem>>, %arg13: memref<!tpu.dma_semaphore, #tpu.memory_space<semaphore_mem>>, %arg14: memref<!tpu.dma_semaphore, #tpu.memory_space<semaphore_mem>>, %arg15: memref<!tpu.dma_semaphore, #tpu.memory_space<semaphore_mem>>, %arg16: memref<!tpu.dma_semaphore, #tpu.memory_space<semaphore_mem>>, %arg17: memref<!tpu.dma_semaphore, #tpu.memory_space<semaphore_mem>>, %arg18: memref<!tpu.dma_semaphore, #tpu.memory_space<semaphore_mem>>, %arg19: memref<!tpu.dma_semaphore, #tpu.memory_space<semaphore_mem>>, %arg20: memref<!tpu.dma_semaphore, #tpu.memory_space<semaphore_mem>>, %arg21: memref<!tpu.dma_semaphore, #tpu.memory_space<semaphore_mem>>, %arg22: memref<!tpu.dma_semaphore, #tpu.memory_space<semaphore_mem>>) attributes {dimension_semantics = [#tpu.dimension_semantics<core_parallel>, #tpu.dimension_semantics<subcore_parallel>], iteration_bounds = array<i64: 2, 16>, scalar_prefetch = 0 : i64, scratch_operands = 18 : i64, tpu.core_type = #tpu.core_type<sc_vector_subcore>, window_params = [{transform_indices = #map}, {transform_indices = #map}, {transform_indices = #map}]} {
    %mul3A = arith.constant 2 : i32
    %mul3A_0 = arith.muli %arg1, %mul3A : i32
    %add3A = arith.addi %mul3A_0, %arg0 : i32
    %mul3A_1 = arith.constant 64 : i32
    %mul3A_2 = arith.muli %add3A, %mul3A_1 : i32
    %mul3A_3 = arith.constant 40 : i32
    %mul3A_4 = arith.muli %mul3A_2, %mul3A_3 : i32
    "tpu.region"() ({
      %run_scoped3A = tpu.sem_alloc : memref<!tpu.dma_semaphore, #tpu.memory_space<semaphore_mem>>
      %dma_start3A_170 = arith.constant 0 : i32
      %dma_start3A_171 = tpu.memref_slice %arg3[%mul3A_2, %dma_start3A_170] : memref<2048x40xi32, #tpu.memory_space<hbm>> -> memref<64x40xi32, #tpu.memory_space<hbm>>
      %dma_start3A_172 = arith.constant 0 : i32
      %dma_start3A_173 = tpu.memref_slice %arg3[%mul3A_2, %dma_start3A_172] : memref<2048x40xi32, #tpu.memory_space<hbm>> -> memref<64x40xi32, #tpu.memory_space<hbm>>
      tpu.enqueue_dma source(%dma_start3A_173 : memref<64x40xi32, #tpu.memory_space<hbm>>) target(%arg5 : memref<64x40xi32, #tpu.memory_space<vmem>>) target_semaphore(%run_scoped3A : memref<!tpu.dma_semaphore, #tpu.memory_space<semaphore_mem>>)
      %dma_wait3A_174 = arith.constant 0 : i32
      %dma_wait3A_175 = tpu.memref_slice %arg3[%mul3A_2, %dma_wait3A_174] : memref<2048x40xi32, #tpu.memory_space<hbm>> -> memref<64x40xi32, #tpu.memory_space<hbm>>
      %dma_wait3A_176 = arith.constant 0 : i32
      %dma_wait3A_177 = tpu.memref_slice %arg3[%mul3A_2, %dma_wait3A_176] : memref<2048x40xi32, #tpu.memory_space<hbm>> -> memref<64x40xi32, #tpu.memory_space<hbm>>
      tpu.wait_dma2 semaphore(%run_scoped3A : memref<!tpu.dma_semaphore, #tpu.memory_space<semaphore_mem>>) src(%dma_wait3A_177 : memref<64x40xi32, #tpu.memory_space<hbm>>) dst(%arg5 : memref<64x40xi32, #tpu.memory_space<vmem>>)
      tpu.yield
    }) : () -> ()
    %dma_start3A = arith.constant 0 : i32
    %dma_start3A_5 = arith.constant 0 : i32
    %dma_start3A_6 = arith.constant 0 : i32
    %dma_start3A_7 = arith.constant 0 : i32
    %dma_start3A_8 = tpu.memref_slice %arg6[%dma_start3A_5, %dma_start3A_6, %dma_start3A_7] : memref<8x40x128xf32, #tpu.memory_space<vmem>> -> memref<1x40x128xf32, #tpu.memory_space<vmem>>
    %dma_start3A_9 = tpu.memref_squeeze %dma_start3A_8 : memref<1x40x128xf32, #tpu.memory_space<vmem>> -> memref<40x128xf32, #tpu.memory_space<vmem>>
    %dma_start3A_10 = arith.constant 0 : i32
    %dma_start3A_11 = tpu.memref_slice %arg5[%dma_start3A, %dma_start3A_10] : memref<64x40xi32, #tpu.memory_space<vmem>> -> memref<1x40xi32, #tpu.memory_space<vmem>>
    %dma_start3A_12 = tpu.memref_squeeze %dma_start3A_11 : memref<1x40xi32, #tpu.memory_space<vmem>> -> memref<40xi32, #tpu.memory_space<vmem>>
    %dma_start3A_13 = arith.constant 0 : i32
    %dma_start3A_14 = arith.constant 0 : i32
    %dma_start3A_15 = tpu.memref_slice %arg2[%dma_start3A_13, %dma_start3A_14] : memref<10000x128xf32, #tpu.memory_space<hbm>> -> memref<10000x128xf32, #tpu.memory_space<hbm>>
    tpu.enqueue_indirect_dma source(%dma_start3A_15 : memref<10000x128xf32, #tpu.memory_space<hbm>>) target(%dma_start3A_9 : memref<40x128xf32, #tpu.memory_space<vmem>>) offsets(%dma_start3A_12 : memref<40xi32, #tpu.memory_space<vmem>>) semaphore(%arg7 : memref<!tpu.dma_semaphore, #tpu.memory_space<semaphore_mem>>)
    %dma_start3A_16 = arith.constant 1 : i32
    %dma_start3A_17 = arith.constant 1 : i32
    %dma_start3A_18 = arith.constant 0 : i32
    %dma_start3A_19 = arith.constant 0 : i32
    %dma_start3A_20 = tpu.memref_slice %arg6[%dma_start3A_17, %dma_start3A_18, %dma_start3A_19] : memref<8x40x128xf32, #tpu.memory_space<vmem>> -> memref<1x40x128xf32, #tpu.memory_space<vmem>>
    %dma_start3A_21 = tpu.memref_squeeze %dma_start3A_20 : memref<1x40x128xf32, #tpu.memory_space<vmem>> -> memref<40x128xf32, #tpu.memory_space<vmem>>
    %dma_start3A_22 = arith.constant 0 : i32
    %dma_start3A_23 = tpu.memref_slice %arg5[%dma_start3A_16, %dma_start3A_22] : memref<64x40xi32, #tpu.memory_space<vmem>> -> memref<1x40xi32, #tpu.memory_space<vmem>>
    %dma_start3A_24 = tpu.memref_squeeze %dma_start3A_23 : memref<1x40xi32, #tpu.memory_space<vmem>> -> memref<40xi32, #tpu.memory_space<vmem>>
    %dma_start3A_25 = arith.constant 0 : i32
    %dma_start3A_26 = arith.constant 0 : i32
    %dma_start3A_27 = tpu.memref_slice %arg2[%dma_start3A_25, %dma_start3A_26] : memref<10000x128xf32, #tpu.memory_space<hbm>> -> memref<10000x128xf32, #tpu.memory_space<hbm>>
    tpu.enqueue_indirect_dma source(%dma_start3A_27 : memref<10000x128xf32, #tpu.memory_space<hbm>>) target(%dma_start3A_21 : memref<40x128xf32, #tpu.memory_space<vmem>>) offsets(%dma_start3A_24 : memref<40xi32, #tpu.memory_space<vmem>>) semaphore(%arg8 : memref<!tpu.dma_semaphore, #tpu.memory_space<semaphore_mem>>)
    %dma_start3A_28 = arith.constant 2 : i32
    %dma_start3A_29 = arith.constant 2 : i32
    %dma_start3A_30 = arith.constant 0 : i32
    %dma_start3A_31 = arith.constant 0 : i32
    %dma_start3A_32 = tpu.memref_slice %arg6[%dma_start3A_29, %dma_start3A_30, %dma_start3A_31] : memref<8x40x128xf32, #tpu.memory_space<vmem>> -> memref<1x40x128xf32, #tpu.memory_space<vmem>>
    %dma_start3A_33 = tpu.memref_squeeze %dma_start3A_32 : memref<1x40x128xf32, #tpu.memory_space<vmem>> -> memref<40x128xf32, #tpu.memory_space<vmem>>
    %dma_start3A_34 = arith.constant 0 : i32
    %dma_start3A_35 = tpu.memref_slice %arg5[%dma_start3A_28, %dma_start3A_34] : memref<64x40xi32, #tpu.memory_space<vmem>> -> memref<1x40xi32, #tpu.memory_space<vmem>>
    %dma_start3A_36 = tpu.memref_squeeze %dma_start3A_35 : memref<1x40xi32, #tpu.memory_space<vmem>> -> memref<40xi32, #tpu.memory_space<vmem>>
    %dma_start3A_37 = arith.constant 0 : i32
    %dma_start3A_38 = arith.constant 0 : i32
    %dma_start3A_39 = tpu.memref_slice %arg2[%dma_start3A_37, %dma_start3A_38] : memref<10000x128xf32, #tpu.memory_space<hbm>> -> memref<10000x128xf32, #tpu.memory_space<hbm>>
    tpu.enqueue_indirect_dma source(%dma_start3A_39 : memref<10000x128xf32, #tpu.memory_space<hbm>>) target(%dma_start3A_33 : memref<40x128xf32, #tpu.memory_space<vmem>>) offsets(%dma_start3A_36 : memref<40xi32, #tpu.memory_space<vmem>>) semaphore(%arg9 : memref<!tpu.dma_semaphore, #tpu.memory_space<semaphore_mem>>)
    %dma_start3A_40 = arith.constant 3 : i32
    %dma_start3A_41 = arith.constant 3 : i32
    %dma_start3A_42 = arith.constant 0 : i32
    %dma_start3A_43 = arith.constant 0 : i32
    %dma_start3A_44 = tpu.memref_slice %arg6[%dma_start3A_41, %dma_start3A_42, %dma_start3A_43] : memref<8x40x128xf32, #tpu.memory_space<vmem>> -> memref<1x40x128xf32, #tpu.memory_space<vmem>>
    %dma_start3A_45 = tpu.memref_squeeze %dma_start3A_44 : memref<1x40x128xf32, #tpu.memory_space<vmem>> -> memref<40x128xf32, #tpu.memory_space<vmem>>
    %dma_start3A_46 = arith.constant 0 : i32
    %dma_start3A_47 = tpu.memref_slice %arg5[%dma_start3A_40, %dma_start3A_46] : memref<64x40xi32, #tpu.memory_space<vmem>> -> memref<1x40xi32, #tpu.memory_space<vmem>>
    %dma_start3A_48 = tpu.memref_squeeze %dma_start3A_47 : memref<1x40xi32, #tpu.memory_space<vmem>> -> memref<40xi32, #tpu.memory_space<vmem>>
    %dma_start3A_49 = arith.constant 0 : i32
    %dma_start3A_50 = arith.constant 0 : i32
    %dma_start3A_51 = tpu.memref_slice %arg2[%dma_start3A_49, %dma_start3A_50] : memref<10000x128xf32, #tpu.memory_space<hbm>> -> memref<10000x128xf32, #tpu.memory_space<hbm>>
    tpu.enqueue_indirect_dma source(%dma_start3A_51 : memref<10000x128xf32, #tpu.memory_space<hbm>>) target(%dma_start3A_45 : memref<40x128xf32, #tpu.memory_space<vmem>>) offsets(%dma_start3A_48 : memref<40xi32, #tpu.memory_space<vmem>>) semaphore(%arg10 : memref<!tpu.dma_semaphore, #tpu.memory_space<semaphore_mem>>)
    %dma_start3A_52 = arith.constant 4 : i32
    %dma_start3A_53 = arith.constant 4 : i32
    %dma_start3A_54 = arith.constant 0 : i32
    %dma_start3A_55 = arith.constant 0 : i32
    %dma_start3A_56 = tpu.memref_slice %arg6[%dma_start3A_53, %dma_start3A_54, %dma_start3A_55] : memref<8x40x128xf32, #tpu.memory_space<vmem>> -> memref<1x40x128xf32, #tpu.memory_space<vmem>>
    %dma_start3A_57 = tpu.memref_squeeze %dma_start3A_56 : memref<1x40x128xf32, #tpu.memory_space<vmem>> -> memref<40x128xf32, #tpu.memory_space<vmem>>
    %dma_start3A_58 = arith.constant 0 : i32
    %dma_start3A_59 = tpu.memref_slice %arg5[%dma_start3A_52, %dma_start3A_58] : memref<64x40xi32, #tpu.memory_space<vmem>> -> memref<1x40xi32, #tpu.memory_space<vmem>>
    %dma_start3A_60 = tpu.memref_squeeze %dma_start3A_59 : memref<1x40xi32, #tpu.memory_space<vmem>> -> memref<40xi32, #tpu.memory_space<vmem>>
    %dma_start3A_61 = arith.constant 0 : i32
    %dma_start3A_62 = arith.constant 0 : i32
    %dma_start3A_63 = tpu.memref_slice %arg2[%dma_start3A_61, %dma_start3A_62] : memref<10000x128xf32, #tpu.memory_space<hbm>> -> memref<10000x128xf32, #tpu.memory_space<hbm>>
    tpu.enqueue_indirect_dma source(%dma_start3A_63 : memref<10000x128xf32, #tpu.memory_space<hbm>>) target(%dma_start3A_57 : memref<40x128xf32, #tpu.memory_space<vmem>>) offsets(%dma_start3A_60 : memref<40xi32, #tpu.memory_space<vmem>>) semaphore(%arg11 : memref<!tpu.dma_semaphore, #tpu.memory_space<semaphore_mem>>)
    %dma_start3A_64 = arith.constant 5 : i32
    %dma_start3A_65 = arith.constant 5 : i32
    %dma_start3A_66 = arith.constant 0 : i32
    %dma_start3A_67 = arith.constant 0 : i32
    %dma_start3A_68 = tpu.memref_slice %arg6[%dma_start3A_65, %dma_start3A_66, %dma_start3A_67] : memref<8x40x128xf32, #tpu.memory_space<vmem>> -> memref<1x40x128xf32, #tpu.memory_space<vmem>>
    %dma_start3A_69 = tpu.memref_squeeze %dma_start3A_68 : memref<1x40x128xf32, #tpu.memory_space<vmem>> -> memref<40x128xf32, #tpu.memory_space<vmem>>
    %dma_start3A_70 = arith.constant 0 : i32
    %dma_start3A_71 = tpu.memref_slice %arg5[%dma_start3A_64, %dma_start3A_70] : memref<64x40xi32, #tpu.memory_space<vmem>> -> memref<1x40xi32, #tpu.memory_space<vmem>>
    %dma_start3A_72 = tpu.memref_squeeze %dma_start3A_71 : memref<1x40xi32, #tpu.memory_space<vmem>> -> memref<40xi32, #tpu.memory_space<vmem>>
    %dma_start3A_73 = arith.constant 0 : i32
    %dma_start3A_74 = arith.constant 0 : i32
    %dma_start3A_75 = tpu.memref_slice %arg2[%dma_start3A_73, %dma_start3A_74] : memref<10000x128xf32, #tpu.memory_space<hbm>> -> memref<10000x128xf32, #tpu.memory_space<hbm>>
    tpu.enqueue_indirect_dma source(%dma_start3A_75 : memref<10000x128xf32, #tpu.memory_space<hbm>>) target(%dma_start3A_69 : memref<40x128xf32, #tpu.memory_space<vmem>>) offsets(%dma_start3A_72 : memref<40xi32, #tpu.memory_space<vmem>>) semaphore(%arg12 : memref<!tpu.dma_semaphore, #tpu.memory_space<semaphore_mem>>)
    %scan3A = arith.constant 0 : i32
    %scan3A_76 = arith.constant 0 : i32
    %scan3A_77 = arith.constant 8 : i32
    %scan3A_78 = arith.addi %scan3A_76, %scan3A_77 : i32
    %scan3A_79 = arith.constant 1 : i32
    scf.for %scan3A_170 = %scan3A_76 to %scan3A_78 step %scan3A_79  : i32 {
      %mul3A_171 = arith.constant 8 : i32
      %mul3A_172 = arith.muli %scan3A_170, %mul3A_171 : i32
      %add3A_173 = arith.constant 0 : i32
      %add3A_174 = arith.addi %mul3A_172, %add3A_173 : i32
      %dma_wait3A_175 = arith.constant 0 : i32
      %dma_wait3A_176 = arith.constant 0 : i32
      %dma_wait3A_177 = arith.constant 0 : i32
      %dma_wait3A_178 = tpu.memref_slice %arg6[%dma_wait3A_175, %dma_wait3A_176, %dma_wait3A_177] : memref<8x40x128xf32, #tpu.memory_space<vmem>> -> memref<1x40x128xf32, #tpu.memory_space<vmem>>
      %dma_wait3A_179 = tpu.memref_squeeze %dma_wait3A_178 : memref<1x40x128xf32, #tpu.memory_space<vmem>> -> memref<40x128xf32, #tpu.memory_space<vmem>>
      %dma_wait3A_180 = arith.constant 0 : i32
      %dma_wait3A_181 = tpu.memref_slice %arg5[%add3A_174, %dma_wait3A_180] : memref<64x40xi32, #tpu.memory_space<vmem>> -> memref<1x40xi32, #tpu.memory_space<vmem>>
      %dma_wait3A_182 = tpu.memref_squeeze %dma_wait3A_181 : memref<1x40xi32, #tpu.memory_space<vmem>> -> memref<40xi32, #tpu.memory_space<vmem>>
      %dma_wait3A_183 = arith.constant 0 : i32
      %dma_wait3A_184 = arith.constant 0 : i32
      %dma_wait3A_185 = tpu.memref_slice %arg2[%dma_wait3A_183, %dma_wait3A_184] : memref<10000x128xf32, #tpu.memory_space<hbm>> -> memref<10000x128xf32, #tpu.memory_space<hbm>>
      tpu.wait_indirect_dma semaphore(%arg7 : memref<!tpu.dma_semaphore, #tpu.memory_space<semaphore_mem>>) src(%dma_wait3A_185 : memref<10000x128xf32, #tpu.memory_space<hbm>>) dst(%dma_wait3A_179 : memref<40x128xf32, #tpu.memory_space<vmem>>)
      %mul3A_186 = arith.constant 40 : i32
      %mul3A_187 = arith.muli %add3A_174, %mul3A_186 : i32
      %add3A_188 = arith.addi %mul3A_4, %mul3A_187 : i32
      %dma_start3A_189 = arith.constant 0 : i32
      %dma_start3A_190 = arith.constant 0 : i32
      %dma_start3A_191 = arith.constant 0 : i32
      %dma_start3A_192 = tpu.memref_slice %arg6[%dma_start3A_189, %dma_start3A_190, %dma_start3A_191] : memref<8x40x128xf32, #tpu.memory_space<vmem>> -> memref<1x40x128xf32, #tpu.memory_space<vmem>>
      %dma_start3A_193 = tpu.memref_squeeze %dma_start3A_192 : memref<1x40x128xf32, #tpu.memory_space<vmem>> -> memref<40x128xf32, #tpu.memory_space<vmem>>
      %dma_start3A_194 = arith.constant 0 : i32
      %dma_start3A_195 = tpu.memref_slice %arg4[%add3A_188, %dma_start3A_194] : memref<81920x128xf32, #tpu.memory_space<hbm>> -> memref<40x128xf32, #tpu.memory_space<hbm>>
      %dma_start3A_196 = arith.constant 0 : i32
      %dma_start3A_197 = tpu.memref_slice %arg4[%add3A_188, %dma_start3A_196] : memref<81920x128xf32, #tpu.memory_space<hbm>> -> memref<40x128xf32, #tpu.memory_space<hbm>>
      %dma_start3A_198 = arith.constant 0 : i32
      %dma_start3A_199 = arith.constant 0 : i32
      %dma_start3A_200 = tpu.memref_slice %arg6[%dma_start3A_189, %dma_start3A_198, %dma_start3A_199] : memref<8x40x128xf32, #tpu.memory_space<vmem>> -> memref<1x40x128xf32, #tpu.memory_space<vmem>>
      %dma_start3A_201 = tpu.memref_squeeze %dma_start3A_200 : memref<1x40x128xf32, #tpu.memory_space<vmem>> -> memref<40x128xf32, #tpu.memory_space<vmem>>
      tpu.enqueue_dma source(%dma_start3A_201 : memref<40x128xf32, #tpu.memory_space<vmem>>) target(%dma_start3A_197 : memref<40x128xf32, #tpu.memory_space<hbm>>) target_semaphore(%arg15 : memref<!tpu.dma_semaphore, #tpu.memory_space<semaphore_mem>>)
      %add3A_202 = arith.constant 6 : i32
      %add3A_203 = arith.addi %add3A_174, %add3A_202 : i32
      %lt3A = arith.constant 64 : i32
      %lt3A_204 = arith.cmpi slt, %add3A_203, %lt3A : i32
      %convert_element_type3A = arith.extui %lt3A_204 : i1 to i32
      %cond3A = arith.constant 0 : i32
      %cond3A_205 = arith.cmpi ne, %convert_element_type3A, %cond3A : i32
      scf.if %cond3A_205 {
        %ge3A = arith.constant 2 : i32
        %ge3A_472 = arith.cmpi sge, %add3A_174, %ge3A : i32
        %convert_element_type3A_473 = arith.extui %ge3A_472 : i1 to i32
        %cond3A_474 = arith.constant 0 : i32
        %cond3A_475 = arith.cmpi ne, %convert_element_type3A_473, %cond3A_474 : i32
        scf.if %cond3A_475 {
          %add3A_489 = arith.constant 6 : i32
          %add3A_490 = arith.addi %add3A_174, %add3A_489 : i32
          %sub3A = arith.constant 8 : i32
          %sub3A_491 = arith.subi %add3A_490, %sub3A : i32
          %mul3A_492 = arith.constant 40 : i32
          %mul3A_493 = arith.muli %sub3A_491, %mul3A_492 : i32
          %add3A_494 = arith.addi %mul3A_4, %mul3A_493 : i32
          %dma_wait3A_495 = arith.constant 6 : i32
          %dma_wait3A_496 = arith.constant 0 : i32
          %dma_wait3A_497 = arith.constant 0 : i32
          %dma_wait3A_498 = tpu.memref_slice %arg6[%dma_wait3A_495, %dma_wait3A_496, %dma_wait3A_497] : memref<8x40x128xf32, #tpu.memory_space<vmem>> -> memref<1x40x128xf32, #tpu.memory_space<vmem>>
          %dma_wait3A_499 = tpu.memref_squeeze %dma_wait3A_498 : memref<1x40x128xf32, #tpu.memory_space<vmem>> -> memref<40x128xf32, #tpu.memory_space<vmem>>
          %dma_wait3A_500 = arith.constant 0 : i32
          %dma_wait3A_501 = tpu.memref_slice %arg4[%add3A_494, %dma_wait3A_500] : memref<81920x128xf32, #tpu.memory_space<hbm>> -> memref<40x128xf32, #tpu.memory_space<hbm>>
          %dma_wait3A_502 = arith.constant 0 : i32
          %dma_wait3A_503 = tpu.memref_slice %arg4[%add3A_494, %dma_wait3A_502] : memref<81920x128xf32, #tpu.memory_space<hbm>> -> memref<40x128xf32, #tpu.memory_space<hbm>>
          %dma_wait3A_504 = arith.constant 0 : i32
          %dma_wait3A_505 = arith.constant 0 : i32
          %dma_wait3A_506 = tpu.memref_slice %arg6[%dma_wait3A_495, %dma_wait3A_504, %dma_wait3A_505] : memref<8x40x128xf32, #tpu.memory_space<vmem>> -> memref<1x40x128xf32, #tpu.memory_space<vmem>>
          %dma_wait3A_507 = tpu.memref_squeeze %dma_wait3A_506 : memref<1x40x128xf32, #tpu.memory_space<vmem>> -> memref<40x128xf32, #tpu.memory_space<vmem>>
          tpu.wait_dma2 semaphore(%arg21 : memref<!tpu.dma_semaphore, #tpu.memory_space<semaphore_mem>>) src(%dma_wait3A_507 : memref<40x128xf32, #tpu.memory_space<vmem>>) dst(%dma_wait3A_503 : memref<40x128xf32, #tpu.memory_space<hbm>>)
        } else {
        }
        %add3A_476 = arith.constant 6 : i32
        %add3A_477 = arith.addi %add3A_174, %add3A_476 : i32
        %dma_start3A_478 = arith.constant 6 : i32
        %dma_start3A_479 = arith.constant 0 : i32
        %dma_start3A_480 = arith.constant 0 : i32
        %dma_start3A_481 = tpu.memref_slice %arg6[%dma_start3A_478, %dma_start3A_479, %dma_start3A_480] : memref<8x40x128xf32, #tpu.memory_space<vmem>> -> memref<1x40x128xf32, #tpu.memory_space<vmem>>
        %dma_start3A_482 = tpu.memref_squeeze %dma_start3A_481 : memref<1x40x128xf32, #tpu.memory_space<vmem>> -> memref<40x128xf32, #tpu.memory_space<vmem>>
        %dma_start3A_483 = arith.constant 0 : i32
        %dma_start3A_484 = tpu.memref_slice %arg5[%add3A_477, %dma_start3A_483] : memref<64x40xi32, #tpu.memory_space<vmem>> -> memref<1x40xi32, #tpu.memory_space<vmem>>
        %dma_start3A_485 = tpu.memref_squeeze %dma_start3A_484 : memref<1x40xi32, #tpu.memory_space<vmem>> -> memref<40xi32, #tpu.memory_space<vmem>>
        %dma_start3A_486 = arith.constant 0 : i32
        %dma_start3A_487 = arith.constant 0 : i32
        %dma_start3A_488 = tpu.memref_slice %arg2[%dma_start3A_486, %dma_start3A_487] : memref<10000x128xf32, #tpu.memory_space<hbm>> -> memref<10000x128xf32, #tpu.memory_space<hbm>>
        tpu.enqueue_indirect_dma source(%dma_start3A_488 : memref<10000x128xf32, #tpu.memory_space<hbm>>) target(%dma_start3A_482 : memref<40x128xf32, #tpu.memory_space<vmem>>) offsets(%dma_start3A_485 : memref<40xi32, #tpu.memory_space<vmem>>) semaphore(%arg13 : memref<!tpu.dma_semaphore, #tpu.memory_space<semaphore_mem>>)
      } else {
      }
      %mul3A_206 = arith.constant 8 : i32
      %mul3A_207 = arith.muli %scan3A_170, %mul3A_206 : i32
      %add3A_208 = arith.constant 1 : i32
      %add3A_209 = arith.addi %mul3A_207, %add3A_208 : i32
      %dma_wait3A_210 = arith.constant 1 : i32
      %dma_wait3A_211 = arith.constant 0 : i32
      %dma_wait3A_212 = arith.constant 0 : i32
      %dma_wait3A_213 = tpu.memref_slice %arg6[%dma_wait3A_210, %dma_wait3A_211, %dma_wait3A_212] : memref<8x40x128xf32, #tpu.memory_space<vmem>> -> memref<1x40x128xf32, #tpu.memory_space<vmem>>
      %dma_wait3A_214 = tpu.memref_squeeze %dma_wait3A_213 : memref<1x40x128xf32, #tpu.memory_space<vmem>> -> memref<40x128xf32, #tpu.memory_space<vmem>>
      %dma_wait3A_215 = arith.constant 0 : i32
      %dma_wait3A_216 = tpu.memref_slice %arg5[%add3A_209, %dma_wait3A_215] : memref<64x40xi32, #tpu.memory_space<vmem>> -> memref<1x40xi32, #tpu.memory_space<vmem>>
      %dma_wait3A_217 = tpu.memref_squeeze %dma_wait3A_216 : memref<1x40xi32, #tpu.memory_space<vmem>> -> memref<40xi32, #tpu.memory_space<vmem>>
      %dma_wait3A_218 = arith.constant 0 : i32
      %dma_wait3A_219 = arith.constant 0 : i32
      %dma_wait3A_220 = tpu.memref_slice %arg2[%dma_wait3A_218, %dma_wait3A_219] : memref<10000x128xf32, #tpu.memory_space<hbm>> -> memref<10000x128xf32, #tpu.memory_space<hbm>>
      tpu.wait_indirect_dma semaphore(%arg8 : memref<!tpu.dma_semaphore, #tpu.memory_space<semaphore_mem>>) src(%dma_wait3A_220 : memref<10000x128xf32, #tpu.memory_space<hbm>>) dst(%dma_wait3A_214 : memref<40x128xf32, #tpu.memory_space<vmem>>)
      %mul3A_221 = arith.constant 40 : i32
      %mul3A_222 = arith.muli %add3A_209, %mul3A_221 : i32
      %add3A_223 = arith.addi %mul3A_4, %mul3A_222 : i32
      %dma_start3A_224 = arith.constant 1 : i32
      %dma_start3A_225 = arith.constant 0 : i32
      %dma_start3A_226 = arith.constant 0 : i32
      %dma_start3A_227 = tpu.memref_slice %arg6[%dma_start3A_224, %dma_start3A_225, %dma_start3A_226] : memref<8x40x128xf32, #tpu.memory_space<vmem>> -> memref<1x40x128xf32, #tpu.memory_space<vmem>>
      %dma_start3A_228 = tpu.memref_squeeze %dma_start3A_227 : memref<1x40x128xf32, #tpu.memory_space<vmem>> -> memref<40x128xf32, #tpu.memory_space<vmem>>
      %dma_start3A_229 = arith.constant 0 : i32
      %dma_start3A_230 = tpu.memref_slice %arg4[%add3A_223, %dma_start3A_229] : memref<81920x128xf32, #tpu.memory_space<hbm>> -> memref<40x128xf32, #tpu.memory_space<hbm>>
      %dma_start3A_231 = arith.constant 0 : i32
      %dma_start3A_232 = tpu.memref_slice %arg4[%add3A_223, %dma_start3A_231] : memref<81920x128xf32, #tpu.memory_space<hbm>> -> memref<40x128xf32, #tpu.memory_space<hbm>>
      %dma_start3A_233 = arith.constant 0 : i32
      %dma_start3A_234 = arith.constant 0 : i32
      %dma_start3A_235 = tpu.memref_slice %arg6[%dma_start3A_224, %dma_start3A_233, %dma_start3A_234] : memref<8x40x128xf32, #tpu.memory_space<vmem>> -> memref<1x40x128xf32, #tpu.memory_space<vmem>>
      %dma_start3A_236 = tpu.memref_squeeze %dma_start3A_235 : memref<1x40x128xf32, #tpu.memory_space<vmem>> -> memref<40x128xf32, #tpu.memory_space<vmem>>
      tpu.enqueue_dma source(%dma_start3A_236 : memref<40x128xf32, #tpu.memory_space<vmem>>) target(%dma_start3A_232 : memref<40x128xf32, #tpu.memory_space<hbm>>) target_semaphore(%arg16 : memref<!tpu.dma_semaphore, #tpu.memory_space<semaphore_mem>>)
      %add3A_237 = arith.constant 6 : i32
      %add3A_238 = arith.addi %add3A_209, %add3A_237 : i32
      %lt3A_239 = arith.constant 64 : i32
      %lt3A_240 = arith.cmpi slt, %add3A_238, %lt3A_239 : i32
      %convert_element_type3A_241 = arith.extui %lt3A_240 : i1 to i32
      %cond3A_242 = arith.constant 0 : i32
      %cond3A_243 = arith.cmpi ne, %convert_element_type3A_241, %cond3A_242 : i32
      scf.if %cond3A_243 {
        %ge3A = arith.constant 2 : i32
        %ge3A_472 = arith.cmpi sge, %add3A_209, %ge3A : i32
        %convert_element_type3A_473 = arith.extui %ge3A_472 : i1 to i32
        %cond3A_474 = arith.constant 0 : i32
        %cond3A_475 = arith.cmpi ne, %convert_element_type3A_473, %cond3A_474 : i32
        scf.if %cond3A_475 {
          %add3A_489 = arith.constant 6 : i32
          %add3A_490 = arith.addi %add3A_209, %add3A_489 : i32
          %sub3A = arith.constant 8 : i32
          %sub3A_491 = arith.subi %add3A_490, %sub3A : i32
          %mul3A_492 = arith.constant 40 : i32
          %mul3A_493 = arith.muli %sub3A_491, %mul3A_492 : i32
          %add3A_494 = arith.addi %mul3A_4, %mul3A_493 : i32
          %dma_wait3A_495 = arith.constant 7 : i32
          %dma_wait3A_496 = arith.constant 0 : i32
          %dma_wait3A_497 = arith.constant 0 : i32
          %dma_wait3A_498 = tpu.memref_slice %arg6[%dma_wait3A_495, %dma_wait3A_496, %dma_wait3A_497] : memref<8x40x128xf32, #tpu.memory_space<vmem>> -> memref<1x40x128xf32, #tpu.memory_space<vmem>>
          %dma_wait3A_499 = tpu.memref_squeeze %dma_wait3A_498 : memref<1x40x128xf32, #tpu.memory_space<vmem>> -> memref<40x128xf32, #tpu.memory_space<vmem>>
          %dma_wait3A_500 = arith.constant 0 : i32
          %dma_wait3A_501 = tpu.memref_slice %arg4[%add3A_494, %dma_wait3A_500] : memref<81920x128xf32, #tpu.memory_space<hbm>> -> memref<40x128xf32, #tpu.memory_space<hbm>>
          %dma_wait3A_502 = arith.constant 0 : i32
          %dma_wait3A_503 = tpu.memref_slice %arg4[%add3A_494, %dma_wait3A_502] : memref<81920x128xf32, #tpu.memory_space<hbm>> -> memref<40x128xf32, #tpu.memory_space<hbm>>
          %dma_wait3A_504 = arith.constant 0 : i32
          %dma_wait3A_505 = arith.constant 0 : i32
          %dma_wait3A_506 = tpu.memref_slice %arg6[%dma_wait3A_495, %dma_wait3A_504, %dma_wait3A_505] : memref<8x40x128xf32, #tpu.memory_space<vmem>> -> memref<1x40x128xf32, #tpu.memory_space<vmem>>
          %dma_wait3A_507 = tpu.memref_squeeze %dma_wait3A_506 : memref<1x40x128xf32, #tpu.memory_space<vmem>> -> memref<40x128xf32, #tpu.memory_space<vmem>>
          tpu.wait_dma2 semaphore(%arg22 : memref<!tpu.dma_semaphore, #tpu.memory_space<semaphore_mem>>) src(%dma_wait3A_507 : memref<40x128xf32, #tpu.memory_space<vmem>>) dst(%dma_wait3A_503 : memref<40x128xf32, #tpu.memory_space<hbm>>)
        } else {
        }
        %add3A_476 = arith.constant 6 : i32
        %add3A_477 = arith.addi %add3A_209, %add3A_476 : i32
        %dma_start3A_478 = arith.constant 7 : i32
        %dma_start3A_479 = arith.constant 0 : i32
        %dma_start3A_480 = arith.constant 0 : i32
        %dma_start3A_481 = tpu.memref_slice %arg6[%dma_start3A_478, %dma_start3A_479, %dma_start3A_480] : memref<8x40x128xf32, #tpu.memory_space<vmem>> -> memref<1x40x128xf32, #tpu.memory_space<vmem>>
        %dma_start3A_482 = tpu.memref_squeeze %dma_start3A_481 : memref<1x40x128xf32, #tpu.memory_space<vmem>> -> memref<40x128xf32, #tpu.memory_space<vmem>>
        %dma_start3A_483 = arith.constant 0 : i32
        %dma_start3A_484 = tpu.memref_slice %arg5[%add3A_477, %dma_start3A_483] : memref<64x40xi32, #tpu.memory_space<vmem>> -> memref<1x40xi32, #tpu.memory_space<vmem>>
        %dma_start3A_485 = tpu.memref_squeeze %dma_start3A_484 : memref<1x40xi32, #tpu.memory_space<vmem>> -> memref<40xi32, #tpu.memory_space<vmem>>
        %dma_start3A_486 = arith.constant 0 : i32
        %dma_start3A_487 = arith.constant 0 : i32
        %dma_start3A_488 = tpu.memref_slice %arg2[%dma_start3A_486, %dma_start3A_487] : memref<10000x128xf32, #tpu.memory_space<hbm>> -> memref<10000x128xf32, #tpu.memory_space<hbm>>
        tpu.enqueue_indirect_dma source(%dma_start3A_488 : memref<10000x128xf32, #tpu.memory_space<hbm>>) target(%dma_start3A_482 : memref<40x128xf32, #tpu.memory_space<vmem>>) offsets(%dma_start3A_485 : memref<40xi32, #tpu.memory_space<vmem>>) semaphore(%arg14 : memref<!tpu.dma_semaphore, #tpu.memory_space<semaphore_mem>>)
      } else {
      }
      %mul3A_244 = arith.constant 8 : i32
      %mul3A_245 = arith.muli %scan3A_170, %mul3A_244 : i32
      %add3A_246 = arith.constant 2 : i32
      %add3A_247 = arith.addi %mul3A_245, %add3A_246 : i32
      %dma_wait3A_248 = arith.constant 2 : i32
      %dma_wait3A_249 = arith.constant 0 : i32
      %dma_wait3A_250 = arith.constant 0 : i32
      %dma_wait3A_251 = tpu.memref_slice %arg6[%dma_wait3A_248, %dma_wait3A_249, %dma_wait3A_250] : memref<8x40x128xf32, #tpu.memory_space<vmem>> -> memref<1x40x128xf32, #tpu.memory_space<vmem>>
      %dma_wait3A_252 = tpu.memref_squeeze %dma_wait3A_251 : memref<1x40x128xf32, #tpu.memory_space<vmem>> -> memref<40x128xf32, #tpu.memory_space<vmem>>
      %dma_wait3A_253 = arith.constant 0 : i32
      %dma_wait3A_254 = tpu.memref_slice %arg5[%add3A_247, %dma_wait3A_253] : memref<64x40xi32, #tpu.memory_space<vmem>> -> memref<1x40xi32, #tpu.memory_space<vmem>>
      %dma_wait3A_255 = tpu.memref_squeeze %dma_wait3A_254 : memref<1x40xi32, #tpu.memory_space<vmem>> -> memref<40xi32, #tpu.memory_space<vmem>>
      %dma_wait3A_256 = arith.constant 0 : i32
      %dma_wait3A_257 = arith.constant 0 : i32
      %dma_wait3A_258 = tpu.memref_slice %arg2[%dma_wait3A_256, %dma_wait3A_257] : memref<10000x128xf32, #tpu.memory_space<hbm>> -> memref<10000x128xf32, #tpu.memory_space<hbm>>
      tpu.wait_indirect_dma semaphore(%arg9 : memref<!tpu.dma_semaphore, #tpu.memory_space<semaphore_mem>>) src(%dma_wait3A_258 : memref<10000x128xf32, #tpu.memory_space<hbm>>) dst(%dma_wait3A_252 : memref<40x128xf32, #tpu.memory_space<vmem>>)
      %mul3A_259 = arith.constant 40 : i32
      %mul3A_260 = arith.muli %add3A_247, %mul3A_259 : i32
      %add3A_261 = arith.addi %mul3A_4, %mul3A_260 : i32
      %dma_start3A_262 = arith.constant 2 : i32
      %dma_start3A_263 = arith.constant 0 : i32
      %dma_start3A_264 = arith.constant 0 : i32
      %dma_start3A_265 = tpu.memref_slice %arg6[%dma_start3A_262, %dma_start3A_263, %dma_start3A_264] : memref<8x40x128xf32, #tpu.memory_space<vmem>> -> memref<1x40x128xf32, #tpu.memory_space<vmem>>
      %dma_start3A_266 = tpu.memref_squeeze %dma_start3A_265 : memref<1x40x128xf32, #tpu.memory_space<vmem>> -> memref<40x128xf32, #tpu.memory_space<vmem>>
      %dma_start3A_267 = arith.constant 0 : i32
      %dma_start3A_268 = tpu.memref_slice %arg4[%add3A_261, %dma_start3A_267] : memref<81920x128xf32, #tpu.memory_space<hbm>> -> memref<40x128xf32, #tpu.memory_space<hbm>>
      %dma_start3A_269 = arith.constant 0 : i32
      %dma_start3A_270 = tpu.memref_slice %arg4[%add3A_261, %dma_start3A_269] : memref<81920x128xf32, #tpu.memory_space<hbm>> -> memref<40x128xf32, #tpu.memory_space<hbm>>
      %dma_start3A_271 = arith.constant 0 : i32
      %dma_start3A_272 = arith.constant 0 : i32
      %dma_start3A_273 = tpu.memref_slice %arg6[%dma_start3A_262, %dma_start3A_271, %dma_start3A_272] : memref<8x40x128xf32, #tpu.memory_space<vmem>> -> memref<1x40x128xf32, #tpu.memory_space<vmem>>
      %dma_start3A_274 = tpu.memref_squeeze %dma_start3A_273 : memref<1x40x128xf32, #tpu.memory_space<vmem>> -> memref<40x128xf32, #tpu.memory_space<vmem>>
      tpu.enqueue_dma source(%dma_start3A_274 : memref<40x128xf32, #tpu.memory_space<vmem>>) target(%dma_start3A_270 : memref<40x128xf32, #tpu.memory_space<hbm>>) target_semaphore(%arg17 : memref<!tpu.dma_semaphore, #tpu.memory_space<semaphore_mem>>)
      %add3A_275 = arith.constant 6 : i32
      %add3A_276 = arith.addi %add3A_247, %add3A_275 : i32
      %lt3A_277 = arith.constant 64 : i32
      %lt3A_278 = arith.cmpi slt, %add3A_276, %lt3A_277 : i32
      %convert_element_type3A_279 = arith.extui %lt3A_278 : i1 to i32
      %cond3A_280 = arith.constant 0 : i32
      %cond3A_281 = arith.cmpi ne, %convert_element_type3A_279, %cond3A_280 : i32
      scf.if %cond3A_281 {
        %ge3A = arith.constant 2 : i32
        %ge3A_472 = arith.cmpi sge, %add3A_247, %ge3A : i32
        %convert_element_type3A_473 = arith.extui %ge3A_472 : i1 to i32
        %cond3A_474 = arith.constant 0 : i32
        %cond3A_475 = arith.cmpi ne, %convert_element_type3A_473, %cond3A_474 : i32
        scf.if %cond3A_475 {
          %add3A_489 = arith.constant 6 : i32
          %add3A_490 = arith.addi %add3A_247, %add3A_489 : i32
          %sub3A = arith.constant 8 : i32
          %sub3A_491 = arith.subi %add3A_490, %sub3A : i32
          %mul3A_492 = arith.constant 40 : i32
          %mul3A_493 = arith.muli %sub3A_491, %mul3A_492 : i32
          %add3A_494 = arith.addi %mul3A_4, %mul3A_493 : i32
          %dma_wait3A_495 = arith.constant 0 : i32
          %dma_wait3A_496 = arith.constant 0 : i32
          %dma_wait3A_497 = arith.constant 0 : i32
          %dma_wait3A_498 = tpu.memref_slice %arg6[%dma_wait3A_495, %dma_wait3A_496, %dma_wait3A_497] : memref<8x40x128xf32, #tpu.memory_space<vmem>> -> memref<1x40x128xf32, #tpu.memory_space<vmem>>
          %dma_wait3A_499 = tpu.memref_squeeze %dma_wait3A_498 : memref<1x40x128xf32, #tpu.memory_space<vmem>> -> memref<40x128xf32, #tpu.memory_space<vmem>>
          %dma_wait3A_500 = arith.constant 0 : i32
          %dma_wait3A_501 = tpu.memref_slice %arg4[%add3A_494, %dma_wait3A_500] : memref<81920x128xf32, #tpu.memory_space<hbm>> -> memref<40x128xf32, #tpu.memory_space<hbm>>
          %dma_wait3A_502 = arith.constant 0 : i32
          %dma_wait3A_503 = tpu.memref_slice %arg4[%add3A_494, %dma_wait3A_502] : memref<81920x128xf32, #tpu.memory_space<hbm>> -> memref<40x128xf32, #tpu.memory_space<hbm>>
          %dma_wait3A_504 = arith.constant 0 : i32
          %dma_wait3A_505 = arith.constant 0 : i32
          %dma_wait3A_506 = tpu.memref_slice %arg6[%dma_wait3A_495, %dma_wait3A_504, %dma_wait3A_505] : memref<8x40x128xf32, #tpu.memory_space<vmem>> -> memref<1x40x128xf32, #tpu.memory_space<vmem>>
          %dma_wait3A_507 = tpu.memref_squeeze %dma_wait3A_506 : memref<1x40x128xf32, #tpu.memory_space<vmem>> -> memref<40x128xf32, #tpu.memory_space<vmem>>
          tpu.wait_dma2 semaphore(%arg15 : memref<!tpu.dma_semaphore, #tpu.memory_space<semaphore_mem>>) src(%dma_wait3A_507 : memref<40x128xf32, #tpu.memory_space<vmem>>) dst(%dma_wait3A_503 : memref<40x128xf32, #tpu.memory_space<hbm>>)
        } else {
        }
        %add3A_476 = arith.constant 6 : i32
        %add3A_477 = arith.addi %add3A_247, %add3A_476 : i32
        %dma_start3A_478 = arith.constant 0 : i32
        %dma_start3A_479 = arith.constant 0 : i32
        %dma_start3A_480 = arith.constant 0 : i32
        %dma_start3A_481 = tpu.memref_slice %arg6[%dma_start3A_478, %dma_start3A_479, %dma_start3A_480] : memref<8x40x128xf32, #tpu.memory_space<vmem>> -> memref<1x40x128xf32, #tpu.memory_space<vmem>>
        %dma_start3A_482 = tpu.memref_squeeze %dma_start3A_481 : memref<1x40x128xf32, #tpu.memory_space<vmem>> -> memref<40x128xf32, #tpu.memory_space<vmem>>
        %dma_start3A_483 = arith.constant 0 : i32
        %dma_start3A_484 = tpu.memref_slice %arg5[%add3A_477, %dma_start3A_483] : memref<64x40xi32, #tpu.memory_space<vmem>> -> memref<1x40xi32, #tpu.memory_space<vmem>>
        %dma_start3A_485 = tpu.memref_squeeze %dma_start3A_484 : memref<1x40xi32, #tpu.memory_space<vmem>> -> memref<40xi32, #tpu.memory_space<vmem>>
        %dma_start3A_486 = arith.constant 0 : i32
        %dma_start3A_487 = arith.constant 0 : i32
        %dma_start3A_488 = tpu.memref_slice %arg2[%dma_start3A_486, %dma_start3A_487] : memref<10000x128xf32, #tpu.memory_space<hbm>> -> memref<10000x128xf32, #tpu.memory_space<hbm>>
        tpu.enqueue_indirect_dma source(%dma_start3A_488 : memref<10000x128xf32, #tpu.memory_space<hbm>>) target(%dma_start3A_482 : memref<40x128xf32, #tpu.memory_space<vmem>>) offsets(%dma_start3A_485 : memref<40xi32, #tpu.memory_space<vmem>>) semaphore(%arg7 : memref<!tpu.dma_semaphore, #tpu.memory_space<semaphore_mem>>)
      } else {
      }
      %mul3A_282 = arith.constant 8 : i32
      %mul3A_283 = arith.muli %scan3A_170, %mul3A_282 : i32
      %add3A_284 = arith.constant 3 : i32
      %add3A_285 = arith.addi %mul3A_283, %add3A_284 : i32
      %dma_wait3A_286 = arith.constant 3 : i32
      %dma_wait3A_287 = arith.constant 0 : i32
      %dma_wait3A_288 = arith.constant 0 : i32
      %dma_wait3A_289 = tpu.memref_slice %arg6[%dma_wait3A_286, %dma_wait3A_287, %dma_wait3A_288] : memref<8x40x128xf32, #tpu.memory_space<vmem>> -> memref<1x40x128xf32, #tpu.memory_space<vmem>>
      %dma_wait3A_290 = tpu.memref_squeeze %dma_wait3A_289 : memref<1x40x128xf32, #tpu.memory_space<vmem>> -> memref<40x128xf32, #tpu.memory_space<vmem>>
      %dma_wait3A_291 = arith.constant 0 : i32
      %dma_wait3A_292 = tpu.memref_slice %arg5[%add3A_285, %dma_wait3A_291] : memref<64x40xi32, #tpu.memory_space<vmem>> -> memref<1x40xi32, #tpu.memory_space<vmem>>
      %dma_wait3A_293 = tpu.memref_squeeze %dma_wait3A_292 : memref<1x40xi32, #tpu.memory_space<vmem>> -> memref<40xi32, #tpu.memory_space<vmem>>
      %dma_wait3A_294 = arith.constant 0 : i32
      %dma_wait3A_295 = arith.constant 0 : i32
      %dma_wait3A_296 = tpu.memref_slice %arg2[%dma_wait3A_294, %dma_wait3A_295] : memref<10000x128xf32, #tpu.memory_space<hbm>> -> memref<10000x128xf32, #tpu.memory_space<hbm>>
      tpu.wait_indirect_dma semaphore(%arg10 : memref<!tpu.dma_semaphore, #tpu.memory_space<semaphore_mem>>) src(%dma_wait3A_296 : memref<10000x128xf32, #tpu.memory_space<hbm>>) dst(%dma_wait3A_290 : memref<40x128xf32, #tpu.memory_space<vmem>>)
      %mul3A_297 = arith.constant 40 : i32
      %mul3A_298 = arith.muli %add3A_285, %mul3A_297 : i32
      %add3A_299 = arith.addi %mul3A_4, %mul3A_298 : i32
      %dma_start3A_300 = arith.constant 3 : i32
      %dma_start3A_301 = arith.constant 0 : i32
      %dma_start3A_302 = arith.constant 0 : i32
      %dma_start3A_303 = tpu.memref_slice %arg6[%dma_start3A_300, %dma_start3A_301, %dma_start3A_302] : memref<8x40x128xf32, #tpu.memory_space<vmem>> -> memref<1x40x128xf32, #tpu.memory_space<vmem>>
      %dma_start3A_304 = tpu.memref_squeeze %dma_start3A_303 : memref<1x40x128xf32, #tpu.memory_space<vmem>> -> memref<40x128xf32, #tpu.memory_space<vmem>>
      %dma_start3A_305 = arith.constant 0 : i32
      %dma_start3A_306 = tpu.memref_slice %arg4[%add3A_299, %dma_start3A_305] : memref<81920x128xf32, #tpu.memory_space<hbm>> -> memref<40x128xf32, #tpu.memory_space<hbm>>
      %dma_start3A_307 = arith.constant 0 : i32
      %dma_start3A_308 = tpu.memref_slice %arg4[%add3A_299, %dma_start3A_307] : memref<81920x128xf32, #tpu.memory_space<hbm>> -> memref<40x128xf32, #tpu.memory_space<hbm>>
      %dma_start3A_309 = arith.constant 0 : i32
      %dma_start3A_310 = arith.constant 0 : i32
      %dma_start3A_311 = tpu.memref_slice %arg6[%dma_start3A_300, %dma_start3A_309, %dma_start3A_310] : memref<8x40x128xf32, #tpu.memory_space<vmem>> -> memref<1x40x128xf32, #tpu.memory_space<vmem>>
      %dma_start3A_312 = tpu.memref_squeeze %dma_start3A_311 : memref<1x40x128xf32, #tpu.memory_space<vmem>> -> memref<40x128xf32, #tpu.memory_space<vmem>>
      tpu.enqueue_dma source(%dma_start3A_312 : memref<40x128xf32, #tpu.memory_space<vmem>>) target(%dma_start3A_308 : memref<40x128xf32, #tpu.memory_space<hbm>>) target_semaphore(%arg18 : memref<!tpu.dma_semaphore, #tpu.memory_space<semaphore_mem>>)
      %add3A_313 = arith.constant 6 : i32
      %add3A_314 = arith.addi %add3A_285, %add3A_313 : i32
      %lt3A_315 = arith.constant 64 : i32
      %lt3A_316 = arith.cmpi slt, %add3A_314, %lt3A_315 : i32
      %convert_element_type3A_317 = arith.extui %lt3A_316 : i1 to i32
      %cond3A_318 = arith.constant 0 : i32
      %cond3A_319 = arith.cmpi ne, %convert_element_type3A_317, %cond3A_318 : i32
      scf.if %cond3A_319 {
        %ge3A = arith.constant 2 : i32
        %ge3A_472 = arith.cmpi sge, %add3A_285, %ge3A : i32
        %convert_element_type3A_473 = arith.extui %ge3A_472 : i1 to i32
        %cond3A_474 = arith.constant 0 : i32
        %cond3A_475 = arith.cmpi ne, %convert_element_type3A_473, %cond3A_474 : i32
        scf.if %cond3A_475 {
          %add3A_489 = arith.constant 6 : i32
          %add3A_490 = arith.addi %add3A_285, %add3A_489 : i32
          %sub3A = arith.constant 8 : i32
          %sub3A_491 = arith.subi %add3A_490, %sub3A : i32
          %mul3A_492 = arith.constant 40 : i32
          %mul3A_493 = arith.muli %sub3A_491, %mul3A_492 : i32
          %add3A_494 = arith.addi %mul3A_4, %mul3A_493 : i32
          %dma_wait3A_495 = arith.constant 1 : i32
          %dma_wait3A_496 = arith.constant 0 : i32
          %dma_wait3A_497 = arith.constant 0 : i32
          %dma_wait3A_498 = tpu.memref_slice %arg6[%dma_wait3A_495, %dma_wait3A_496, %dma_wait3A_497] : memref<8x40x128xf32, #tpu.memory_space<vmem>> -> memref<1x40x128xf32, #tpu.memory_space<vmem>>
          %dma_wait3A_499 = tpu.memref_squeeze %dma_wait3A_498 : memref<1x40x128xf32, #tpu.memory_space<vmem>> -> memref<40x128xf32, #tpu.memory_space<vmem>>
          %dma_wait3A_500 = arith.constant 0 : i32
          %dma_wait3A_501 = tpu.memref_slice %arg4[%add3A_494, %dma_wait3A_500] : memref<81920x128xf32, #tpu.memory_space<hbm>> -> memref<40x128xf32, #tpu.memory_space<hbm>>
          %dma_wait3A_502 = arith.constant 0 : i32
          %dma_wait3A_503 = tpu.memref_slice %arg4[%add3A_494, %dma_wait3A_502] : memref<81920x128xf32, #tpu.memory_space<hbm>> -> memref<40x128xf32, #tpu.memory_space<hbm>>
          %dma_wait3A_504 = arith.constant 0 : i32
          %dma_wait3A_505 = arith.constant 0 : i32
          %dma_wait3A_506 = tpu.memref_slice %arg6[%dma_wait3A_495, %dma_wait3A_504, %dma_wait3A_505] : memref<8x40x128xf32, #tpu.memory_space<vmem>> -> memref<1x40x128xf32, #tpu.memory_space<vmem>>
          %dma_wait3A_507 = tpu.memref_squeeze %dma_wait3A_506 : memref<1x40x128xf32, #tpu.memory_space<vmem>> -> memref<40x128xf32, #tpu.memory_space<vmem>>
          tpu.wait_dma2 semaphore(%arg16 : memref<!tpu.dma_semaphore, #tpu.memory_space<semaphore_mem>>) src(%dma_wait3A_507 : memref<40x128xf32, #tpu.memory_space<vmem>>) dst(%dma_wait3A_503 : memref<40x128xf32, #tpu.memory_space<hbm>>)
        } else {
        }
        %add3A_476 = arith.constant 6 : i32
        %add3A_477 = arith.addi %add3A_285, %add3A_476 : i32
        %dma_start3A_478 = arith.constant 1 : i32
        %dma_start3A_479 = arith.constant 0 : i32
        %dma_start3A_480 = arith.constant 0 : i32
        %dma_start3A_481 = tpu.memref_slice %arg6[%dma_start3A_478, %dma_start3A_479, %dma_start3A_480] : memref<8x40x128xf32, #tpu.memory_space<vmem>> -> memref<1x40x128xf32, #tpu.memory_space<vmem>>
        %dma_start3A_482 = tpu.memref_squeeze %dma_start3A_481 : memref<1x40x128xf32, #tpu.memory_space<vmem>> -> memref<40x128xf32, #tpu.memory_space<vmem>>
        %dma_start3A_483 = arith.constant 0 : i32
        %dma_start3A_484 = tpu.memref_slice %arg5[%add3A_477, %dma_start3A_483] : memref<64x40xi32, #tpu.memory_space<vmem>> -> memref<1x40xi32, #tpu.memory_space<vmem>>
        %dma_start3A_485 = tpu.memref_squeeze %dma_start3A_484 : memref<1x40xi32, #tpu.memory_space<vmem>> -> memref<40xi32, #tpu.memory_space<vmem>>
        %dma_start3A_486 = arith.constant 0 : i32
        %dma_start3A_487 = arith.constant 0 : i32
        %dma_start3A_488 = tpu.memref_slice %arg2[%dma_start3A_486, %dma_start3A_487] : memref<10000x128xf32, #tpu.memory_space<hbm>> -> memref<10000x128xf32, #tpu.memory_space<hbm>>
        tpu.enqueue_indirect_dma source(%dma_start3A_488 : memref<10000x128xf32, #tpu.memory_space<hbm>>) target(%dma_start3A_482 : memref<40x128xf32, #tpu.memory_space<vmem>>) offsets(%dma_start3A_485 : memref<40xi32, #tpu.memory_space<vmem>>) semaphore(%arg8 : memref<!tpu.dma_semaphore, #tpu.memory_space<semaphore_mem>>)
      } else {
      }
      %mul3A_320 = arith.constant 8 : i32
      %mul3A_321 = arith.muli %scan3A_170, %mul3A_320 : i32
      %add3A_322 = arith.constant 4 : i32
      %add3A_323 = arith.addi %mul3A_321, %add3A_322 : i32
      %dma_wait3A_324 = arith.constant 4 : i32
      %dma_wait3A_325 = arith.constant 0 : i32
      %dma_wait3A_326 = arith.constant 0 : i32
      %dma_wait3A_327 = tpu.memref_slice %arg6[%dma_wait3A_324, %dma_wait3A_325, %dma_wait3A_326] : memref<8x40x128xf32, #tpu.memory_space<vmem>> -> memref<1x40x128xf32, #tpu.memory_space<vmem>>
      %dma_wait3A_328 = tpu.memref_squeeze %dma_wait3A_327 : memref<1x40x128xf32, #tpu.memory_space<vmem>> -> memref<40x128xf32, #tpu.memory_space<vmem>>
      %dma_wait3A_329 = arith.constant 0 : i32
      %dma_wait3A_330 = tpu.memref_slice %arg5[%add3A_323, %dma_wait3A_329] : memref<64x40xi32, #tpu.memory_space<vmem>> -> memref<1x40xi32, #tpu.memory_space<vmem>>
      %dma_wait3A_331 = tpu.memref_squeeze %dma_wait3A_330 : memref<1x40xi32, #tpu.memory_space<vmem>> -> memref<40xi32, #tpu.memory_space<vmem>>
      %dma_wait3A_332 = arith.constant 0 : i32
      %dma_wait3A_333 = arith.constant 0 : i32
      %dma_wait3A_334 = tpu.memref_slice %arg2[%dma_wait3A_332, %dma_wait3A_333] : memref<10000x128xf32, #tpu.memory_space<hbm>> -> memref<10000x128xf32, #tpu.memory_space<hbm>>
      tpu.wait_indirect_dma semaphore(%arg11 : memref<!tpu.dma_semaphore, #tpu.memory_space<semaphore_mem>>) src(%dma_wait3A_334 : memref<10000x128xf32, #tpu.memory_space<hbm>>) dst(%dma_wait3A_328 : memref<40x128xf32, #tpu.memory_space<vmem>>)
      %mul3A_335 = arith.constant 40 : i32
      %mul3A_336 = arith.muli %add3A_323, %mul3A_335 : i32
      %add3A_337 = arith.addi %mul3A_4, %mul3A_336 : i32
      %dma_start3A_338 = arith.constant 4 : i32
      %dma_start3A_339 = arith.constant 0 : i32
      %dma_start3A_340 = arith.constant 0 : i32
      %dma_start3A_341 = tpu.memref_slice %arg6[%dma_start3A_338, %dma_start3A_339, %dma_start3A_340] : memref<8x40x128xf32, #tpu.memory_space<vmem>> -> memref<1x40x128xf32, #tpu.memory_space<vmem>>
      %dma_start3A_342 = tpu.memref_squeeze %dma_start3A_341 : memref<1x40x128xf32, #tpu.memory_space<vmem>> -> memref<40x128xf32, #tpu.memory_space<vmem>>
      %dma_start3A_343 = arith.constant 0 : i32
      %dma_start3A_344 = tpu.memref_slice %arg4[%add3A_337, %dma_start3A_343] : memref<81920x128xf32, #tpu.memory_space<hbm>> -> memref<40x128xf32, #tpu.memory_space<hbm>>
      %dma_start3A_345 = arith.constant 0 : i32
      %dma_start3A_346 = tpu.memref_slice %arg4[%add3A_337, %dma_start3A_345] : memref<81920x128xf32, #tpu.memory_space<hbm>> -> memref<40x128xf32, #tpu.memory_space<hbm>>
      %dma_start3A_347 = arith.constant 0 : i32
      %dma_start3A_348 = arith.constant 0 : i32
      %dma_start3A_349 = tpu.memref_slice %arg6[%dma_start3A_338, %dma_start3A_347, %dma_start3A_348] : memref<8x40x128xf32, #tpu.memory_space<vmem>> -> memref<1x40x128xf32, #tpu.memory_space<vmem>>
      %dma_start3A_350 = tpu.memref_squeeze %dma_start3A_349 : memref<1x40x128xf32, #tpu.memory_space<vmem>> -> memref<40x128xf32, #tpu.memory_space<vmem>>
      tpu.enqueue_dma source(%dma_start3A_350 : memref<40x128xf32, #tpu.memory_space<vmem>>) target(%dma_start3A_346 : memref<40x128xf32, #tpu.memory_space<hbm>>) target_semaphore(%arg19 : memref<!tpu.dma_semaphore, #tpu.memory_space<semaphore_mem>>)
      %add3A_351 = arith.constant 6 : i32
      %add3A_352 = arith.addi %add3A_323, %add3A_351 : i32
      %lt3A_353 = arith.constant 64 : i32
      %lt3A_354 = arith.cmpi slt, %add3A_352, %lt3A_353 : i32
      %convert_element_type3A_355 = arith.extui %lt3A_354 : i1 to i32
      %cond3A_356 = arith.constant 0 : i32
      %cond3A_357 = arith.cmpi ne, %convert_element_type3A_355, %cond3A_356 : i32
      scf.if %cond3A_357 {
        %ge3A = arith.constant 2 : i32
        %ge3A_472 = arith.cmpi sge, %add3A_323, %ge3A : i32
        %convert_element_type3A_473 = arith.extui %ge3A_472 : i1 to i32
        %cond3A_474 = arith.constant 0 : i32
        %cond3A_475 = arith.cmpi ne, %convert_element_type3A_473, %cond3A_474 : i32
        scf.if %cond3A_475 {
          %add3A_489 = arith.constant 6 : i32
          %add3A_490 = arith.addi %add3A_323, %add3A_489 : i32
          %sub3A = arith.constant 8 : i32
          %sub3A_491 = arith.subi %add3A_490, %sub3A : i32
          %mul3A_492 = arith.constant 40 : i32
          %mul3A_493 = arith.muli %sub3A_491, %mul3A_492 : i32
          %add3A_494 = arith.addi %mul3A_4, %mul3A_493 : i32
          %dma_wait3A_495 = arith.constant 2 : i32
          %dma_wait3A_496 = arith.constant 0 : i32
          %dma_wait3A_497 = arith.constant 0 : i32
          %dma_wait3A_498 = tpu.memref_slice %arg6[%dma_wait3A_495, %dma_wait3A_496, %dma_wait3A_497] : memref<8x40x128xf32, #tpu.memory_space<vmem>> -> memref<1x40x128xf32, #tpu.memory_space<vmem>>
          %dma_wait3A_499 = tpu.memref_squeeze %dma_wait3A_498 : memref<1x40x128xf32, #tpu.memory_space<vmem>> -> memref<40x128xf32, #tpu.memory_space<vmem>>
          %dma_wait3A_500 = arith.constant 0 : i32
          %dma_wait3A_501 = tpu.memref_slice %arg4[%add3A_494, %dma_wait3A_500] : memref<81920x128xf32, #tpu.memory_space<hbm>> -> memref<40x128xf32, #tpu.memory_space<hbm>>
          %dma_wait3A_502 = arith.constant 0 : i32
          %dma_wait3A_503 = tpu.memref_slice %arg4[%add3A_494, %dma_wait3A_502] : memref<81920x128xf32, #tpu.memory_space<hbm>> -> memref<40x128xf32, #tpu.memory_space<hbm>>
          %dma_wait3A_504 = arith.constant 0 : i32
          %dma_wait3A_505 = arith.constant 0 : i32
          %dma_wait3A_506 = tpu.memref_slice %arg6[%dma_wait3A_495, %dma_wait3A_504, %dma_wait3A_505] : memref<8x40x128xf32, #tpu.memory_space<vmem>> -> memref<1x40x128xf32, #tpu.memory_space<vmem>>
          %dma_wait3A_507 = tpu.memref_squeeze %dma_wait3A_506 : memref<1x40x128xf32, #tpu.memory_space<vmem>> -> memref<40x128xf32, #tpu.memory_space<vmem>>
          tpu.wait_dma2 semaphore(%arg17 : memref<!tpu.dma_semaphore, #tpu.memory_space<semaphore_mem>>) src(%dma_wait3A_507 : memref<40x128xf32, #tpu.memory_space<vmem>>) dst(%dma_wait3A_503 : memref<40x128xf32, #tpu.memory_space<hbm>>)
        } else {
        }
        %add3A_476 = arith.constant 6 : i32
        %add3A_477 = arith.addi %add3A_323, %add3A_476 : i32
        %dma_start3A_478 = arith.constant 2 : i32
        %dma_start3A_479 = arith.constant 0 : i32
        %dma_start3A_480 = arith.constant 0 : i32
        %dma_start3A_481 = tpu.memref_slice %arg6[%dma_start3A_478, %dma_start3A_479, %dma_start3A_480] : memref<8x40x128xf32, #tpu.memory_space<vmem>> -> memref<1x40x128xf32, #tpu.memory_space<vmem>>
        %dma_start3A_482 = tpu.memref_squeeze %dma_start3A_481 : memref<1x40x128xf32, #tpu.memory_space<vmem>> -> memref<40x128xf32, #tpu.memory_space<vmem>>
        %dma_start3A_483 = arith.constant 0 : i32
        %dma_start3A_484 = tpu.memref_slice %arg5[%add3A_477, %dma_start3A_483] : memref<64x40xi32, #tpu.memory_space<vmem>> -> memref<1x40xi32, #tpu.memory_space<vmem>>
        %dma_start3A_485 = tpu.memref_squeeze %dma_start3A_484 : memref<1x40xi32, #tpu.memory_space<vmem>> -> memref<40xi32, #tpu.memory_space<vmem>>
        %dma_start3A_486 = arith.constant 0 : i32
        %dma_start3A_487 = arith.constant 0 : i32
        %dma_start3A_488 = tpu.memref_slice %arg2[%dma_start3A_486, %dma_start3A_487] : memref<10000x128xf32, #tpu.memory_space<hbm>> -> memref<10000x128xf32, #tpu.memory_space<hbm>>
        tpu.enqueue_indirect_dma source(%dma_start3A_488 : memref<10000x128xf32, #tpu.memory_space<hbm>>) target(%dma_start3A_482 : memref<40x128xf32, #tpu.memory_space<vmem>>) offsets(%dma_start3A_485 : memref<40xi32, #tpu.memory_space<vmem>>) semaphore(%arg9 : memref<!tpu.dma_semaphore, #tpu.memory_space<semaphore_mem>>)
      } else {
      }
      %mul3A_358 = arith.constant 8 : i32
      %mul3A_359 = arith.muli %scan3A_170, %mul3A_358 : i32
      %add3A_360 = arith.constant 5 : i32
      %add3A_361 = arith.addi %mul3A_359, %add3A_360 : i32
      %dma_wait3A_362 = arith.constant 5 : i32
      %dma_wait3A_363 = arith.constant 0 : i32
      %dma_wait3A_364 = arith.constant 0 : i32
      %dma_wait3A_365 = tpu.memref_slice %arg6[%dma_wait3A_362, %dma_wait3A_363, %dma_wait3A_364] : memref<8x40x128xf32, #tpu.memory_space<vmem>> -> memref<1x40x128xf32, #tpu.memory_space<vmem>>
      %dma_wait3A_366 = tpu.memref_squeeze %dma_wait3A_365 : memref<1x40x128xf32, #tpu.memory_space<vmem>> -> memref<40x128xf32, #tpu.memory_space<vmem>>
      %dma_wait3A_367 = arith.constant 0 : i32
      %dma_wait3A_368 = tpu.memref_slice %arg5[%add3A_361, %dma_wait3A_367] : memref<64x40xi32, #tpu.memory_space<vmem>> -> memref<1x40xi32, #tpu.memory_space<vmem>>
      %dma_wait3A_369 = tpu.memref_squeeze %dma_wait3A_368 : memref<1x40xi32, #tpu.memory_space<vmem>> -> memref<40xi32, #tpu.memory_space<vmem>>
      %dma_wait3A_370 = arith.constant 0 : i32
      %dma_wait3A_371 = arith.constant 0 : i32
      %dma_wait3A_372 = tpu.memref_slice %arg2[%dma_wait3A_370, %dma_wait3A_371] : memref<10000x128xf32, #tpu.memory_space<hbm>> -> memref<10000x128xf32, #tpu.memory_space<hbm>>
      tpu.wait_indirect_dma semaphore(%arg12 : memref<!tpu.dma_semaphore, #tpu.memory_space<semaphore_mem>>) src(%dma_wait3A_372 : memref<10000x128xf32, #tpu.memory_space<hbm>>) dst(%dma_wait3A_366 : memref<40x128xf32, #tpu.memory_space<vmem>>)
      %mul3A_373 = arith.constant 40 : i32
      %mul3A_374 = arith.muli %add3A_361, %mul3A_373 : i32
      %add3A_375 = arith.addi %mul3A_4, %mul3A_374 : i32
      %dma_start3A_376 = arith.constant 5 : i32
      %dma_start3A_377 = arith.constant 0 : i32
      %dma_start3A_378 = arith.constant 0 : i32
      %dma_start3A_379 = tpu.memref_slice %arg6[%dma_start3A_376, %dma_start3A_377, %dma_start3A_378] : memref<8x40x128xf32, #tpu.memory_space<vmem>> -> memref<1x40x128xf32, #tpu.memory_space<vmem>>
      %dma_start3A_380 = tpu.memref_squeeze %dma_start3A_379 : memref<1x40x128xf32, #tpu.memory_space<vmem>> -> memref<40x128xf32, #tpu.memory_space<vmem>>
      %dma_start3A_381 = arith.constant 0 : i32
      %dma_start3A_382 = tpu.memref_slice %arg4[%add3A_375, %dma_start3A_381] : memref<81920x128xf32, #tpu.memory_space<hbm>> -> memref<40x128xf32, #tpu.memory_space<hbm>>
      %dma_start3A_383 = arith.constant 0 : i32
      %dma_start3A_384 = tpu.memref_slice %arg4[%add3A_375, %dma_start3A_383] : memref<81920x128xf32, #tpu.memory_space<hbm>> -> memref<40x128xf32, #tpu.memory_space<hbm>>
      %dma_start3A_385 = arith.constant 0 : i32
      %dma_start3A_386 = arith.constant 0 : i32
      %dma_start3A_387 = tpu.memref_slice %arg6[%dma_start3A_376, %dma_start3A_385, %dma_start3A_386] : memref<8x40x128xf32, #tpu.memory_space<vmem>> -> memref<1x40x128xf32, #tpu.memory_space<vmem>>
      %dma_start3A_388 = tpu.memref_squeeze %dma_start3A_387 : memref<1x40x128xf32, #tpu.memory_space<vmem>> -> memref<40x128xf32, #tpu.memory_space<vmem>>
      tpu.enqueue_dma source(%dma_start3A_388 : memref<40x128xf32, #tpu.memory_space<vmem>>) target(%dma_start3A_384 : memref<40x128xf32, #tpu.memory_space<hbm>>) target_semaphore(%arg20 : memref<!tpu.dma_semaphore, #tpu.memory_space<semaphore_mem>>)
      %add3A_389 = arith.constant 6 : i32
      %add3A_390 = arith.addi %add3A_361, %add3A_389 : i32
      %lt3A_391 = arith.constant 64 : i32
      %lt3A_392 = arith.cmpi slt, %add3A_390, %lt3A_391 : i32
      %convert_element_type3A_393 = arith.extui %lt3A_392 : i1 to i32
      %cond3A_394 = arith.constant 0 : i32
      %cond3A_395 = arith.cmpi ne, %convert_element_type3A_393, %cond3A_394 : i32
      scf.if %cond3A_395 {
        %ge3A = arith.constant 2 : i32
        %ge3A_472 = arith.cmpi sge, %add3A_361, %ge3A : i32
        %convert_element_type3A_473 = arith.extui %ge3A_472 : i1 to i32
        %cond3A_474 = arith.constant 0 : i32
        %cond3A_475 = arith.cmpi ne, %convert_element_type3A_473, %cond3A_474 : i32
        scf.if %cond3A_475 {
          %add3A_489 = arith.constant 6 : i32
          %add3A_490 = arith.addi %add3A_361, %add3A_489 : i32
          %sub3A = arith.constant 8 : i32
          %sub3A_491 = arith.subi %add3A_490, %sub3A : i32
          %mul3A_492 = arith.constant 40 : i32
          %mul3A_493 = arith.muli %sub3A_491, %mul3A_492 : i32
          %add3A_494 = arith.addi %mul3A_4, %mul3A_493 : i32
          %dma_wait3A_495 = arith.constant 3 : i32
          %dma_wait3A_496 = arith.constant 0 : i32
          %dma_wait3A_497 = arith.constant 0 : i32
          %dma_wait3A_498 = tpu.memref_slice %arg6[%dma_wait3A_495, %dma_wait3A_496, %dma_wait3A_497] : memref<8x40x128xf32, #tpu.memory_space<vmem>> -> memref<1x40x128xf32, #tpu.memory_space<vmem>>
          %dma_wait3A_499 = tpu.memref_squeeze %dma_wait3A_498 : memref<1x40x128xf32, #tpu.memory_space<vmem>> -> memref<40x128xf32, #tpu.memory_space<vmem>>
          %dma_wait3A_500 = arith.constant 0 : i32
          %dma_wait3A_501 = tpu.memref_slice %arg4[%add3A_494, %dma_wait3A_500] : memref<81920x128xf32, #tpu.memory_space<hbm>> -> memref<40x128xf32, #tpu.memory_space<hbm>>
          %dma_wait3A_502 = arith.constant 0 : i32
          %dma_wait3A_503 = tpu.memref_slice %arg4[%add3A_494, %dma_wait3A_502] : memref<81920x128xf32, #tpu.memory_space<hbm>> -> memref<40x128xf32, #tpu.memory_space<hbm>>
          %dma_wait3A_504 = arith.constant 0 : i32
          %dma_wait3A_505 = arith.constant 0 : i32
          %dma_wait3A_506 = tpu.memref_slice %arg6[%dma_wait3A_495, %dma_wait3A_504, %dma_wait3A_505] : memref<8x40x128xf32, #tpu.memory_space<vmem>> -> memref<1x40x128xf32, #tpu.memory_space<vmem>>
          %dma_wait3A_507 = tpu.memref_squeeze %dma_wait3A_506 : memref<1x40x128xf32, #tpu.memory_space<vmem>> -> memref<40x128xf32, #tpu.memory_space<vmem>>
          tpu.wait_dma2 semaphore(%arg18 : memref<!tpu.dma_semaphore, #tpu.memory_space<semaphore_mem>>) src(%dma_wait3A_507 : memref<40x128xf32, #tpu.memory_space<vmem>>) dst(%dma_wait3A_503 : memref<40x128xf32, #tpu.memory_space<hbm>>)
        } else {
        }
        %add3A_476 = arith.constant 6 : i32
        %add3A_477 = arith.addi %add3A_361, %add3A_476 : i32
        %dma_start3A_478 = arith.constant 3 : i32
        %dma_start3A_479 = arith.constant 0 : i32
        %dma_start3A_480 = arith.constant 0 : i32
        %dma_start3A_481 = tpu.memref_slice %arg6[%dma_start3A_478, %dma_start3A_479, %dma_start3A_480] : memref<8x40x128xf32, #tpu.memory_space<vmem>> -> memref<1x40x128xf32, #tpu.memory_space<vmem>>
        %dma_start3A_482 = tpu.memref_squeeze %dma_start3A_481 : memref<1x40x128xf32, #tpu.memory_space<vmem>> -> memref<40x128xf32, #tpu.memory_space<vmem>>
        %dma_start3A_483 = arith.constant 0 : i32
        %dma_start3A_484 = tpu.memref_slice %arg5[%add3A_477, %dma_start3A_483] : memref<64x40xi32, #tpu.memory_space<vmem>> -> memref<1x40xi32, #tpu.memory_space<vmem>>
        %dma_start3A_485 = tpu.memref_squeeze %dma_start3A_484 : memref<1x40xi32, #tpu.memory_space<vmem>> -> memref<40xi32, #tpu.memory_space<vmem>>
        %dma_start3A_486 = arith.constant 0 : i32
        %dma_start3A_487 = arith.constant 0 : i32
        %dma_start3A_488 = tpu.memref_slice %arg2[%dma_start3A_486, %dma_start3A_487] : memref<10000x128xf32, #tpu.memory_space<hbm>> -> memref<10000x128xf32, #tpu.memory_space<hbm>>
        tpu.enqueue_indirect_dma source(%dma_start3A_488 : memref<10000x128xf32, #tpu.memory_space<hbm>>) target(%dma_start3A_482 : memref<40x128xf32, #tpu.memory_space<vmem>>) offsets(%dma_start3A_485 : memref<40xi32, #tpu.memory_space<vmem>>) semaphore(%arg10 : memref<!tpu.dma_semaphore, #tpu.memory_space<semaphore_mem>>)
      } else {
      }
      %mul3A_396 = arith.constant 8 : i32
      %mul3A_397 = arith.muli %scan3A_170, %mul3A_396 : i32
      %add3A_398 = arith.constant 6 : i32
      %add3A_399 = arith.addi %mul3A_397, %add3A_398 : i32
      %dma_wait3A_400 = arith.constant 6 : i32
      %dma_wait3A_401 = arith.constant 0 : i32
      %dma_wait3A_402 = arith.constant 0 : i32
      %dma_wait3A_403 = tpu.memref_slice %arg6[%dma_wait3A_400, %dma_wait3A_401, %dma_wait3A_402] : memref<8x40x128xf32, #tpu.memory_space<vmem>> -> memref<1x40x128xf32, #tpu.memory_space<vmem>>
      %dma_wait3A_404 = tpu.memref_squeeze %dma_wait3A_403 : memref<1x40x128xf32, #tpu.memory_space<vmem>> -> memref<40x128xf32, #tpu.memory_space<vmem>>
      %dma_wait3A_405 = arith.constant 0 : i32
      %dma_wait3A_406 = tpu.memref_slice %arg5[%add3A_399, %dma_wait3A_405] : memref<64x40xi32, #tpu.memory_space<vmem>> -> memref<1x40xi32, #tpu.memory_space<vmem>>
      %dma_wait3A_407 = tpu.memref_squeeze %dma_wait3A_406 : memref<1x40xi32, #tpu.memory_space<vmem>> -> memref<40xi32, #tpu.memory_space<vmem>>
      %dma_wait3A_408 = arith.constant 0 : i32
      %dma_wait3A_409 = arith.constant 0 : i32
      %dma_wait3A_410 = tpu.memref_slice %arg2[%dma_wait3A_408, %dma_wait3A_409] : memref<10000x128xf32, #tpu.memory_space<hbm>> -> memref<10000x128xf32, #tpu.memory_space<hbm>>
      tpu.wait_indirect_dma semaphore(%arg13 : memref<!tpu.dma_semaphore, #tpu.memory_space<semaphore_mem>>) src(%dma_wait3A_410 : memref<10000x128xf32, #tpu.memory_space<hbm>>) dst(%dma_wait3A_404 : memref<40x128xf32, #tpu.memory_space<vmem>>)
      %mul3A_411 = arith.constant 40 : i32
      %mul3A_412 = arith.muli %add3A_399, %mul3A_411 : i32
      %add3A_413 = arith.addi %mul3A_4, %mul3A_412 : i32
      %dma_start3A_414 = arith.constant 6 : i32
      %dma_start3A_415 = arith.constant 0 : i32
      %dma_start3A_416 = arith.constant 0 : i32
      %dma_start3A_417 = tpu.memref_slice %arg6[%dma_start3A_414, %dma_start3A_415, %dma_start3A_416] : memref<8x40x128xf32, #tpu.memory_space<vmem>> -> memref<1x40x128xf32, #tpu.memory_space<vmem>>
      %dma_start3A_418 = tpu.memref_squeeze %dma_start3A_417 : memref<1x40x128xf32, #tpu.memory_space<vmem>> -> memref<40x128xf32, #tpu.memory_space<vmem>>
      %dma_start3A_419 = arith.constant 0 : i32
      %dma_start3A_420 = tpu.memref_slice %arg4[%add3A_413, %dma_start3A_419] : memref<81920x128xf32, #tpu.memory_space<hbm>> -> memref<40x128xf32, #tpu.memory_space<hbm>>
      %dma_start3A_421 = arith.constant 0 : i32
      %dma_start3A_422 = tpu.memref_slice %arg4[%add3A_413, %dma_start3A_421] : memref<81920x128xf32, #tpu.memory_space<hbm>> -> memref<40x128xf32, #tpu.memory_space<hbm>>
      %dma_start3A_423 = arith.constant 0 : i32
      %dma_start3A_424 = arith.constant 0 : i32
      %dma_start3A_425 = tpu.memref_slice %arg6[%dma_start3A_414, %dma_start3A_423, %dma_start3A_424] : memref<8x40x128xf32, #tpu.memory_space<vmem>> -> memref<1x40x128xf32, #tpu.memory_space<vmem>>
      %dma_start3A_426 = tpu.memref_squeeze %dma_start3A_425 : memref<1x40x128xf32, #tpu.memory_space<vmem>> -> memref<40x128xf32, #tpu.memory_space<vmem>>
      tpu.enqueue_dma source(%dma_start3A_426 : memref<40x128xf32, #tpu.memory_space<vmem>>) target(%dma_start3A_422 : memref<40x128xf32, #tpu.memory_space<hbm>>) target_semaphore(%arg21 : memref<!tpu.dma_semaphore, #tpu.memory_space<semaphore_mem>>)
      %add3A_427 = arith.constant 6 : i32
      %add3A_428 = arith.addi %add3A_399, %add3A_427 : i32
      %lt3A_429 = arith.constant 64 : i32
      %lt3A_430 = arith.cmpi slt, %add3A_428, %lt3A_429 : i32
      %convert_element_type3A_431 = arith.extui %lt3A_430 : i1 to i32
      %cond3A_432 = arith.constant 0 : i32
      %cond3A_433 = arith.cmpi ne, %convert_element_type3A_431, %cond3A_432 : i32
      scf.if %cond3A_433 {
        %ge3A = arith.constant 2 : i32
        %ge3A_472 = arith.cmpi sge, %add3A_399, %ge3A : i32
        %convert_element_type3A_473 = arith.extui %ge3A_472 : i1 to i32
        %cond3A_474 = arith.constant 0 : i32
        %cond3A_475 = arith.cmpi ne, %convert_element_type3A_473, %cond3A_474 : i32
        scf.if %cond3A_475 {
          %add3A_489 = arith.constant 6 : i32
          %add3A_490 = arith.addi %add3A_399, %add3A_489 : i32
          %sub3A = arith.constant 8 : i32
          %sub3A_491 = arith.subi %add3A_490, %sub3A : i32
          %mul3A_492 = arith.constant 40 : i32
          %mul3A_493 = arith.muli %sub3A_491, %mul3A_492 : i32
          %add3A_494 = arith.addi %mul3A_4, %mul3A_493 : i32
          %dma_wait3A_495 = arith.constant 4 : i32
          %dma_wait3A_496 = arith.constant 0 : i32
          %dma_wait3A_497 = arith.constant 0 : i32
          %dma_wait3A_498 = tpu.memref_slice %arg6[%dma_wait3A_495, %dma_wait3A_496, %dma_wait3A_497] : memref<8x40x128xf32, #tpu.memory_space<vmem>> -> memref<1x40x128xf32, #tpu.memory_space<vmem>>
          %dma_wait3A_499 = tpu.memref_squeeze %dma_wait3A_498 : memref<1x40x128xf32, #tpu.memory_space<vmem>> -> memref<40x128xf32, #tpu.memory_space<vmem>>
          %dma_wait3A_500 = arith.constant 0 : i32
          %dma_wait3A_501 = tpu.memref_slice %arg4[%add3A_494, %dma_wait3A_500] : memref<81920x128xf32, #tpu.memory_space<hbm>> -> memref<40x128xf32, #tpu.memory_space<hbm>>
          %dma_wait3A_502 = arith.constant 0 : i32
          %dma_wait3A_503 = tpu.memref_slice %arg4[%add3A_494, %dma_wait3A_502] : memref<81920x128xf32, #tpu.memory_space<hbm>> -> memref<40x128xf32, #tpu.memory_space<hbm>>
          %dma_wait3A_504 = arith.constant 0 : i32
          %dma_wait3A_505 = arith.constant 0 : i32
          %dma_wait3A_506 = tpu.memref_slice %arg6[%dma_wait3A_495, %dma_wait3A_504, %dma_wait3A_505] : memref<8x40x128xf32, #tpu.memory_space<vmem>> -> memref<1x40x128xf32, #tpu.memory_space<vmem>>
          %dma_wait3A_507 = tpu.memref_squeeze %dma_wait3A_506 : memref<1x40x128xf32, #tpu.memory_space<vmem>> -> memref<40x128xf32, #tpu.memory_space<vmem>>
          tpu.wait_dma2 semaphore(%arg19 : memref<!tpu.dma_semaphore, #tpu.memory_space<semaphore_mem>>) src(%dma_wait3A_507 : memref<40x128xf32, #tpu.memory_space<vmem>>) dst(%dma_wait3A_503 : memref<40x128xf32, #tpu.memory_space<hbm>>)
        } else {
        }
        %add3A_476 = arith.constant 6 : i32
        %add3A_477 = arith.addi %add3A_399, %add3A_476 : i32
        %dma_start3A_478 = arith.constant 4 : i32
        %dma_start3A_479 = arith.constant 0 : i32
        %dma_start3A_480 = arith.constant 0 : i32
        %dma_start3A_481 = tpu.memref_slice %arg6[%dma_start3A_478, %dma_start3A_479, %dma_start3A_480] : memref<8x40x128xf32, #tpu.memory_space<vmem>> -> memref<1x40x128xf32, #tpu.memory_space<vmem>>
        %dma_start3A_482 = tpu.memref_squeeze %dma_start3A_481 : memref<1x40x128xf32, #tpu.memory_space<vmem>> -> memref<40x128xf32, #tpu.memory_space<vmem>>
        %dma_start3A_483 = arith.constant 0 : i32
        %dma_start3A_484 = tpu.memref_slice %arg5[%add3A_477, %dma_start3A_483] : memref<64x40xi32, #tpu.memory_space<vmem>> -> memref<1x40xi32, #tpu.memory_space<vmem>>
        %dma_start3A_485 = tpu.memref_squeeze %dma_start3A_484 : memref<1x40xi32, #tpu.memory_space<vmem>> -> memref<40xi32, #tpu.memory_space<vmem>>
        %dma_start3A_486 = arith.constant 0 : i32
        %dma_start3A_487 = arith.constant 0 : i32
        %dma_start3A_488 = tpu.memref_slice %arg2[%dma_start3A_486, %dma_start3A_487] : memref<10000x128xf32, #tpu.memory_space<hbm>> -> memref<10000x128xf32, #tpu.memory_space<hbm>>
        tpu.enqueue_indirect_dma source(%dma_start3A_488 : memref<10000x128xf32, #tpu.memory_space<hbm>>) target(%dma_start3A_482 : memref<40x128xf32, #tpu.memory_space<vmem>>) offsets(%dma_start3A_485 : memref<40xi32, #tpu.memory_space<vmem>>) semaphore(%arg11 : memref<!tpu.dma_semaphore, #tpu.memory_space<semaphore_mem>>)
      } else {
      }
      %mul3A_434 = arith.constant 8 : i32
      %mul3A_435 = arith.muli %scan3A_170, %mul3A_434 : i32
      %add3A_436 = arith.constant 7 : i32
      %add3A_437 = arith.addi %mul3A_435, %add3A_436 : i32
      %dma_wait3A_438 = arith.constant 7 : i32
      %dma_wait3A_439 = arith.constant 0 : i32
      %dma_wait3A_440 = arith.constant 0 : i32
      %dma_wait3A_441 = tpu.memref_slice %arg6[%dma_wait3A_438, %dma_wait3A_439, %dma_wait3A_440] : memref<8x40x128xf32, #tpu.memory_space<vmem>> -> memref<1x40x128xf32, #tpu.memory_space<vmem>>
      %dma_wait3A_442 = tpu.memref_squeeze %dma_wait3A_441 : memref<1x40x128xf32, #tpu.memory_space<vmem>> -> memref<40x128xf32, #tpu.memory_space<vmem>>
      %dma_wait3A_443 = arith.constant 0 : i32
      %dma_wait3A_444 = tpu.memref_slice %arg5[%add3A_437, %dma_wait3A_443] : memref<64x40xi32, #tpu.memory_space<vmem>> -> memref<1x40xi32, #tpu.memory_space<vmem>>
      %dma_wait3A_445 = tpu.memref_squeeze %dma_wait3A_444 : memref<1x40xi32, #tpu.memory_space<vmem>> -> memref<40xi32, #tpu.memory_space<vmem>>
      %dma_wait3A_446 = arith.constant 0 : i32
      %dma_wait3A_447 = arith.constant 0 : i32
      %dma_wait3A_448 = tpu.memref_slice %arg2[%dma_wait3A_446, %dma_wait3A_447] : memref<10000x128xf32, #tpu.memory_space<hbm>> -> memref<10000x128xf32, #tpu.memory_space<hbm>>
      tpu.wait_indirect_dma semaphore(%arg14 : memref<!tpu.dma_semaphore, #tpu.memory_space<semaphore_mem>>) src(%dma_wait3A_448 : memref<10000x128xf32, #tpu.memory_space<hbm>>) dst(%dma_wait3A_442 : memref<40x128xf32, #tpu.memory_space<vmem>>)
      %mul3A_449 = arith.constant 40 : i32
      %mul3A_450 = arith.muli %add3A_437, %mul3A_449 : i32
      %add3A_451 = arith.addi %mul3A_4, %mul3A_450 : i32
      %dma_start3A_452 = arith.constant 7 : i32
      %dma_start3A_453 = arith.constant 0 : i32
      %dma_start3A_454 = arith.constant 0 : i32
      %dma_start3A_455 = tpu.memref_slice %arg6[%dma_start3A_452, %dma_start3A_453, %dma_start3A_454] : memref<8x40x128xf32, #tpu.memory_space<vmem>> -> memref<1x40x128xf32, #tpu.memory_space<vmem>>
      %dma_start3A_456 = tpu.memref_squeeze %dma_start3A_455 : memref<1x40x128xf32, #tpu.memory_space<vmem>> -> memref<40x128xf32, #tpu.memory_space<vmem>>
      %dma_start3A_457 = arith.constant 0 : i32
      %dma_start3A_458 = tpu.memref_slice %arg4[%add3A_451, %dma_start3A_457] : memref<81920x128xf32, #tpu.memory_space<hbm>> -> memref<40x128xf32, #tpu.memory_space<hbm>>
      %dma_start3A_459 = arith.constant 0 : i32
      %dma_start3A_460 = tpu.memref_slice %arg4[%add3A_451, %dma_start3A_459] : memref<81920x128xf32, #tpu.memory_space<hbm>> -> memref<40x128xf32, #tpu.memory_space<hbm>>
      %dma_start3A_461 = arith.constant 0 : i32
      %dma_start3A_462 = arith.constant 0 : i32
      %dma_start3A_463 = tpu.memref_slice %arg6[%dma_start3A_452, %dma_start3A_461, %dma_start3A_462] : memref<8x40x128xf32, #tpu.memory_space<vmem>> -> memref<1x40x128xf32, #tpu.memory_space<vmem>>
      %dma_start3A_464 = tpu.memref_squeeze %dma_start3A_463 : memref<1x40x128xf32, #tpu.memory_space<vmem>> -> memref<40x128xf32, #tpu.memory_space<vmem>>
      tpu.enqueue_dma source(%dma_start3A_464 : memref<40x128xf32, #tpu.memory_space<vmem>>) target(%dma_start3A_460 : memref<40x128xf32, #tpu.memory_space<hbm>>) target_semaphore(%arg22 : memref<!tpu.dma_semaphore, #tpu.memory_space<semaphore_mem>>)
      %add3A_465 = arith.constant 6 : i32
      %add3A_466 = arith.addi %add3A_437, %add3A_465 : i32
      %lt3A_467 = arith.constant 64 : i32
      %lt3A_468 = arith.cmpi slt, %add3A_466, %lt3A_467 : i32
      %convert_element_type3A_469 = arith.extui %lt3A_468 : i1 to i32
      %cond3A_470 = arith.constant 0 : i32
      %cond3A_471 = arith.cmpi ne, %convert_element_type3A_469, %cond3A_470 : i32
      scf.if %cond3A_471 {
        %ge3A = arith.constant 2 : i32
        %ge3A_472 = arith.cmpi sge, %add3A_437, %ge3A : i32
        %convert_element_type3A_473 = arith.extui %ge3A_472 : i1 to i32
        %cond3A_474 = arith.constant 0 : i32
        %cond3A_475 = arith.cmpi ne, %convert_element_type3A_473, %cond3A_474 : i32
        scf.if %cond3A_475 {
          %add3A_489 = arith.constant 6 : i32
          %add3A_490 = arith.addi %add3A_437, %add3A_489 : i32
          %sub3A = arith.constant 8 : i32
          %sub3A_491 = arith.subi %add3A_490, %sub3A : i32
          %mul3A_492 = arith.constant 40 : i32
          %mul3A_493 = arith.muli %sub3A_491, %mul3A_492 : i32
          %add3A_494 = arith.addi %mul3A_4, %mul3A_493 : i32
          %dma_wait3A_495 = arith.constant 5 : i32
          %dma_wait3A_496 = arith.constant 0 : i32
          %dma_wait3A_497 = arith.constant 0 : i32
          %dma_wait3A_498 = tpu.memref_slice %arg6[%dma_wait3A_495, %dma_wait3A_496, %dma_wait3A_497] : memref<8x40x128xf32, #tpu.memory_space<vmem>> -> memref<1x40x128xf32, #tpu.memory_space<vmem>>
          %dma_wait3A_499 = tpu.memref_squeeze %dma_wait3A_498 : memref<1x40x128xf32, #tpu.memory_space<vmem>> -> memref<40x128xf32, #tpu.memory_space<vmem>>
          %dma_wait3A_500 = arith.constant 0 : i32
          %dma_wait3A_501 = tpu.memref_slice %arg4[%add3A_494, %dma_wait3A_500] : memref<81920x128xf32, #tpu.memory_space<hbm>> -> memref<40x128xf32, #tpu.memory_space<hbm>>
          %dma_wait3A_502 = arith.constant 0 : i32
          %dma_wait3A_503 = tpu.memref_slice %arg4[%add3A_494, %dma_wait3A_502] : memref<81920x128xf32, #tpu.memory_space<hbm>> -> memref<40x128xf32, #tpu.memory_space<hbm>>
          %dma_wait3A_504 = arith.constant 0 : i32
          %dma_wait3A_505 = arith.constant 0 : i32
          %dma_wait3A_506 = tpu.memref_slice %arg6[%dma_wait3A_495, %dma_wait3A_504, %dma_wait3A_505] : memref<8x40x128xf32, #tpu.memory_space<vmem>> -> memref<1x40x128xf32, #tpu.memory_space<vmem>>
          %dma_wait3A_507 = tpu.memref_squeeze %dma_wait3A_506 : memref<1x40x128xf32, #tpu.memory_space<vmem>> -> memref<40x128xf32, #tpu.memory_space<vmem>>
          tpu.wait_dma2 semaphore(%arg20 : memref<!tpu.dma_semaphore, #tpu.memory_space<semaphore_mem>>) src(%dma_wait3A_507 : memref<40x128xf32, #tpu.memory_space<vmem>>) dst(%dma_wait3A_503 : memref<40x128xf32, #tpu.memory_space<hbm>>)
        } else {
        }
        %add3A_476 = arith.constant 6 : i32
        %add3A_477 = arith.addi %add3A_437, %add3A_476 : i32
        %dma_start3A_478 = arith.constant 5 : i32
        %dma_start3A_479 = arith.constant 0 : i32
        %dma_start3A_480 = arith.constant 0 : i32
        %dma_start3A_481 = tpu.memref_slice %arg6[%dma_start3A_478, %dma_start3A_479, %dma_start3A_480] : memref<8x40x128xf32, #tpu.memory_space<vmem>> -> memref<1x40x128xf32, #tpu.memory_space<vmem>>
        %dma_start3A_482 = tpu.memref_squeeze %dma_start3A_481 : memref<1x40x128xf32, #tpu.memory_space<vmem>> -> memref<40x128xf32, #tpu.memory_space<vmem>>
        %dma_start3A_483 = arith.constant 0 : i32
        %dma_start3A_484 = tpu.memref_slice %arg5[%add3A_477, %dma_start3A_483] : memref<64x40xi32, #tpu.memory_space<vmem>> -> memref<1x40xi32, #tpu.memory_space<vmem>>
        %dma_start3A_485 = tpu.memref_squeeze %dma_start3A_484 : memref<1x40xi32, #tpu.memory_space<vmem>> -> memref<40xi32, #tpu.memory_space<vmem>>
        %dma_start3A_486 = arith.constant 0 : i32
        %dma_start3A_487 = arith.constant 0 : i32
        %dma_start3A_488 = tpu.memref_slice %arg2[%dma_start3A_486, %dma_start3A_487] : memref<10000x128xf32, #tpu.memory_space<hbm>> -> memref<10000x128xf32, #tpu.memory_space<hbm>>
        tpu.enqueue_indirect_dma source(%dma_start3A_488 : memref<10000x128xf32, #tpu.memory_space<hbm>>) target(%dma_start3A_482 : memref<40x128xf32, #tpu.memory_space<vmem>>) offsets(%dma_start3A_485 : memref<40xi32, #tpu.memory_space<vmem>>) semaphore(%arg12 : memref<!tpu.dma_semaphore, #tpu.memory_space<semaphore_mem>>)
      } else {
      }
    }
    %scan3A_80 = arith.constant 8 : i32
    %add3A_81 = arith.constant 2320 : i32
    %add3A_82 = arith.addi %mul3A_4, %add3A_81 : i32
    %dma_wait3A = arith.constant 2 : i32
    %dma_wait3A_83 = arith.constant 0 : i32
    %dma_wait3A_84 = arith.constant 0 : i32
    %dma_wait3A_85 = tpu.memref_slice %arg6[%dma_wait3A, %dma_wait3A_83, %dma_wait3A_84] : memref<8x40x128xf32, #tpu.memory_space<vmem>> -> memref<1x40x128xf32, #tpu.memory_space<vmem>>
    %dma_wait3A_86 = tpu.memref_squeeze %dma_wait3A_85 : memref<1x40x128xf32, #tpu.memory_space<vmem>> -> memref<40x128xf32, #tpu.memory_space<vmem>>
    %dma_wait3A_87 = arith.constant 0 : i32
    %dma_wait3A_88 = tpu.memref_slice %arg4[%add3A_82, %dma_wait3A_87] : memref<81920x128xf32, #tpu.memory_space<hbm>> -> memref<40x128xf32, #tpu.memory_space<hbm>>
    %dma_wait3A_89 = arith.constant 0 : i32
    %dma_wait3A_90 = tpu.memref_slice %arg4[%add3A_82, %dma_wait3A_89] : memref<81920x128xf32, #tpu.memory_space<hbm>> -> memref<40x128xf32, #tpu.memory_space<hbm>>
    %dma_wait3A_91 = arith.constant 0 : i32
    %dma_wait3A_92 = arith.constant 0 : i32
    %dma_wait3A_93 = tpu.memref_slice %arg6[%dma_wait3A, %dma_wait3A_91, %dma_wait3A_92] : memref<8x40x128xf32, #tpu.memory_space<vmem>> -> memref<1x40x128xf32, #tpu.memory_space<vmem>>
    %dma_wait3A_94 = tpu.memref_squeeze %dma_wait3A_93 : memref<1x40x128xf32, #tpu.memory_space<vmem>> -> memref<40x128xf32, #tpu.memory_space<vmem>>
    tpu.wait_dma2 semaphore(%arg17 : memref<!tpu.dma_semaphore, #tpu.memory_space<semaphore_mem>>) src(%dma_wait3A_94 : memref<40x128xf32, #tpu.memory_space<vmem>>) dst(%dma_wait3A_90 : memref<40x128xf32, #tpu.memory_space<hbm>>)
    %add3A_95 = arith.constant 2360 : i32
    %add3A_96 = arith.addi %mul3A_4, %add3A_95 : i32
    %dma_wait3A_97 = arith.constant 3 : i32
    %dma_wait3A_98 = arith.constant 0 : i32
    %dma_wait3A_99 = arith.constant 0 : i32
    %dma_wait3A_100 = tpu.memref_slice %arg6[%dma_wait3A_97, %dma_wait3A_98, %dma_wait3A_99] : memref<8x40x128xf32, #tpu.memory_space<vmem>> -> memref<1x40x128xf32, #tpu.memory_space<vmem>>
    %dma_wait3A_101 = tpu.memref_squeeze %dma_wait3A_100 : memref<1x40x128xf32, #tpu.memory_space<vmem>> -> memref<40x128xf32, #tpu.memory_space<vmem>>
    %dma_wait3A_102 = arith.constant 0 : i32
    %dma_wait3A_103 = tpu.memref_slice %arg4[%add3A_96, %dma_wait3A_102] : memref<81920x128xf32, #tpu.memory_space<hbm>> -> memref<40x128xf32, #tpu.memory_space<hbm>>
    %dma_wait3A_104 = arith.constant 0 : i32
    %dma_wait3A_105 = tpu.memref_slice %arg4[%add3A_96, %dma_wait3A_104] : memref<81920x128xf32, #tpu.memory_space<hbm>> -> memref<40x128xf32, #tpu.memory_space<hbm>>
    %dma_wait3A_106 = arith.constant 0 : i32
    %dma_wait3A_107 = arith.constant 0 : i32
    %dma_wait3A_108 = tpu.memref_slice %arg6[%dma_wait3A_97, %dma_wait3A_106, %dma_wait3A_107] : memref<8x40x128xf32, #tpu.memory_space<vmem>> -> memref<1x40x128xf32, #tpu.memory_space<vmem>>
    %dma_wait3A_109 = tpu.memref_squeeze %dma_wait3A_108 : memref<1x40x128xf32, #tpu.memory_space<vmem>> -> memref<40x128xf32, #tpu.memory_space<vmem>>
    tpu.wait_dma2 semaphore(%arg18 : memref<!tpu.dma_semaphore, #tpu.memory_space<semaphore_mem>>) src(%dma_wait3A_109 : memref<40x128xf32, #tpu.memory_space<vmem>>) dst(%dma_wait3A_105 : memref<40x128xf32, #tpu.memory_space<hbm>>)
    %add3A_110 = arith.constant 2400 : i32
    %add3A_111 = arith.addi %mul3A_4, %add3A_110 : i32
    %dma_wait3A_112 = arith.constant 4 : i32
    %dma_wait3A_113 = arith.constant 0 : i32
    %dma_wait3A_114 = arith.constant 0 : i32
    %dma_wait3A_115 = tpu.memref_slice %arg6[%dma_wait3A_112, %dma_wait3A_113, %dma_wait3A_114] : memref<8x40x128xf32, #tpu.memory_space<vmem>> -> memref<1x40x128xf32, #tpu.memory_space<vmem>>
    %dma_wait3A_116 = tpu.memref_squeeze %dma_wait3A_115 : memref<1x40x128xf32, #tpu.memory_space<vmem>> -> memref<40x128xf32, #tpu.memory_space<vmem>>
    %dma_wait3A_117 = arith.constant 0 : i32
    %dma_wait3A_118 = tpu.memref_slice %arg4[%add3A_111, %dma_wait3A_117] : memref<81920x128xf32, #tpu.memory_space<hbm>> -> memref<40x128xf32, #tpu.memory_space<hbm>>
    %dma_wait3A_119 = arith.constant 0 : i32
    %dma_wait3A_120 = tpu.memref_slice %arg4[%add3A_111, %dma_wait3A_119] : memref<81920x128xf32, #tpu.memory_space<hbm>> -> memref<40x128xf32, #tpu.memory_space<hbm>>
    %dma_wait3A_121 = arith.constant 0 : i32
    %dma_wait3A_122 = arith.constant 0 : i32
    %dma_wait3A_123 = tpu.memref_slice %arg6[%dma_wait3A_112, %dma_wait3A_121, %dma_wait3A_122] : memref<8x40x128xf32, #tpu.memory_space<vmem>> -> memref<1x40x128xf32, #tpu.memory_space<vmem>>
    %dma_wait3A_124 = tpu.memref_squeeze %dma_wait3A_123 : memref<1x40x128xf32, #tpu.memory_space<vmem>> -> memref<40x128xf32, #tpu.memory_space<vmem>>
    tpu.wait_dma2 semaphore(%arg19 : memref<!tpu.dma_semaphore, #tpu.memory_space<semaphore_mem>>) src(%dma_wait3A_124 : memref<40x128xf32, #tpu.memory_space<vmem>>) dst(%dma_wait3A_120 : memref<40x128xf32, #tpu.memory_space<hbm>>)
    %add3A_125 = arith.constant 2440 : i32
    %add3A_126 = arith.addi %mul3A_4, %add3A_125 : i32
    %dma_wait3A_127 = arith.constant 5 : i32
    %dma_wait3A_128 = arith.constant 0 : i32
    %dma_wait3A_129 = arith.constant 0 : i32
    %dma_wait3A_130 = tpu.memref_slice %arg6[%dma_wait3A_127, %dma_wait3A_128, %dma_wait3A_129] : memref<8x40x128xf32, #tpu.memory_space<vmem>> -> memref<1x40x128xf32, #tpu.memory_space<vmem>>
    %dma_wait3A_131 = tpu.memref_squeeze %dma_wait3A_130 : memref<1x40x128xf32, #tpu.memory_space<vmem>> -> memref<40x128xf32, #tpu.memory_space<vmem>>
    %dma_wait3A_132 = arith.constant 0 : i32
    %dma_wait3A_133 = tpu.memref_slice %arg4[%add3A_126, %dma_wait3A_132] : memref<81920x128xf32, #tpu.memory_space<hbm>> -> memref<40x128xf32, #tpu.memory_space<hbm>>
    %dma_wait3A_134 = arith.constant 0 : i32
    %dma_wait3A_135 = tpu.memref_slice %arg4[%add3A_126, %dma_wait3A_134] : memref<81920x128xf32, #tpu.memory_space<hbm>> -> memref<40x128xf32, #tpu.memory_space<hbm>>
    %dma_wait3A_136 = arith.constant 0 : i32
    %dma_wait3A_137 = arith.constant 0 : i32
    %dma_wait3A_138 = tpu.memref_slice %arg6[%dma_wait3A_127, %dma_wait3A_136, %dma_wait3A_137] : memref<8x40x128xf32, #tpu.memory_space<vmem>> -> memref<1x40x128xf32, #tpu.memory_space<vmem>>
    %dma_wait3A_139 = tpu.memref_squeeze %dma_wait3A_138 : memref<1x40x128xf32, #tpu.memory_space<vmem>> -> memref<40x128xf32, #tpu.memory_space<vmem>>
    tpu.wait_dma2 semaphore(%arg20 : memref<!tpu.dma_semaphore, #tpu.memory_space<semaphore_mem>>) src(%dma_wait3A_139 : memref<40x128xf32, #tpu.memory_space<vmem>>) dst(%dma_wait3A_135 : memref<40x128xf32, #tpu.memory_space<hbm>>)
    %add3A_140 = arith.constant 2480 : i32
    %add3A_141 = arith.addi %mul3A_4, %add3A_140 : i32
    %dma_wait3A_142 = arith.constant 6 : i32
    %dma_wait3A_143 = arith.constant 0 : i32
    %dma_wait3A_144 = arith.constant 0 : i32
    %dma_wait3A_145 = tpu.memref_slice %arg6[%dma_wait3A_142, %dma_wait3A_143, %dma_wait3A_144] : memref<8x40x128xf32, #tpu.memory_space<vmem>> -> memref<1x40x128xf32, #tpu.memory_space<vmem>>
    %dma_wait3A_146 = tpu.memref_squeeze %dma_wait3A_145 : memref<1x40x128xf32, #tpu.memory_space<vmem>> -> memref<40x128xf32, #tpu.memory_space<vmem>>
    %dma_wait3A_147 = arith.constant 0 : i32
    %dma_wait3A_148 = tpu.memref_slice %arg4[%add3A_141, %dma_wait3A_147] : memref<81920x128xf32, #tpu.memory_space<hbm>> -> memref<40x128xf32, #tpu.memory_space<hbm>>
    %dma_wait3A_149 = arith.constant 0 : i32
    %dma_wait3A_150 = tpu.memref_slice %arg4[%add3A_141, %dma_wait3A_149] : memref<81920x128xf32, #tpu.memory_space<hbm>> -> memref<40x128xf32, #tpu.memory_space<hbm>>
    %dma_wait3A_151 = arith.constant 0 : i32
    %dma_wait3A_152 = arith.constant 0 : i32
    %dma_wait3A_153 = tpu.memref_slice %arg6[%dma_wait3A_142, %dma_wait3A_151, %dma_wait3A_152] : memref<8x40x128xf32, #tpu.memory_space<vmem>> -> memref<1x40x128xf32, #tpu.memory_space<vmem>>
    %dma_wait3A_154 = tpu.memref_squeeze %dma_wait3A_153 : memref<1x40x128xf32, #tpu.memory_space<vmem>> -> memref<40x128xf32, #tpu.memory_space<vmem>>
    tpu.wait_dma2 semaphore(%arg21 : memref<!tpu.dma_semaphore, #tpu.memory_space<semaphore_mem>>) src(%dma_wait3A_154 : memref<40x128xf32, #tpu.memory_space<vmem>>) dst(%dma_wait3A_150 : memref<40x128xf32, #tpu.memory_space<hbm>>)
    %add3A_155 = arith.constant 2520 : i32
    %add3A_156 = arith.addi %mul3A_4, %add3A_155 : i32
    %dma_wait3A_157 = arith.constant 7 : i32
    %dma_wait3A_158 = arith.constant 0 : i32
    %dma_wait3A_159 = arith.constant 0 : i32
    %dma_wait3A_160 = tpu.memref_slice %arg6[%dma_wait3A_157, %dma_wait3A_158, %dma_wait3A_159] : memref<8x40x128xf32, #tpu.memory_space<vmem>> -> memref<1x40x128xf32, #tpu.memory_space<vmem>>
    %dma_wait3A_161 = tpu.memref_squeeze %dma_wait3A_160 : memref<1x40x128xf32, #tpu.memory_space<vmem>> -> memref<40x128xf32, #tpu.memory_space<vmem>>
    %dma_wait3A_162 = arith.constant 0 : i32
    %dma_wait3A_163 = tpu.memref_slice %arg4[%add3A_156, %dma_wait3A_162] : memref<81920x128xf32, #tpu.memory_space<hbm>> -> memref<40x128xf32, #tpu.memory_space<hbm>>
    %dma_wait3A_164 = arith.constant 0 : i32
    %dma_wait3A_165 = tpu.memref_slice %arg4[%add3A_156, %dma_wait3A_164] : memref<81920x128xf32, #tpu.memory_space<hbm>> -> memref<40x128xf32, #tpu.memory_space<hbm>>
    %dma_wait3A_166 = arith.constant 0 : i32
    %dma_wait3A_167 = arith.constant 0 : i32
    %dma_wait3A_168 = tpu.memref_slice %arg6[%dma_wait3A_157, %dma_wait3A_166, %dma_wait3A_167] : memref<8x40x128xf32, #tpu.memory_space<vmem>> -> memref<1x40x128xf32, #tpu.memory_space<vmem>>
    %dma_wait3A_169 = tpu.memref_squeeze %dma_wait3A_168 : memref<1x40x128xf32, #tpu.memory_space<vmem>> -> memref<40x128xf32, #tpu.memory_space<vmem>>
    tpu.wait_dma2 semaphore(%arg22 : memref<!tpu.dma_semaphore, #tpu.memory_space<semaphore_mem>>) src(%dma_wait3A_169 : memref<40x128xf32, #tpu.memory_space<vmem>>) dst(%dma_wait3A_165 : memref<40x128xf32, #tpu.memory_space<hbm>>)
    return
  }
}

#map = affine_map<(d0, d1) -> (0, 0)>
module attributes {stable_mosaic.version = 14 : i64} {
  func.func @body(%arg0: i32, %arg1: i32, %arg2: memref<10000x128xf32, #tpu.memory_space<hbm>>, %arg3: memref<2048x40xi32, #tpu.memory_space<hbm>>, %arg4: memref<81920x128xf32, #tpu.memory_space<hbm>>, %arg5: memref<64x40xi32, #tpu.memory_space<vmem>>, %arg6: memref<8x40x128xf32, #tpu.memory_space<vmem>>, %arg7: memref<!tpu.dma_semaphore, #tpu.memory_space<semaphore_mem>>, %arg8: memref<!tpu.dma_semaphore, #tpu.memory_space<semaphore_mem>>, %arg9: memref<!tpu.dma_semaphore, #tpu.memory_space<semaphore_mem>>, %arg10: memref<!tpu.dma_semaphore, #tpu.memory_space<semaphore_mem>>, %arg11: memref<!tpu.dma_semaphore, #tpu.memory_space<semaphore_mem>>, %arg12: memref<!tpu.dma_semaphore, #tpu.memory_space<semaphore_mem>>, %arg13: memref<!tpu.dma_semaphore, #tpu.memory_space<semaphore_mem>>, %arg14: memref<!tpu.dma_semaphore, #tpu.memory_space<semaphore_mem>>, %arg15: memref<!tpu.dma_semaphore, #tpu.memory_space<semaphore_mem>>, %arg16: memref<!tpu.dma_semaphore, #tpu.memory_space<semaphore_mem>>, %arg17: memref<!tpu.dma_semaphore, #tpu.memory_space<semaphore_mem>>, %arg18: memref<!tpu.dma_semaphore, #tpu.memory_space<semaphore_mem>>, %arg19: memref<!tpu.dma_semaphore, #tpu.memory_space<semaphore_mem>>, %arg20: memref<!tpu.dma_semaphore, #tpu.memory_space<semaphore_mem>>, %arg21: memref<!tpu.dma_semaphore, #tpu.memory_space<semaphore_mem>>, %arg22: memref<!tpu.dma_semaphore, #tpu.memory_space<semaphore_mem>>) attributes {dimension_semantics = [#tpu.dimension_semantics<core_parallel>, #tpu.dimension_semantics<subcore_parallel>], iteration_bounds = array<i64: 2, 16>, scalar_prefetch = 0 : i64, scratch_operands = 18 : i64, tpu.core_type = #tpu.core_type<sc_vector_subcore>, window_params = [{transform_indices = #map}, {transform_indices = #map}, {transform_indices = #map}]} {
    %mul3A = arith.constant 2 : i32
    %mul3A_0 = arith.muli %arg1, %mul3A : i32
    %add3A = arith.addi %mul3A_0, %arg0 : i32
    %mul3A_1 = arith.constant 64 : i32
    %mul3A_2 = arith.muli %add3A, %mul3A_1 : i32
    %mul3A_3 = arith.constant 40 : i32
    %mul3A_4 = arith.muli %mul3A_2, %mul3A_3 : i32
    "tpu.region"() ({
      %run_scoped3A = tpu.sem_alloc : memref<!tpu.dma_semaphore, #tpu.memory_space<semaphore_mem>>
      %dma_start3A_170 = arith.constant 0 : i32
      %dma_start3A_171 = tpu.memref_slice %arg3[%mul3A_2, %dma_start3A_170] : memref<2048x40xi32, #tpu.memory_space<hbm>> -> memref<64x40xi32, #tpu.memory_space<hbm>>
      %dma_start3A_172 = arith.constant 0 : i32
      %dma_start3A_173 = tpu.memref_slice %arg3[%mul3A_2, %dma_start3A_172] : memref<2048x40xi32, #tpu.memory_space<hbm>> -> memref<64x40xi32, #tpu.memory_space<hbm>>
      tpu.enqueue_dma source(%dma_start3A_173 : memref<64x40xi32, #tpu.memory_space<hbm>>) target(%arg5 : memref<64x40xi32, #tpu.memory_space<vmem>>) target_semaphore(%run_scoped3A : memref<!tpu.dma_semaphore, #tpu.memory_space<semaphore_mem>>)
      %dma_wait3A_174 = arith.constant 0 : i32
      %dma_wait3A_175 = tpu.memref_slice %arg3[%mul3A_2, %dma_wait3A_174] : memref<2048x40xi32, #tpu.memory_space<hbm>> -> memref<64x40xi32, #tpu.memory_space<hbm>>
      %dma_wait3A_176 = arith.constant 0 : i32
      %dma_wait3A_177 = tpu.memref_slice %arg3[%mul3A_2, %dma_wait3A_176] : memref<2048x40xi32, #tpu.memory_space<hbm>> -> memref<64x40xi32, #tpu.memory_space<hbm>>
      tpu.wait_dma2 semaphore(%run_scoped3A : memref<!tpu.dma_semaphore, #tpu.memory_space<semaphore_mem>>) src(%dma_wait3A_177 : memref<64x40xi32, #tpu.memory_space<hbm>>) dst(%arg5 : memref<64x40xi32, #tpu.memory_space<vmem>>)
      tpu.yield
    }) : () -> ()
    %dma_start3A = arith.constant 0 : i32
    %dma_start3A_5 = arith.constant 0 : i32
    %dma_start3A_6 = arith.constant 0 : i32
    %dma_start3A_7 = arith.constant 0 : i32
    %dma_start3A_8 = tpu.memref_slice %arg6[%dma_start3A_5, %dma_start3A_6, %dma_start3A_7] : memref<8x40x128xf32, #tpu.memory_space<vmem>> -> memref<1x40x128xf32, #tpu.memory_space<vmem>>
    %dma_start3A_9 = tpu.memref_squeeze %dma_start3A_8 : memref<1x40x128xf32, #tpu.memory_space<vmem>> -> memref<40x128xf32, #tpu.memory_space<vmem>>
    %dma_start3A_10 = arith.constant 0 : i32
    %dma_start3A_11 = tpu.memref_slice %arg5[%dma_start3A, %dma_start3A_10] : memref<64x40xi32, #tpu.memory_space<vmem>> -> memref<1x40xi32, #tpu.memory_space<vmem>>
    %dma_start3A_12 = tpu.memref_squeeze %dma_start3A_11 : memref<1x40xi32, #tpu.memory_space<vmem>> -> memref<40xi32, #tpu.memory_space<vmem>>
    %dma_start3A_13 = arith.constant 0 : i32
    %dma_start3A_14 = arith.constant 0 : i32
    %dma_start3A_15 = tpu.memref_slice %arg2[%dma_start3A_13, %dma_start3A_14] : memref<10000x128xf32, #tpu.memory_space<hbm>> -> memref<10000x128xf32, #tpu.memory_space<hbm>>
    tpu.enqueue_indirect_dma source(%dma_start3A_15 : memref<10000x128xf32, #tpu.memory_space<hbm>>) target(%dma_start3A_9 : memref<40x128xf32, #tpu.memory_space<vmem>>) offsets(%dma_start3A_12 : memref<40xi32, #tpu.memory_space<vmem>>) semaphore(%arg7 : memref<!tpu.dma_semaphore, #tpu.memory_space<semaphore_mem>>)
    %dma_start3A_16 = arith.constant 1 : i32
    %dma_start3A_17 = arith.constant 1 : i32
    %dma_start3A_18 = arith.constant 0 : i32
    %dma_start3A_19 = arith.constant 0 : i32
    %dma_start3A_20 = tpu.memref_slice %arg6[%dma_start3A_17, %dma_start3A_18, %dma_start3A_19] : memref<8x40x128xf32, #tpu.memory_space<vmem>> -> memref<1x40x128xf32, #tpu.memory_space<vmem>>
    %dma_start3A_21 = tpu.memref_squeeze %dma_start3A_20 : memref<1x40x128xf32, #tpu.memory_space<vmem>> -> memref<40x128xf32, #tpu.memory_space<vmem>>
    %dma_start3A_22 = arith.constant 0 : i32
    %dma_start3A_23 = tpu.memref_slice %arg5[%dma_start3A_16, %dma_start3A_22] : memref<64x40xi32, #tpu.memory_space<vmem>> -> memref<1x40xi32, #tpu.memory_space<vmem>>
    %dma_start3A_24 = tpu.memref_squeeze %dma_start3A_23 : memref<1x40xi32, #tpu.memory_space<vmem>> -> memref<40xi32, #tpu.memory_space<vmem>>
    %dma_start3A_25 = arith.constant 0 : i32
    %dma_start3A_26 = arith.constant 0 : i32
    %dma_start3A_27 = tpu.memref_slice %arg2[%dma_start3A_25, %dma_start3A_26] : memref<10000x128xf32, #tpu.memory_space<hbm>> -> memref<10000x128xf32, #tpu.memory_space<hbm>>
    tpu.enqueue_indirect_dma source(%dma_start3A_27 : memref<10000x128xf32, #tpu.memory_space<hbm>>) target(%dma_start3A_21 : memref<40x128xf32, #tpu.memory_space<vmem>>) offsets(%dma_start3A_24 : memref<40xi32, #tpu.memory_space<vmem>>) semaphore(%arg8 : memref<!tpu.dma_semaphore, #tpu.memory_space<semaphore_mem>>)
    %dma_start3A_28 = arith.constant 2 : i32
    %dma_start3A_29 = arith.constant 2 : i32
    %dma_start3A_30 = arith.constant 0 : i32
    %dma_start3A_31 = arith.constant 0 : i32
    %dma_start3A_32 = tpu.memref_slice %arg6[%dma_start3A_29, %dma_start3A_30, %dma_start3A_31] : memref<8x40x128xf32, #tpu.memory_space<vmem>> -> memref<1x40x128xf32, #tpu.memory_space<vmem>>
    %dma_start3A_33 = tpu.memref_squeeze %dma_start3A_32 : memref<1x40x128xf32, #tpu.memory_space<vmem>> -> memref<40x128xf32, #tpu.memory_space<vmem>>
    %dma_start3A_34 = arith.constant 0 : i32
    %dma_start3A_35 = tpu.memref_slice %arg5[%dma_start3A_28, %dma_start3A_34] : memref<64x40xi32, #tpu.memory_space<vmem>> -> memref<1x40xi32, #tpu.memory_space<vmem>>
    %dma_start3A_36 = tpu.memref_squeeze %dma_start3A_35 : memref<1x40xi32, #tpu.memory_space<vmem>> -> memref<40xi32, #tpu.memory_space<vmem>>
    %dma_start3A_37 = arith.constant 0 : i32
    %dma_start3A_38 = arith.constant 0 : i32
    %dma_start3A_39 = tpu.memref_slice %arg2[%dma_start3A_37, %dma_start3A_38] : memref<10000x128xf32, #tpu.memory_space<hbm>> -> memref<10000x128xf32, #tpu.memory_space<hbm>>
    tpu.enqueue_indirect_dma source(%dma_start3A_39 : memref<10000x128xf32, #tpu.memory_space<hbm>>) target(%dma_start3A_33 : memref<40x128xf32, #tpu.memory_space<vmem>>) offsets(%dma_start3A_36 : memref<40xi32, #tpu.memory_space<vmem>>) semaphore(%arg9 : memref<!tpu.dma_semaphore, #tpu.memory_space<semaphore_mem>>)
    %dma_start3A_40 = arith.constant 3 : i32
    %dma_start3A_41 = arith.constant 3 : i32
    %dma_start3A_42 = arith.constant 0 : i32
    %dma_start3A_43 = arith.constant 0 : i32
    %dma_start3A_44 = tpu.memref_slice %arg6[%dma_start3A_41, %dma_start3A_42, %dma_start3A_43] : memref<8x40x128xf32, #tpu.memory_space<vmem>> -> memref<1x40x128xf32, #tpu.memory_space<vmem>>
    %dma_start3A_45 = tpu.memref_squeeze %dma_start3A_44 : memref<1x40x128xf32, #tpu.memory_space<vmem>> -> memref<40x128xf32, #tpu.memory_space<vmem>>
    %dma_start3A_46 = arith.constant 0 : i32
    %dma_start3A_47 = tpu.memref_slice %arg5[%dma_start3A_40, %dma_start3A_46] : memref<64x40xi32, #tpu.memory_space<vmem>> -> memref<1x40xi32, #tpu.memory_space<vmem>>
    %dma_start3A_48 = tpu.memref_squeeze %dma_start3A_47 : memref<1x40xi32, #tpu.memory_space<vmem>> -> memref<40xi32, #tpu.memory_space<vmem>>
    %dma_start3A_49 = arith.constant 0 : i32
    %dma_start3A_50 = arith.constant 0 : i32
    %dma_start3A_51 = tpu.memref_slice %arg2[%dma_start3A_49, %dma_start3A_50] : memref<10000x128xf32, #tpu.memory_space<hbm>> -> memref<10000x128xf32, #tpu.memory_space<hbm>>
    tpu.enqueue_indirect_dma source(%dma_start3A_51 : memref<10000x128xf32, #tpu.memory_space<hbm>>) target(%dma_start3A_45 : memref<40x128xf32, #tpu.memory_space<vmem>>) offsets(%dma_start3A_48 : memref<40xi32, #tpu.memory_space<vmem>>) semaphore(%arg10 : memref<!tpu.dma_semaphore, #tpu.memory_space<semaphore_mem>>)
    %dma_start3A_52 = arith.constant 4 : i32
    %dma_start3A_53 = arith.constant 4 : i32
    %dma_start3A_54 = arith.constant 0 : i32
    %dma_start3A_55 = arith.constant 0 : i32
    %dma_start3A_56 = tpu.memref_slice %arg6[%dma_start3A_53, %dma_start3A_54, %dma_start3A_55] : memref<8x40x128xf32, #tpu.memory_space<vmem>> -> memref<1x40x128xf32, #tpu.memory_space<vmem>>
    %dma_start3A_57 = tpu.memref_squeeze %dma_start3A_56 : memref<1x40x128xf32, #tpu.memory_space<vmem>> -> memref<40x128xf32, #tpu.memory_space<vmem>>
    %dma_start3A_58 = arith.constant 0 : i32
    %dma_start3A_59 = tpu.memref_slice %arg5[%dma_start3A_52, %dma_start3A_58] : memref<64x40xi32, #tpu.memory_space<vmem>> -> memref<1x40xi32, #tpu.memory_space<vmem>>
    %dma_start3A_60 = tpu.memref_squeeze %dma_start3A_59 : memref<1x40xi32, #tpu.memory_space<vmem>> -> memref<40xi32, #tpu.memory_space<vmem>>
    %dma_start3A_61 = arith.constant 0 : i32
    %dma_start3A_62 = arith.constant 0 : i32
    %dma_start3A_63 = tpu.memref_slice %arg2[%dma_start3A_61, %dma_start3A_62] : memref<10000x128xf32, #tpu.memory_space<hbm>> -> memref<10000x128xf32, #tpu.memory_space<hbm>>
    tpu.enqueue_indirect_dma source(%dma_start3A_63 : memref<10000x128xf32, #tpu.memory_space<hbm>>) target(%dma_start3A_57 : memref<40x128xf32, #tpu.memory_space<vmem>>) offsets(%dma_start3A_60 : memref<40xi32, #tpu.memory_space<vmem>>) semaphore(%arg11 : memref<!tpu.dma_semaphore, #tpu.memory_space<semaphore_mem>>)
    %dma_start3A_64 = arith.constant 5 : i32
    %dma_start3A_65 = arith.constant 5 : i32
    %dma_start3A_66 = arith.constant 0 : i32
    %dma_start3A_67 = arith.constant 0 : i32
    %dma_start3A_68 = tpu.memref_slice %arg6[%dma_start3A_65, %dma_start3A_66, %dma_start3A_67] : memref<8x40x128xf32, #tpu.memory_space<vmem>> -> memref<1x40x128xf32, #tpu.memory_space<vmem>>
    %dma_start3A_69 = tpu.memref_squeeze %dma_start3A_68 : memref<1x40x128xf32, #tpu.memory_space<vmem>> -> memref<40x128xf32, #tpu.memory_space<vmem>>
    %dma_start3A_70 = arith.constant 0 : i32
    %dma_start3A_71 = tpu.memref_slice %arg5[%dma_start3A_64, %dma_start3A_70] : memref<64x40xi32, #tpu.memory_space<vmem>> -> memref<1x40xi32, #tpu.memory_space<vmem>>
    %dma_start3A_72 = tpu.memref_squeeze %dma_start3A_71 : memref<1x40xi32, #tpu.memory_space<vmem>> -> memref<40xi32, #tpu.memory_space<vmem>>
    %dma_start3A_73 = arith.constant 0 : i32
    %dma_start3A_74 = arith.constant 0 : i32
    %dma_start3A_75 = tpu.memref_slice %arg2[%dma_start3A_73, %dma_start3A_74] : memref<10000x128xf32, #tpu.memory_space<hbm>> -> memref<10000x128xf32, #tpu.memory_space<hbm>>
    tpu.enqueue_indirect_dma source(%dma_start3A_75 : memref<10000x128xf32, #tpu.memory_space<hbm>>) target(%dma_start3A_69 : memref<40x128xf32, #tpu.memory_space<vmem>>) offsets(%dma_start3A_72 : memref<40xi32, #tpu.memory_space<vmem>>) semaphore(%arg12 : memref<!tpu.dma_semaphore, #tpu.memory_space<semaphore_mem>>)
    %scan3A = arith.constant 0 : i32
    %scan3A_76 = arith.constant 0 : i32
    %scan3A_77 = arith.constant 8 : i32
    %scan3A_78 = arith.addi %scan3A_76, %scan3A_77 : i32
    %scan3A_79 = arith.constant 1 : i32
    scf.for %scan3A_170 = %scan3A_76 to %scan3A_78 step %scan3A_79  : i32 {
      %mul3A_171 = arith.constant 8 : i32
      %mul3A_172 = arith.muli %scan3A_170, %mul3A_171 : i32
      %add3A_173 = arith.constant 0 : i32
      %add3A_174 = arith.addi %mul3A_172, %add3A_173 : i32
      %dma_wait3A_175 = arith.constant 0 : i32
      %dma_wait3A_176 = arith.constant 0 : i32
      %dma_wait3A_177 = arith.constant 0 : i32
      %dma_wait3A_178 = tpu.memref_slice %arg6[%dma_wait3A_175, %dma_wait3A_176, %dma_wait3A_177] : memref<8x40x128xf32, #tpu.memory_space<vmem>> -> memref<1x40x128xf32, #tpu.memory_space<vmem>>
      %dma_wait3A_179 = tpu.memref_squeeze %dma_wait3A_178 : memref<1x40x128xf32, #tpu.memory_space<vmem>> -> memref<40x128xf32, #tpu.memory_space<vmem>>
      %dma_wait3A_180 = arith.constant 0 : i32
      %dma_wait3A_181 = tpu.memref_slice %arg5[%add3A_174, %dma_wait3A_180] : memref<64x40xi32, #tpu.memory_space<vmem>> -> memref<1x40xi32, #tpu.memory_space<vmem>>
      %dma_wait3A_182 = tpu.memref_squeeze %dma_wait3A_181 : memref<1x40xi32, #tpu.memory_space<vmem>> -> memref<40xi32, #tpu.memory_space<vmem>>
      %dma_wait3A_183 = arith.constant 0 : i32
      %dma_wait3A_184 = arith.constant 0 : i32
      %dma_wait3A_185 = tpu.memref_slice %arg2[%dma_wait3A_183, %dma_wait3A_184] : memref<10000x128xf32, #tpu.memory_space<hbm>> -> memref<10000x128xf32, #tpu.memory_space<hbm>>
      tpu.wait_indirect_dma semaphore(%arg7 : memref<!tpu.dma_semaphore, #tpu.memory_space<semaphore_mem>>) src(%dma_wait3A_185 : memref<10000x128xf32, #tpu.memory_space<hbm>>) dst(%dma_wait3A_179 : memref<40x128xf32, #tpu.memory_space<vmem>>)
      %mul3A_186 = arith.constant 40 : i32
      %mul3A_187 = arith.muli %add3A_174, %mul3A_186 : i32
      %add3A_188 = arith.addi %mul3A_4, %mul3A_187 : i32
      %dma_start3A_189 = arith.constant 0 : i32
      %dma_start3A_190 = arith.constant 0 : i32
      %dma_start3A_191 = arith.constant 0 : i32
      %dma_start3A_192 = tpu.memref_slice %arg6[%dma_start3A_189, %dma_start3A_190, %dma_start3A_191] : memref<8x40x128xf32, #tpu.memory_space<vmem>> -> memref<1x40x128xf32, #tpu.memory_space<vmem>>
      %dma_start3A_193 = tpu.memref_squeeze %dma_start3A_192 : memref<1x40x128xf32, #tpu.memory_space<vmem>> -> memref<40x128xf32, #tpu.memory_space<vmem>>
      %dma_start3A_194 = arith.constant 0 : i32
      %dma_start3A_195 = tpu.memref_slice %arg4[%add3A_188, %dma_start3A_194] : memref<81920x128xf32, #tpu.memory_space<hbm>> -> memref<40x128xf32, #tpu.memory_space<hbm>>
      %dma_start3A_196 = arith.constant 0 : i32
      %dma_start3A_197 = tpu.memref_slice %arg4[%add3A_188, %dma_start3A_196] : memref<81920x128xf32, #tpu.memory_space<hbm>> -> memref<40x128xf32, #tpu.memory_space<hbm>>
      %dma_start3A_198 = arith.constant 0 : i32
      %dma_start3A_199 = arith.constant 0 : i32
      %dma_start3A_200 = tpu.memref_slice %arg6[%dma_start3A_189, %dma_start3A_198, %dma_start3A_199] : memref<8x40x128xf32, #tpu.memory_space<vmem>> -> memref<1x40x128xf32, #tpu.memory_space<vmem>>
      %dma_start3A_201 = tpu.memref_squeeze %dma_start3A_200 : memref<1x40x128xf32, #tpu.memory_space<vmem>> -> memref<40x128xf32, #tpu.memory_space<vmem>>
      tpu.enqueue_dma source(%dma_start3A_201 : memref<40x128xf32, #tpu.memory_space<vmem>>) target(%dma_start3A_197 : memref<40x128xf32, #tpu.memory_space<hbm>>) target_semaphore(%arg15 : memref<!tpu.dma_semaphore, #tpu.memory_space<semaphore_mem>>)
      %add3A_202 = arith.constant 6 : i32
      %add3A_203 = arith.addi %add3A_174, %add3A_202 : i32
      %lt3A = arith.constant 64 : i32
      %lt3A_204 = arith.cmpi slt, %add3A_203, %lt3A : i32
      %convert_element_type3A = arith.extui %lt3A_204 : i1 to i32
      %cond3A = arith.constant 0 : i32
      %cond3A_205 = arith.cmpi ne, %convert_element_type3A, %cond3A : i32
      scf.if %cond3A_205 {
        %ge3A = arith.constant 2 : i32
        %ge3A_472 = arith.cmpi sge, %add3A_174, %ge3A : i32
        %convert_element_type3A_473 = arith.extui %ge3A_472 : i1 to i32
        %cond3A_474 = arith.constant 0 : i32
        %cond3A_475 = arith.cmpi ne, %convert_element_type3A_473, %cond3A_474 : i32
        scf.if %cond3A_475 {
          %add3A_489 = arith.constant 6 : i32
          %add3A_490 = arith.addi %add3A_174, %add3A_489 : i32
          %sub3A = arith.constant 8 : i32
          %sub3A_491 = arith.subi %add3A_490, %sub3A : i32
          %mul3A_492 = arith.constant 40 : i32
          %mul3A_493 = arith.muli %sub3A_491, %mul3A_492 : i32
          %add3A_494 = arith.addi %mul3A_4, %mul3A_493 : i32
          %dma_wait3A_495 = arith.constant 6 : i32
          %dma_wait3A_496 = arith.constant 0 : i32
          %dma_wait3A_497 = arith.constant 0 : i32
          %dma_wait3A_498 = tpu.memref_slice %arg6[%dma_wait3A_495, %dma_wait3A_496, %dma_wait3A_497] : memref<8x40x128xf32, #tpu.memory_space<vmem>> -> memref<1x40x128xf32, #tpu.memory_space<vmem>>
          %dma_wait3A_499 = tpu.memref_squeeze %dma_wait3A_498 : memref<1x40x128xf32, #tpu.memory_space<vmem>> -> memref<40x128xf32, #tpu.memory_space<vmem>>
          %dma_wait3A_500 = arith.constant 0 : i32
          %dma_wait3A_501 = tpu.memref_slice %arg4[%add3A_494, %dma_wait3A_500] : memref<81920x128xf32, #tpu.memory_space<hbm>> -> memref<40x128xf32, #tpu.memory_space<hbm>>
          %dma_wait3A_502 = arith.constant 0 : i32
          %dma_wait3A_503 = tpu.memref_slice %arg4[%add3A_494, %dma_wait3A_502] : memref<81920x128xf32, #tpu.memory_space<hbm>> -> memref<40x128xf32, #tpu.memory_space<hbm>>
          %dma_wait3A_504 = arith.constant 0 : i32
          %dma_wait3A_505 = arith.constant 0 : i32
          %dma_wait3A_506 = tpu.memref_slice %arg6[%dma_wait3A_495, %dma_wait3A_504, %dma_wait3A_505] : memref<8x40x128xf32, #tpu.memory_space<vmem>> -> memref<1x40x128xf32, #tpu.memory_space<vmem>>
          %dma_wait3A_507 = tpu.memref_squeeze %dma_wait3A_506 : memref<1x40x128xf32, #tpu.memory_space<vmem>> -> memref<40x128xf32, #tpu.memory_space<vmem>>
          tpu.wait_dma2 semaphore(%arg21 : memref<!tpu.dma_semaphore, #tpu.memory_space<semaphore_mem>>) src(%dma_wait3A_507 : memref<40x128xf32, #tpu.memory_space<vmem>>) dst(%dma_wait3A_503 : memref<40x128xf32, #tpu.memory_space<hbm>>)
        } else {
        }
        %add3A_476 = arith.constant 6 : i32
        %add3A_477 = arith.addi %add3A_174, %add3A_476 : i32
        %dma_start3A_478 = arith.constant 6 : i32
        %dma_start3A_479 = arith.constant 0 : i32
        %dma_start3A_480 = arith.constant 0 : i32
        %dma_start3A_481 = tpu.memref_slice %arg6[%dma_start3A_478, %dma_start3A_479, %dma_start3A_480] : memref<8x40x128xf32, #tpu.memory_space<vmem>> -> memref<1x40x128xf32, #tpu.memory_space<vmem>>
        %dma_start3A_482 = tpu.memref_squeeze %dma_start3A_481 : memref<1x40x128xf32, #tpu.memory_space<vmem>> -> memref<40x128xf32, #tpu.memory_space<vmem>>
        %dma_start3A_483 = arith.constant 0 : i32
        %dma_start3A_484 = tpu.memref_slice %arg5[%add3A_477, %dma_start3A_483] : memref<64x40xi32, #tpu.memory_space<vmem>> -> memref<1x40xi32, #tpu.memory_space<vmem>>
        %dma_start3A_485 = tpu.memref_squeeze %dma_start3A_484 : memref<1x40xi32, #tpu.memory_space<vmem>> -> memref<40xi32, #tpu.memory_space<vmem>>
        %dma_start3A_486 = arith.constant 0 : i32
        %dma_start3A_487 = arith.constant 0 : i32
        %dma_start3A_488 = tpu.memref_slice %arg2[%dma_start3A_486, %dma_start3A_487] : memref<10000x128xf32, #tpu.memory_space<hbm>> -> memref<10000x128xf32, #tpu.memory_space<hbm>>
        tpu.enqueue_indirect_dma source(%dma_start3A_488 : memref<10000x128xf32, #tpu.memory_space<hbm>>) target(%dma_start3A_482 : memref<40x128xf32, #tpu.memory_space<vmem>>) offsets(%dma_start3A_485 : memref<40xi32, #tpu.memory_space<vmem>>) semaphore(%arg13 : memref<!tpu.dma_semaphore, #tpu.memory_space<semaphore_mem>>)
      } else {
      }
      %mul3A_206 = arith.constant 8 : i32
      %mul3A_207 = arith.muli %scan3A_170, %mul3A_206 : i32
      %add3A_208 = arith.constant 1 : i32
      %add3A_209 = arith.addi %mul3A_207, %add3A_208 : i32
      %dma_wait3A_210 = arith.constant 1 : i32
      %dma_wait3A_211 = arith.constant 0 : i32
      %dma_wait3A_212 = arith.constant 0 : i32
      %dma_wait3A_213 = tpu.memref_slice %arg6[%dma_wait3A_210, %dma_wait3A_211, %dma_wait3A_212] : memref<8x40x128xf32, #tpu.memory_space<vmem>> -> memref<1x40x128xf32, #tpu.memory_space<vmem>>
      %dma_wait3A_214 = tpu.memref_squeeze %dma_wait3A_213 : memref<1x40x128xf32, #tpu.memory_space<vmem>> -> memref<40x128xf32, #tpu.memory_space<vmem>>
      %dma_wait3A_215 = arith.constant 0 : i32
      %dma_wait3A_216 = tpu.memref_slice %arg5[%add3A_209, %dma_wait3A_215] : memref<64x40xi32, #tpu.memory_space<vmem>> -> memref<1x40xi32, #tpu.memory_space<vmem>>
      %dma_wait3A_217 = tpu.memref_squeeze %dma_wait3A_216 : memref<1x40xi32, #tpu.memory_space<vmem>> -> memref<40xi32, #tpu.memory_space<vmem>>
      %dma_wait3A_218 = arith.constant 0 : i32
      %dma_wait3A_219 = arith.constant 0 : i32
      %dma_wait3A_220 = tpu.memref_slice %arg2[%dma_wait3A_218, %dma_wait3A_219] : memref<10000x128xf32, #tpu.memory_space<hbm>> -> memref<10000x128xf32, #tpu.memory_space<hbm>>
      tpu.wait_indirect_dma semaphore(%arg8 : memref<!tpu.dma_semaphore, #tpu.memory_space<semaphore_mem>>) src(%dma_wait3A_220 : memref<10000x128xf32, #tpu.memory_space<hbm>>) dst(%dma_wait3A_214 : memref<40x128xf32, #tpu.memory_space<vmem>>)
      %mul3A_221 = arith.constant 40 : i32
      %mul3A_222 = arith.muli %add3A_209, %mul3A_221 : i32
      %add3A_223 = arith.addi %mul3A_4, %mul3A_222 : i32
      %dma_start3A_224 = arith.constant 1 : i32
      %dma_start3A_225 = arith.constant 0 : i32
      %dma_start3A_226 = arith.constant 0 : i32
      %dma_start3A_227 = tpu.memref_slice %arg6[%dma_start3A_224, %dma_start3A_225, %dma_start3A_226] : memref<8x40x128xf32, #tpu.memory_space<vmem>> -> memref<1x40x128xf32, #tpu.memory_space<vmem>>
      %dma_start3A_228 = tpu.memref_squeeze %dma_start3A_227 : memref<1x40x128xf32, #tpu.memory_space<vmem>> -> memref<40x128xf32, #tpu.memory_space<vmem>>
      %dma_start3A_229 = arith.constant 0 : i32
      %dma_start3A_230 = tpu.memref_slice %arg4[%add3A_223, %dma_start3A_229] : memref<81920x128xf32, #tpu.memory_space<hbm>> -> memref<40x128xf32, #tpu.memory_space<hbm>>
      %dma_start3A_231 = arith.constant 0 : i32
      %dma_start3A_232 = tpu.memref_slice %arg4[%add3A_223, %dma_start3A_231] : memref<81920x128xf32, #tpu.memory_space<hbm>> -> memref<40x128xf32, #tpu.memory_space<hbm>>
      %dma_start3A_233 = arith.constant 0 : i32
      %dma_start3A_234 = arith.constant 0 : i32
      %dma_start3A_235 = tpu.memref_slice %arg6[%dma_start3A_224, %dma_start3A_233, %dma_start3A_234] : memref<8x40x128xf32, #tpu.memory_space<vmem>> -> memref<1x40x128xf32, #tpu.memory_space<vmem>>
      %dma_start3A_236 = tpu.memref_squeeze %dma_start3A_235 : memref<1x40x128xf32, #tpu.memory_space<vmem>> -> memref<40x128xf32, #tpu.memory_space<vmem>>
      tpu.enqueue_dma source(%dma_start3A_236 : memref<40x128xf32, #tpu.memory_space<vmem>>) target(%dma_start3A_232 : memref<40x128xf32, #tpu.memory_space<hbm>>) target_semaphore(%arg16 : memref<!tpu.dma_semaphore, #tpu.memory_space<semaphore_mem>>)
      %add3A_237 = arith.constant 6 : i32
      %add3A_238 = arith.addi %add3A_209, %add3A_237 : i32
      %lt3A_239 = arith.constant 64 : i32
      %lt3A_240 = arith.cmpi slt, %add3A_238, %lt3A_239 : i32
      %convert_element_type3A_241 = arith.extui %lt3A_240 : i1 to i32
      %cond3A_242 = arith.constant 0 : i32
      %cond3A_243 = arith.cmpi ne, %convert_element_type3A_241, %cond3A_242 : i32
      scf.if %cond3A_243 {
        %ge3A = arith.constant 2 : i32
        %ge3A_472 = arith.cmpi sge, %add3A_209, %ge3A : i32
        %convert_element_type3A_473 = arith.extui %ge3A_472 : i1 to i32
        %cond3A_474 = arith.constant 0 : i32
        %cond3A_475 = arith.cmpi ne, %convert_element_type3A_473, %cond3A_474 : i32
        scf.if %cond3A_475 {
          %add3A_489 = arith.constant 6 : i32
          %add3A_490 = arith.addi %add3A_209, %add3A_489 : i32
          %sub3A = arith.constant 8 : i32
          %sub3A_491 = arith.subi %add3A_490, %sub3A : i32
          %mul3A_492 = arith.constant 40 : i32
          %mul3A_493 = arith.muli %sub3A_491, %mul3A_492 : i32
          %add3A_494 = arith.addi %mul3A_4, %mul3A_493 : i32
          %dma_wait3A_495 = arith.constant 7 : i32
          %dma_wait3A_496 = arith.constant 0 : i32
          %dma_wait3A_497 = arith.constant 0 : i32
          %dma_wait3A_498 = tpu.memref_slice %arg6[%dma_wait3A_495, %dma_wait3A_496, %dma_wait3A_497] : memref<8x40x128xf32, #tpu.memory_space<vmem>> -> memref<1x40x128xf32, #tpu.memory_space<vmem>>
          %dma_wait3A_499 = tpu.memref_squeeze %dma_wait3A_498 : memref<1x40x128xf32, #tpu.memory_space<vmem>> -> memref<40x128xf32, #tpu.memory_space<vmem>>
          %dma_wait3A_500 = arith.constant 0 : i32
          %dma_wait3A_501 = tpu.memref_slice %arg4[%add3A_494, %dma_wait3A_500] : memref<81920x128xf32, #tpu.memory_space<hbm>> -> memref<40x128xf32, #tpu.memory_space<hbm>>
          %dma_wait3A_502 = arith.constant 0 : i32
          %dma_wait3A_503 = tpu.memref_slice %arg4[%add3A_494, %dma_wait3A_502] : memref<81920x128xf32, #tpu.memory_space<hbm>> -> memref<40x128xf32, #tpu.memory_space<hbm>>
          %dma_wait3A_504 = arith.constant 0 : i32
          %dma_wait3A_505 = arith.constant 0 : i32
          %dma_wait3A_506 = tpu.memref_slice %arg6[%dma_wait3A_495, %dma_wait3A_504, %dma_wait3A_505] : memref<8x40x128xf32, #tpu.memory_space<vmem>> -> memref<1x40x128xf32, #tpu.memory_space<vmem>>
          %dma_wait3A_507 = tpu.memref_squeeze %dma_wait3A_506 : memref<1x40x128xf32, #tpu.memory_space<vmem>> -> memref<40x128xf32, #tpu.memory_space<vmem>>
          tpu.wait_dma2 semaphore(%arg22 : memref<!tpu.dma_semaphore, #tpu.memory_space<semaphore_mem>>) src(%dma_wait3A_507 : memref<40x128xf32, #tpu.memory_space<vmem>>) dst(%dma_wait3A_503 : memref<40x128xf32, #tpu.memory_space<hbm>>)
        } else {
        }
        %add3A_476 = arith.constant 6 : i32
        %add3A_477 = arith.addi %add3A_209, %add3A_476 : i32
        %dma_start3A_478 = arith.constant 7 : i32
        %dma_start3A_479 = arith.constant 0 : i32
        %dma_start3A_480 = arith.constant 0 : i32
        %dma_start3A_481 = tpu.memref_slice %arg6[%dma_start3A_478, %dma_start3A_479, %dma_start3A_480] : memref<8x40x128xf32, #tpu.memory_space<vmem>> -> memref<1x40x128xf32, #tpu.memory_space<vmem>>
        %dma_start3A_482 = tpu.memref_squeeze %dma_start3A_481 : memref<1x40x128xf32, #tpu.memory_space<vmem>> -> memref<40x128xf32, #tpu.memory_space<vmem>>
        %dma_start3A_483 = arith.constant 0 : i32
        %dma_start3A_484 = tpu.memref_slice %arg5[%add3A_477, %dma_start3A_483] : memref<64x40xi32, #tpu.memory_space<vmem>> -> memref<1x40xi32, #tpu.memory_space<vmem>>
        %dma_start3A_485 = tpu.memref_squeeze %dma_start3A_484 : memref<1x40xi32, #tpu.memory_space<vmem>> -> memref<40xi32, #tpu.memory_space<vmem>>
        %dma_start3A_486 = arith.constant 0 : i32
        %dma_start3A_487 = arith.constant 0 : i32
        %dma_start3A_488 = tpu.memref_slice %arg2[%dma_start3A_486, %dma_start3A_487] : memref<10000x128xf32, #tpu.memory_space<hbm>> -> memref<10000x128xf32, #tpu.memory_space<hbm>>
        tpu.enqueue_indirect_dma source(%dma_start3A_488 : memref<10000x128xf32, #tpu.memory_space<hbm>>) target(%dma_start3A_482 : memref<40x128xf32, #tpu.memory_space<vmem>>) offsets(%dma_start3A_485 : memref<40xi32, #tpu.memory_space<vmem>>) semaphore(%arg14 : memref<!tpu.dma_semaphore, #tpu.memory_space<semaphore_mem>>)
      } else {
      }
      %mul3A_244 = arith.constant 8 : i32
      %mul3A_245 = arith.muli %scan3A_170, %mul3A_244 : i32
      %add3A_246 = arith.constant 2 : i32
      %add3A_247 = arith.addi %mul3A_245, %add3A_246 : i32
      %dma_wait3A_248 = arith.constant 2 : i32
      %dma_wait3A_249 = arith.constant 0 : i32
      %dma_wait3A_250 = arith.constant 0 : i32
      %dma_wait3A_251 = tpu.memref_slice %arg6[%dma_wait3A_248, %dma_wait3A_249, %dma_wait3A_250] : memref<8x40x128xf32, #tpu.memory_space<vmem>> -> memref<1x40x128xf32, #tpu.memory_space<vmem>>
      %dma_wait3A_252 = tpu.memref_squeeze %dma_wait3A_251 : memref<1x40x128xf32, #tpu.memory_space<vmem>> -> memref<40x128xf32, #tpu.memory_space<vmem>>
      %dma_wait3A_253 = arith.constant 0 : i32
      %dma_wait3A_254 = tpu.memref_slice %arg5[%add3A_247, %dma_wait3A_253] : memref<64x40xi32, #tpu.memory_space<vmem>> -> memref<1x40xi32, #tpu.memory_space<vmem>>
      %dma_wait3A_255 = tpu.memref_squeeze %dma_wait3A_254 : memref<1x40xi32, #tpu.memory_space<vmem>> -> memref<40xi32, #tpu.memory_space<vmem>>
      %dma_wait3A_256 = arith.constant 0 : i32
      %dma_wait3A_257 = arith.constant 0 : i32
      %dma_wait3A_258 = tpu.memref_slice %arg2[%dma_wait3A_256, %dma_wait3A_257] : memref<10000x128xf32, #tpu.memory_space<hbm>> -> memref<10000x128xf32, #tpu.memory_space<hbm>>
      tpu.wait_indirect_dma semaphore(%arg9 : memref<!tpu.dma_semaphore, #tpu.memory_space<semaphore_mem>>) src(%dma_wait3A_258 : memref<10000x128xf32, #tpu.memory_space<hbm>>) dst(%dma_wait3A_252 : memref<40x128xf32, #tpu.memory_space<vmem>>)
      %mul3A_259 = arith.constant 40 : i32
      %mul3A_260 = arith.muli %add3A_247, %mul3A_259 : i32
      %add3A_261 = arith.addi %mul3A_4, %mul3A_260 : i32
      %dma_start3A_262 = arith.constant 2 : i32
      %dma_start3A_263 = arith.constant 0 : i32
      %dma_start3A_264 = arith.constant 0 : i32
      %dma_start3A_265 = tpu.memref_slice %arg6[%dma_start3A_262, %dma_start3A_263, %dma_start3A_264] : memref<8x40x128xf32, #tpu.memory_space<vmem>> -> memref<1x40x128xf32, #tpu.memory_space<vmem>>
      %dma_start3A_266 = tpu.memref_squeeze %dma_start3A_265 : memref<1x40x128xf32, #tpu.memory_space<vmem>> -> memref<40x128xf32, #tpu.memory_space<vmem>>
      %dma_start3A_267 = arith.constant 0 : i32
      %dma_start3A_268 = tpu.memref_slice %arg4[%add3A_261, %dma_start3A_267] : memref<81920x128xf32, #tpu.memory_space<hbm>> -> memref<40x128xf32, #tpu.memory_space<hbm>>
      %dma_start3A_269 = arith.constant 0 : i32
      %dma_start3A_270 = tpu.memref_slice %arg4[%add3A_261, %dma_start3A_269] : memref<81920x128xf32, #tpu.memory_space<hbm>> -> memref<40x128xf32, #tpu.memory_space<hbm>>
      %dma_start3A_271 = arith.constant 0 : i32
      %dma_start3A_272 = arith.constant 0 : i32
      %dma_start3A_273 = tpu.memref_slice %arg6[%dma_start3A_262, %dma_start3A_271, %dma_start3A_272] : memref<8x40x128xf32, #tpu.memory_space<vmem>> -> memref<1x40x128xf32, #tpu.memory_space<vmem>>
      %dma_start3A_274 = tpu.memref_squeeze %dma_start3A_273 : memref<1x40x128xf32, #tpu.memory_space<vmem>> -> memref<40x128xf32, #tpu.memory_space<vmem>>
      tpu.enqueue_dma source(%dma_start3A_274 : memref<40x128xf32, #tpu.memory_space<vmem>>) target(%dma_start3A_270 : memref<40x128xf32, #tpu.memory_space<hbm>>) target_semaphore(%arg17 : memref<!tpu.dma_semaphore, #tpu.memory_space<semaphore_mem>>)
      %add3A_275 = arith.constant 6 : i32
      %add3A_276 = arith.addi %add3A_247, %add3A_275 : i32
      %lt3A_277 = arith.constant 64 : i32
      %lt3A_278 = arith.cmpi slt, %add3A_276, %lt3A_277 : i32
      %convert_element_type3A_279 = arith.extui %lt3A_278 : i1 to i32
      %cond3A_280 = arith.constant 0 : i32
      %cond3A_281 = arith.cmpi ne, %convert_element_type3A_279, %cond3A_280 : i32
      scf.if %cond3A_281 {
        %ge3A = arith.constant 2 : i32
        %ge3A_472 = arith.cmpi sge, %add3A_247, %ge3A : i32
        %convert_element_type3A_473 = arith.extui %ge3A_472 : i1 to i32
        %cond3A_474 = arith.constant 0 : i32
        %cond3A_475 = arith.cmpi ne, %convert_element_type3A_473, %cond3A_474 : i32
        scf.if %cond3A_475 {
          %add3A_489 = arith.constant 6 : i32
          %add3A_490 = arith.addi %add3A_247, %add3A_489 : i32
          %sub3A = arith.constant 8 : i32
          %sub3A_491 = arith.subi %add3A_490, %sub3A : i32
          %mul3A_492 = arith.constant 40 : i32
          %mul3A_493 = arith.muli %sub3A_491, %mul3A_492 : i32
          %add3A_494 = arith.addi %mul3A_4, %mul3A_493 : i32
          %dma_wait3A_495 = arith.constant 0 : i32
          %dma_wait3A_496 = arith.constant 0 : i32
          %dma_wait3A_497 = arith.constant 0 : i32
          %dma_wait3A_498 = tpu.memref_slice %arg6[%dma_wait3A_495, %dma_wait3A_496, %dma_wait3A_497] : memref<8x40x128xf32, #tpu.memory_space<vmem>> -> memref<1x40x128xf32, #tpu.memory_space<vmem>>
          %dma_wait3A_499 = tpu.memref_squeeze %dma_wait3A_498 : memref<1x40x128xf32, #tpu.memory_space<vmem>> -> memref<40x128xf32, #tpu.memory_space<vmem>>
          %dma_wait3A_500 = arith.constant 0 : i32
          %dma_wait3A_501 = tpu.memref_slice %arg4[%add3A_494, %dma_wait3A_500] : memref<81920x128xf32, #tpu.memory_space<hbm>> -> memref<40x128xf32, #tpu.memory_space<hbm>>
          %dma_wait3A_502 = arith.constant 0 : i32
          %dma_wait3A_503 = tpu.memref_slice %arg4[%add3A_494, %dma_wait3A_502] : memref<81920x128xf32, #tpu.memory_space<hbm>> -> memref<40x128xf32, #tpu.memory_space<hbm>>
          %dma_wait3A_504 = arith.constant 0 : i32
          %dma_wait3A_505 = arith.constant 0 : i32
          %dma_wait3A_506 = tpu.memref_slice %arg6[%dma_wait3A_495, %dma_wait3A_504, %dma_wait3A_505] : memref<8x40x128xf32, #tpu.memory_space<vmem>> -> memref<1x40x128xf32, #tpu.memory_space<vmem>>
          %dma_wait3A_507 = tpu.memref_squeeze %dma_wait3A_506 : memref<1x40x128xf32, #tpu.memory_space<vmem>> -> memref<40x128xf32, #tpu.memory_space<vmem>>
          tpu.wait_dma2 semaphore(%arg15 : memref<!tpu.dma_semaphore, #tpu.memory_space<semaphore_mem>>) src(%dma_wait3A_507 : memref<40x128xf32, #tpu.memory_space<vmem>>) dst(%dma_wait3A_503 : memref<40x128xf32, #tpu.memory_space<hbm>>)
        } else {
        }
        %add3A_476 = arith.constant 6 : i32
        %add3A_477 = arith.addi %add3A_247, %add3A_476 : i32
        %dma_start3A_478 = arith.constant 0 : i32
        %dma_start3A_479 = arith.constant 0 : i32
        %dma_start3A_480 = arith.constant 0 : i32
        %dma_start3A_481 = tpu.memref_slice %arg6[%dma_start3A_478, %dma_start3A_479, %dma_start3A_480] : memref<8x40x128xf32, #tpu.memory_space<vmem>> -> memref<1x40x128xf32, #tpu.memory_space<vmem>>
        %dma_start3A_482 = tpu.memref_squeeze %dma_start3A_481 : memref<1x40x128xf32, #tpu.memory_space<vmem>> -> memref<40x128xf32, #tpu.memory_space<vmem>>
        %dma_start3A_483 = arith.constant 0 : i32
        %dma_start3A_484 = tpu.memref_slice %arg5[%add3A_477, %dma_start3A_483] : memref<64x40xi32, #tpu.memory_space<vmem>> -> memref<1x40xi32, #tpu.memory_space<vmem>>
        %dma_start3A_485 = tpu.memref_squeeze %dma_start3A_484 : memref<1x40xi32, #tpu.memory_space<vmem>> -> memref<40xi32, #tpu.memory_space<vmem>>
        %dma_start3A_486 = arith.constant 0 : i32
        %dma_start3A_487 = arith.constant 0 : i32
        %dma_start3A_488 = tpu.memref_slice %arg2[%dma_start3A_486, %dma_start3A_487] : memref<10000x128xf32, #tpu.memory_space<hbm>> -> memref<10000x128xf32, #tpu.memory_space<hbm>>
        tpu.enqueue_indirect_dma source(%dma_start3A_488 : memref<10000x128xf32, #tpu.memory_space<hbm>>) target(%dma_start3A_482 : memref<40x128xf32, #tpu.memory_space<vmem>>) offsets(%dma_start3A_485 : memref<40xi32, #tpu.memory_space<vmem>>) semaphore(%arg7 : memref<!tpu.dma_semaphore, #tpu.memory_space<semaphore_mem>>)
      } else {
      }
      %mul3A_282 = arith.constant 8 : i32
      %mul3A_283 = arith.muli %scan3A_170, %mul3A_282 : i32
      %add3A_284 = arith.constant 3 : i32
      %add3A_285 = arith.addi %mul3A_283, %add3A_284 : i32
      %dma_wait3A_286 = arith.constant 3 : i32
      %dma_wait3A_287 = arith.constant 0 : i32
      %dma_wait3A_288 = arith.constant 0 : i32
      %dma_wait3A_289 = tpu.memref_slice %arg6[%dma_wait3A_286, %dma_wait3A_287, %dma_wait3A_288] : memref<8x40x128xf32, #tpu.memory_space<vmem>> -> memref<1x40x128xf32, #tpu.memory_space<vmem>>
      %dma_wait3A_290 = tpu.memref_squeeze %dma_wait3A_289 : memref<1x40x128xf32, #tpu.memory_space<vmem>> -> memref<40x128xf32, #tpu.memory_space<vmem>>
      %dma_wait3A_291 = arith.constant 0 : i32
      %dma_wait3A_292 = tpu.memref_slice %arg5[%add3A_285, %dma_wait3A_291] : memref<64x40xi32, #tpu.memory_space<vmem>> -> memref<1x40xi32, #tpu.memory_space<vmem>>
      %dma_wait3A_293 = tpu.memref_squeeze %dma_wait3A_292 : memref<1x40xi32, #tpu.memory_space<vmem>> -> memref<40xi32, #tpu.memory_space<vmem>>
      %dma_wait3A_294 = arith.constant 0 : i32
      %dma_wait3A_295 = arith.constant 0 : i32
      %dma_wait3A_296 = tpu.memref_slice %arg2[%dma_wait3A_294, %dma_wait3A_295] : memref<10000x128xf32, #tpu.memory_space<hbm>> -> memref<10000x128xf32, #tpu.memory_space<hbm>>
      tpu.wait_indirect_dma semaphore(%arg10 : memref<!tpu.dma_semaphore, #tpu.memory_space<semaphore_mem>>) src(%dma_wait3A_296 : memref<10000x128xf32, #tpu.memory_space<hbm>>) dst(%dma_wait3A_290 : memref<40x128xf32, #tpu.memory_space<vmem>>)
      %mul3A_297 = arith.constant 40 : i32
      %mul3A_298 = arith.muli %add3A_285, %mul3A_297 : i32
      %add3A_299 = arith.addi %mul3A_4, %mul3A_298 : i32
      %dma_start3A_300 = arith.constant 3 : i32
      %dma_start3A_301 = arith.constant 0 : i32
      %dma_start3A_302 = arith.constant 0 : i32
      %dma_start3A_303 = tpu.memref_slice %arg6[%dma_start3A_300, %dma_start3A_301, %dma_start3A_302] : memref<8x40x128xf32, #tpu.memory_space<vmem>> -> memref<1x40x128xf32, #tpu.memory_space<vmem>>
      %dma_start3A_304 = tpu.memref_squeeze %dma_start3A_303 : memref<1x40x128xf32, #tpu.memory_space<vmem>> -> memref<40x128xf32, #tpu.memory_space<vmem>>
      %dma_start3A_305 = arith.constant 0 : i32
      %dma_start3A_306 = tpu.memref_slice %arg4[%add3A_299, %dma_start3A_305] : memref<81920x128xf32, #tpu.memory_space<hbm>> -> memref<40x128xf32, #tpu.memory_space<hbm>>
      %dma_start3A_307 = arith.constant 0 : i32
      %dma_start3A_308 = tpu.memref_slice %arg4[%add3A_299, %dma_start3A_307] : memref<81920x128xf32, #tpu.memory_space<hbm>> -> memref<40x128xf32, #tpu.memory_space<hbm>>
      %dma_start3A_309 = arith.constant 0 : i32
      %dma_start3A_310 = arith.constant 0 : i32
      %dma_start3A_311 = tpu.memref_slice %arg6[%dma_start3A_300, %dma_start3A_309, %dma_start3A_310] : memref<8x40x128xf32, #tpu.memory_space<vmem>> -> memref<1x40x128xf32, #tpu.memory_space<vmem>>
      %dma_start3A_312 = tpu.memref_squeeze %dma_start3A_311 : memref<1x40x128xf32, #tpu.memory_space<vmem>> -> memref<40x128xf32, #tpu.memory_space<vmem>>
      tpu.enqueue_dma source(%dma_start3A_312 : memref<40x128xf32, #tpu.memory_space<vmem>>) target(%dma_start3A_308 : memref<40x128xf32, #tpu.memory_space<hbm>>) target_semaphore(%arg18 : memref<!tpu.dma_semaphore, #tpu.memory_space<semaphore_mem>>)
      %add3A_313 = arith.constant 6 : i32
      %add3A_314 = arith.addi %add3A_285, %add3A_313 : i32
      %lt3A_315 = arith.constant 64 : i32
      %lt3A_316 = arith.cmpi slt, %add3A_314, %lt3A_315 : i32
      %convert_element_type3A_317 = arith.extui %lt3A_316 : i1 to i32
      %cond3A_318 = arith.constant 0 : i32
      %cond3A_319 = arith.cmpi ne, %convert_element_type3A_317, %cond3A_318 : i32
      scf.if %cond3A_319 {
        %ge3A = arith.constant 2 : i32
        %ge3A_472 = arith.cmpi sge, %add3A_285, %ge3A : i32
        %convert_element_type3A_473 = arith.extui %ge3A_472 : i1 to i32
        %cond3A_474 = arith.constant 0 : i32
        %cond3A_475 = arith.cmpi ne, %convert_element_type3A_473, %cond3A_474 : i32
        scf.if %cond3A_475 {
          %add3A_489 = arith.constant 6 : i32
          %add3A_490 = arith.addi %add3A_285, %add3A_489 : i32
          %sub3A = arith.constant 8 : i32
          %sub3A_491 = arith.subi %add3A_490, %sub3A : i32
          %mul3A_492 = arith.constant 40 : i32
          %mul3A_493 = arith.muli %sub3A_491, %mul3A_492 : i32
          %add3A_494 = arith.addi %mul3A_4, %mul3A_493 : i32
          %dma_wait3A_495 = arith.constant 1 : i32
          %dma_wait3A_496 = arith.constant 0 : i32
          %dma_wait3A_497 = arith.constant 0 : i32
          %dma_wait3A_498 = tpu.memref_slice %arg6[%dma_wait3A_495, %dma_wait3A_496, %dma_wait3A_497] : memref<8x40x128xf32, #tpu.memory_space<vmem>> -> memref<1x40x128xf32, #tpu.memory_space<vmem>>
          %dma_wait3A_499 = tpu.memref_squeeze %dma_wait3A_498 : memref<1x40x128xf32, #tpu.memory_space<vmem>> -> memref<40x128xf32, #tpu.memory_space<vmem>>
          %dma_wait3A_500 = arith.constant 0 : i32
          %dma_wait3A_501 = tpu.memref_slice %arg4[%add3A_494, %dma_wait3A_500] : memref<81920x128xf32, #tpu.memory_space<hbm>> -> memref<40x128xf32, #tpu.memory_space<hbm>>
          %dma_wait3A_502 = arith.constant 0 : i32
          %dma_wait3A_503 = tpu.memref_slice %arg4[%add3A_494, %dma_wait3A_502] : memref<81920x128xf32, #tpu.memory_space<hbm>> -> memref<40x128xf32, #tpu.memory_space<hbm>>
          %dma_wait3A_504 = arith.constant 0 : i32
          %dma_wait3A_505 = arith.constant 0 : i32
          %dma_wait3A_506 = tpu.memref_slice %arg6[%dma_wait3A_495, %dma_wait3A_504, %dma_wait3A_505] : memref<8x40x128xf32, #tpu.memory_space<vmem>> -> memref<1x40x128xf32, #tpu.memory_space<vmem>>
          %dma_wait3A_507 = tpu.memref_squeeze %dma_wait3A_506 : memref<1x40x128xf32, #tpu.memory_space<vmem>> -> memref<40x128xf32, #tpu.memory_space<vmem>>
          tpu.wait_dma2 semaphore(%arg16 : memref<!tpu.dma_semaphore, #tpu.memory_space<semaphore_mem>>) src(%dma_wait3A_507 : memref<40x128xf32, #tpu.memory_space<vmem>>) dst(%dma_wait3A_503 : memref<40x128xf32, #tpu.memory_space<hbm>>)
        } else {
        }
        %add3A_476 = arith.constant 6 : i32
        %add3A_477 = arith.addi %add3A_285, %add3A_476 : i32
        %dma_start3A_478 = arith.constant 1 : i32
        %dma_start3A_479 = arith.constant 0 : i32
        %dma_start3A_480 = arith.constant 0 : i32
        %dma_start3A_481 = tpu.memref_slice %arg6[%dma_start3A_478, %dma_start3A_479, %dma_start3A_480] : memref<8x40x128xf32, #tpu.memory_space<vmem>> -> memref<1x40x128xf32, #tpu.memory_space<vmem>>
        %dma_start3A_482 = tpu.memref_squeeze %dma_start3A_481 : memref<1x40x128xf32, #tpu.memory_space<vmem>> -> memref<40x128xf32, #tpu.memory_space<vmem>>
        %dma_start3A_483 = arith.constant 0 : i32
        %dma_start3A_484 = tpu.memref_slice %arg5[%add3A_477, %dma_start3A_483] : memref<64x40xi32, #tpu.memory_space<vmem>> -> memref<1x40xi32, #tpu.memory_space<vmem>>
        %dma_start3A_485 = tpu.memref_squeeze %dma_start3A_484 : memref<1x40xi32, #tpu.memory_space<vmem>> -> memref<40xi32, #tpu.memory_space<vmem>>
        %dma_start3A_486 = arith.constant 0 : i32
        %dma_start3A_487 = arith.constant 0 : i32
        %dma_start3A_488 = tpu.memref_slice %arg2[%dma_start3A_486, %dma_start3A_487] : memref<10000x128xf32, #tpu.memory_space<hbm>> -> memref<10000x128xf32, #tpu.memory_space<hbm>>
        tpu.enqueue_indirect_dma source(%dma_start3A_488 : memref<10000x128xf32, #tpu.memory_space<hbm>>) target(%dma_start3A_482 : memref<40x128xf32, #tpu.memory_space<vmem>>) offsets(%dma_start3A_485 : memref<40xi32, #tpu.memory_space<vmem>>) semaphore(%arg8 : memref<!tpu.dma_semaphore, #tpu.memory_space<semaphore_mem>>)
      } else {
      }
      %mul3A_320 = arith.constant 8 : i32
      %mul3A_321 = arith.muli %scan3A_170, %mul3A_320 : i32
      %add3A_322 = arith.constant 4 : i32
      %add3A_323 = arith.addi %mul3A_321, %add3A_322 : i32
      %dma_wait3A_324 = arith.constant 4 : i32
      %dma_wait3A_325 = arith.constant 0 : i32
      %dma_wait3A_326 = arith.constant 0 : i32
      %dma_wait3A_327 = tpu.memref_slice %arg6[%dma_wait3A_324, %dma_wait3A_325, %dma_wait3A_326] : memref<8x40x128xf32, #tpu.memory_space<vmem>> -> memref<1x40x128xf32, #tpu.memory_space<vmem>>
      %dma_wait3A_328 = tpu.memref_squeeze %dma_wait3A_327 : memref<1x40x128xf32, #tpu.memory_space<vmem>> -> memref<40x128xf32, #tpu.memory_space<vmem>>
      %dma_wait3A_329 = arith.constant 0 : i32
      %dma_wait3A_330 = tpu.memref_slice %arg5[%add3A_323, %dma_wait3A_329] : memref<64x40xi32, #tpu.memory_space<vmem>> -> memref<1x40xi32, #tpu.memory_space<vmem>>
      %dma_wait3A_331 = tpu.memref_squeeze %dma_wait3A_330 : memref<1x40xi32, #tpu.memory_space<vmem>> -> memref<40xi32, #tpu.memory_space<vmem>>
      %dma_wait3A_332 = arith.constant 0 : i32
      %dma_wait3A_333 = arith.constant 0 : i32
      %dma_wait3A_334 = tpu.memref_slice %arg2[%dma_wait3A_332, %dma_wait3A_333] : memref<10000x128xf32, #tpu.memory_space<hbm>> -> memref<10000x128xf32, #tpu.memory_space<hbm>>
      tpu.wait_indirect_dma semaphore(%arg11 : memref<!tpu.dma_semaphore, #tpu.memory_space<semaphore_mem>>) src(%dma_wait3A_334 : memref<10000x128xf32, #tpu.memory_space<hbm>>) dst(%dma_wait3A_328 : memref<40x128xf32, #tpu.memory_space<vmem>>)
      %mul3A_335 = arith.constant 40 : i32
      %mul3A_336 = arith.muli %add3A_323, %mul3A_335 : i32
      %add3A_337 = arith.addi %mul3A_4, %mul3A_336 : i32
      %dma_start3A_338 = arith.constant 4 : i32
      %dma_start3A_339 = arith.constant 0 : i32
      %dma_start3A_340 = arith.constant 0 : i32
      %dma_start3A_341 = tpu.memref_slice %arg6[%dma_start3A_338, %dma_start3A_339, %dma_start3A_340] : memref<8x40x128xf32, #tpu.memory_space<vmem>> -> memref<1x40x128xf32, #tpu.memory_space<vmem>>
      %dma_start3A_342 = tpu.memref_squeeze %dma_start3A_341 : memref<1x40x128xf32, #tpu.memory_space<vmem>> -> memref<40x128xf32, #tpu.memory_space<vmem>>
      %dma_start3A_343 = arith.constant 0 : i32
      %dma_start3A_344 = tpu.memref_slice %arg4[%add3A_337, %dma_start3A_343] : memref<81920x128xf32, #tpu.memory_space<hbm>> -> memref<40x128xf32, #tpu.memory_space<hbm>>
      %dma_start3A_345 = arith.constant 0 : i32
      %dma_start3A_346 = tpu.memref_slice %arg4[%add3A_337, %dma_start3A_345] : memref<81920x128xf32, #tpu.memory_space<hbm>> -> memref<40x128xf32, #tpu.memory_space<hbm>>
      %dma_start3A_347 = arith.constant 0 : i32
      %dma_start3A_348 = arith.constant 0 : i32
      %dma_start3A_349 = tpu.memref_slice %arg6[%dma_start3A_338, %dma_start3A_347, %dma_start3A_348] : memref<8x40x128xf32, #tpu.memory_space<vmem>> -> memref<1x40x128xf32, #tpu.memory_space<vmem>>
      %dma_start3A_350 = tpu.memref_squeeze %dma_start3A_349 : memref<1x40x128xf32, #tpu.memory_space<vmem>> -> memref<40x128xf32, #tpu.memory_space<vmem>>
      tpu.enqueue_dma source(%dma_start3A_350 : memref<40x128xf32, #tpu.memory_space<vmem>>) target(%dma_start3A_346 : memref<40x128xf32, #tpu.memory_space<hbm>>) target_semaphore(%arg19 : memref<!tpu.dma_semaphore, #tpu.memory_space<semaphore_mem>>)
      %add3A_351 = arith.constant 6 : i32
      %add3A_352 = arith.addi %add3A_323, %add3A_351 : i32
      %lt3A_353 = arith.constant 64 : i32
      %lt3A_354 = arith.cmpi slt, %add3A_352, %lt3A_353 : i32
      %convert_element_type3A_355 = arith.extui %lt3A_354 : i1 to i32
      %cond3A_356 = arith.constant 0 : i32
      %cond3A_357 = arith.cmpi ne, %convert_element_type3A_355, %cond3A_356 : i32
      scf.if %cond3A_357 {
        %ge3A = arith.constant 2 : i32
        %ge3A_472 = arith.cmpi sge, %add3A_323, %ge3A : i32
        %convert_element_type3A_473 = arith.extui %ge3A_472 : i1 to i32
        %cond3A_474 = arith.constant 0 : i32
        %cond3A_475 = arith.cmpi ne, %convert_element_type3A_473, %cond3A_474 : i32
        scf.if %cond3A_475 {
          %add3A_489 = arith.constant 6 : i32
          %add3A_490 = arith.addi %add3A_323, %add3A_489 : i32
          %sub3A = arith.constant 8 : i32
          %sub3A_491 = arith.subi %add3A_490, %sub3A : i32
          %mul3A_492 = arith.constant 40 : i32
          %mul3A_493 = arith.muli %sub3A_491, %mul3A_492 : i32
          %add3A_494 = arith.addi %mul3A_4, %mul3A_493 : i32
          %dma_wait3A_495 = arith.constant 2 : i32
          %dma_wait3A_496 = arith.constant 0 : i32
          %dma_wait3A_497 = arith.constant 0 : i32
          %dma_wait3A_498 = tpu.memref_slice %arg6[%dma_wait3A_495, %dma_wait3A_496, %dma_wait3A_497] : memref<8x40x128xf32, #tpu.memory_space<vmem>> -> memref<1x40x128xf32, #tpu.memory_space<vmem>>
          %dma_wait3A_499 = tpu.memref_squeeze %dma_wait3A_498 : memref<1x40x128xf32, #tpu.memory_space<vmem>> -> memref<40x128xf32, #tpu.memory_space<vmem>>
          %dma_wait3A_500 = arith.constant 0 : i32
          %dma_wait3A_501 = tpu.memref_slice %arg4[%add3A_494, %dma_wait3A_500] : memref<81920x128xf32, #tpu.memory_space<hbm>> -> memref<40x128xf32, #tpu.memory_space<hbm>>
          %dma_wait3A_502 = arith.constant 0 : i32
          %dma_wait3A_503 = tpu.memref_slice %arg4[%add3A_494, %dma_wait3A_502] : memref<81920x128xf32, #tpu.memory_space<hbm>> -> memref<40x128xf32, #tpu.memory_space<hbm>>
          %dma_wait3A_504 = arith.constant 0 : i32
          %dma_wait3A_505 = arith.constant 0 : i32
          %dma_wait3A_506 = tpu.memref_slice %arg6[%dma_wait3A_495, %dma_wait3A_504, %dma_wait3A_505] : memref<8x40x128xf32, #tpu.memory_space<vmem>> -> memref<1x40x128xf32, #tpu.memory_space<vmem>>
          %dma_wait3A_507 = tpu.memref_squeeze %dma_wait3A_506 : memref<1x40x128xf32, #tpu.memory_space<vmem>> -> memref<40x128xf32, #tpu.memory_space<vmem>>
          tpu.wait_dma2 semaphore(%arg17 : memref<!tpu.dma_semaphore, #tpu.memory_space<semaphore_mem>>) src(%dma_wait3A_507 : memref<40x128xf32, #tpu.memory_space<vmem>>) dst(%dma_wait3A_503 : memref<40x128xf32, #tpu.memory_space<hbm>>)
        } else {
        }
        %add3A_476 = arith.constant 6 : i32
        %add3A_477 = arith.addi %add3A_323, %add3A_476 : i32
        %dma_start3A_478 = arith.constant 2 : i32
        %dma_start3A_479 = arith.constant 0 : i32
        %dma_start3A_480 = arith.constant 0 : i32
        %dma_start3A_481 = tpu.memref_slice %arg6[%dma_start3A_478, %dma_start3A_479, %dma_start3A_480] : memref<8x40x128xf32, #tpu.memory_space<vmem>> -> memref<1x40x128xf32, #tpu.memory_space<vmem>>
        %dma_start3A_482 = tpu.memref_squeeze %dma_start3A_481 : memref<1x40x128xf32, #tpu.memory_space<vmem>> -> memref<40x128xf32, #tpu.memory_space<vmem>>
        %dma_start3A_483 = arith.constant 0 : i32
        %dma_start3A_484 = tpu.memref_slice %arg5[%add3A_477, %dma_start3A_483] : memref<64x40xi32, #tpu.memory_space<vmem>> -> memref<1x40xi32, #tpu.memory_space<vmem>>
        %dma_start3A_485 = tpu.memref_squeeze %dma_start3A_484 : memref<1x40xi32, #tpu.memory_space<vmem>> -> memref<40xi32, #tpu.memory_space<vmem>>
        %dma_start3A_486 = arith.constant 0 : i32
        %dma_start3A_487 = arith.constant 0 : i32
        %dma_start3A_488 = tpu.memref_slice %arg2[%dma_start3A_486, %dma_start3A_487] : memref<10000x128xf32, #tpu.memory_space<hbm>> -> memref<10000x128xf32, #tpu.memory_space<hbm>>
        tpu.enqueue_indirect_dma source(%dma_start3A_488 : memref<10000x128xf32, #tpu.memory_space<hbm>>) target(%dma_start3A_482 : memref<40x128xf32, #tpu.memory_space<vmem>>) offsets(%dma_start3A_485 : memref<40xi32, #tpu.memory_space<vmem>>) semaphore(%arg9 : memref<!tpu.dma_semaphore, #tpu.memory_space<semaphore_mem>>)
      } else {
      }
      %mul3A_358 = arith.constant 8 : i32
      %mul3A_359 = arith.muli %scan3A_170, %mul3A_358 : i32
      %add3A_360 = arith.constant 5 : i32
      %add3A_361 = arith.addi %mul3A_359, %add3A_360 : i32
      %dma_wait3A_362 = arith.constant 5 : i32
      %dma_wait3A_363 = arith.constant 0 : i32
      %dma_wait3A_364 = arith.constant 0 : i32
      %dma_wait3A_365 = tpu.memref_slice %arg6[%dma_wait3A_362, %dma_wait3A_363, %dma_wait3A_364] : memref<8x40x128xf32, #tpu.memory_space<vmem>> -> memref<1x40x128xf32, #tpu.memory_space<vmem>>
      %dma_wait3A_366 = tpu.memref_squeeze %dma_wait3A_365 : memref<1x40x128xf32, #tpu.memory_space<vmem>> -> memref<40x128xf32, #tpu.memory_space<vmem>>
      %dma_wait3A_367 = arith.constant 0 : i32
      %dma_wait3A_368 = tpu.memref_slice %arg5[%add3A_361, %dma_wait3A_367] : memref<64x40xi32, #tpu.memory_space<vmem>> -> memref<1x40xi32, #tpu.memory_space<vmem>>
      %dma_wait3A_369 = tpu.memref_squeeze %dma_wait3A_368 : memref<1x40xi32, #tpu.memory_space<vmem>> -> memref<40xi32, #tpu.memory_space<vmem>>
      %dma_wait3A_370 = arith.constant 0 : i32
      %dma_wait3A_371 = arith.constant 0 : i32
      %dma_wait3A_372 = tpu.memref_slice %arg2[%dma_wait3A_370, %dma_wait3A_371] : memref<10000x128xf32, #tpu.memory_space<hbm>> -> memref<10000x128xf32, #tpu.memory_space<hbm>>
      tpu.wait_indirect_dma semaphore(%arg12 : memref<!tpu.dma_semaphore, #tpu.memory_space<semaphore_mem>>) src(%dma_wait3A_372 : memref<10000x128xf32, #tpu.memory_space<hbm>>) dst(%dma_wait3A_366 : memref<40x128xf32, #tpu.memory_space<vmem>>)
      %mul3A_373 = arith.constant 40 : i32
      %mul3A_374 = arith.muli %add3A_361, %mul3A_373 : i32
      %add3A_375 = arith.addi %mul3A_4, %mul3A_374 : i32
      %dma_start3A_376 = arith.constant 5 : i32
      %dma_start3A_377 = arith.constant 0 : i32
      %dma_start3A_378 = arith.constant 0 : i32
      %dma_start3A_379 = tpu.memref_slice %arg6[%dma_start3A_376, %dma_start3A_377, %dma_start3A_378] : memref<8x40x128xf32, #tpu.memory_space<vmem>> -> memref<1x40x128xf32, #tpu.memory_space<vmem>>
      %dma_start3A_380 = tpu.memref_squeeze %dma_start3A_379 : memref<1x40x128xf32, #tpu.memory_space<vmem>> -> memref<40x128xf32, #tpu.memory_space<vmem>>
      %dma_start3A_381 = arith.constant 0 : i32
      %dma_start3A_382 = tpu.memref_slice %arg4[%add3A_375, %dma_start3A_381] : memref<81920x128xf32, #tpu.memory_space<hbm>> -> memref<40x128xf32, #tpu.memory_space<hbm>>
      %dma_start3A_383 = arith.constant 0 : i32
      %dma_start3A_384 = tpu.memref_slice %arg4[%add3A_375, %dma_start3A_383] : memref<81920x128xf32, #tpu.memory_space<hbm>> -> memref<40x128xf32, #tpu.memory_space<hbm>>
      %dma_start3A_385 = arith.constant 0 : i32
      %dma_start3A_386 = arith.constant 0 : i32
      %dma_start3A_387 = tpu.memref_slice %arg6[%dma_start3A_376, %dma_start3A_385, %dma_start3A_386] : memref<8x40x128xf32, #tpu.memory_space<vmem>> -> memref<1x40x128xf32, #tpu.memory_space<vmem>>
      %dma_start3A_388 = tpu.memref_squeeze %dma_start3A_387 : memref<1x40x128xf32, #tpu.memory_space<vmem>> -> memref<40x128xf32, #tpu.memory_space<vmem>>
      tpu.enqueue_dma source(%dma_start3A_388 : memref<40x128xf32, #tpu.memory_space<vmem>>) target(%dma_start3A_384 : memref<40x128xf32, #tpu.memory_space<hbm>>) target_semaphore(%arg20 : memref<!tpu.dma_semaphore, #tpu.memory_space<semaphore_mem>>)
      %add3A_389 = arith.constant 6 : i32
      %add3A_390 = arith.addi %add3A_361, %add3A_389 : i32
      %lt3A_391 = arith.constant 64 : i32
      %lt3A_392 = arith.cmpi slt, %add3A_390, %lt3A_391 : i32
      %convert_element_type3A_393 = arith.extui %lt3A_392 : i1 to i32
      %cond3A_394 = arith.constant 0 : i32
      %cond3A_395 = arith.cmpi ne, %convert_element_type3A_393, %cond3A_394 : i32
      scf.if %cond3A_395 {
        %ge3A = arith.constant 2 : i32
        %ge3A_472 = arith.cmpi sge, %add3A_361, %ge3A : i32
        %convert_element_type3A_473 = arith.extui %ge3A_472 : i1 to i32
        %cond3A_474 = arith.constant 0 : i32
        %cond3A_475 = arith.cmpi ne, %convert_element_type3A_473, %cond3A_474 : i32
        scf.if %cond3A_475 {
          %add3A_489 = arith.constant 6 : i32
          %add3A_490 = arith.addi %add3A_361, %add3A_489 : i32
          %sub3A = arith.constant 8 : i32
          %sub3A_491 = arith.subi %add3A_490, %sub3A : i32
          %mul3A_492 = arith.constant 40 : i32
          %mul3A_493 = arith.muli %sub3A_491, %mul3A_492 : i32
          %add3A_494 = arith.addi %mul3A_4, %mul3A_493 : i32
          %dma_wait3A_495 = arith.constant 3 : i32
          %dma_wait3A_496 = arith.constant 0 : i32
          %dma_wait3A_497 = arith.constant 0 : i32
          %dma_wait3A_498 = tpu.memref_slice %arg6[%dma_wait3A_495, %dma_wait3A_496, %dma_wait3A_497] : memref<8x40x128xf32, #tpu.memory_space<vmem>> -> memref<1x40x128xf32, #tpu.memory_space<vmem>>
          %dma_wait3A_499 = tpu.memref_squeeze %dma_wait3A_498 : memref<1x40x128xf32, #tpu.memory_space<vmem>> -> memref<40x128xf32, #tpu.memory_space<vmem>>
          %dma_wait3A_500 = arith.constant 0 : i32
          %dma_wait3A_501 = tpu.memref_slice %arg4[%add3A_494, %dma_wait3A_500] : memref<81920x128xf32, #tpu.memory_space<hbm>> -> memref<40x128xf32, #tpu.memory_space<hbm>>
          %dma_wait3A_502 = arith.constant 0 : i32
          %dma_wait3A_503 = tpu.memref_slice %arg4[%add3A_494, %dma_wait3A_502] : memref<81920x128xf32, #tpu.memory_space<hbm>> -> memref<40x128xf32, #tpu.memory_space<hbm>>
          %dma_wait3A_504 = arith.constant 0 : i32
          %dma_wait3A_505 = arith.constant 0 : i32
          %dma_wait3A_506 = tpu.memref_slice %arg6[%dma_wait3A_495, %dma_wait3A_504, %dma_wait3A_505] : memref<8x40x128xf32, #tpu.memory_space<vmem>> -> memref<1x40x128xf32, #tpu.memory_space<vmem>>
          %dma_wait3A_507 = tpu.memref_squeeze %dma_wait3A_506 : memref<1x40x128xf32, #tpu.memory_space<vmem>> -> memref<40x128xf32, #tpu.memory_space<vmem>>
          tpu.wait_dma2 semaphore(%arg18 : memref<!tpu.dma_semaphore, #tpu.memory_space<semaphore_mem>>) src(%dma_wait3A_507 : memref<40x128xf32, #tpu.memory_space<vmem>>) dst(%dma_wait3A_503 : memref<40x128xf32, #tpu.memory_space<hbm>>)
        } else {
        }
        %add3A_476 = arith.constant 6 : i32
        %add3A_477 = arith.addi %add3A_361, %add3A_476 : i32
        %dma_start3A_478 = arith.constant 3 : i32
        %dma_start3A_479 = arith.constant 0 : i32
        %dma_start3A_480 = arith.constant 0 : i32
        %dma_start3A_481 = tpu.memref_slice %arg6[%dma_start3A_478, %dma_start3A_479, %dma_start3A_480] : memref<8x40x128xf32, #tpu.memory_space<vmem>> -> memref<1x40x128xf32, #tpu.memory_space<vmem>>
        %dma_start3A_482 = tpu.memref_squeeze %dma_start3A_481 : memref<1x40x128xf32, #tpu.memory_space<vmem>> -> memref<40x128xf32, #tpu.memory_space<vmem>>
        %dma_start3A_483 = arith.constant 0 : i32
        %dma_start3A_484 = tpu.memref_slice %arg5[%add3A_477, %dma_start3A_483] : memref<64x40xi32, #tpu.memory_space<vmem>> -> memref<1x40xi32, #tpu.memory_space<vmem>>
        %dma_start3A_485 = tpu.memref_squeeze %dma_start3A_484 : memref<1x40xi32, #tpu.memory_space<vmem>> -> memref<40xi32, #tpu.memory_space<vmem>>
        %dma_start3A_486 = arith.constant 0 : i32
        %dma_start3A_487 = arith.constant 0 : i32
        %dma_start3A_488 = tpu.memref_slice %arg2[%dma_start3A_486, %dma_start3A_487] : memref<10000x128xf32, #tpu.memory_space<hbm>> -> memref<10000x128xf32, #tpu.memory_space<hbm>>
        tpu.enqueue_indirect_dma source(%dma_start3A_488 : memref<10000x128xf32, #tpu.memory_space<hbm>>) target(%dma_start3A_482 : memref<40x128xf32, #tpu.memory_space<vmem>>) offsets(%dma_start3A_485 : memref<40xi32, #tpu.memory_space<vmem>>) semaphore(%arg10 : memref<!tpu.dma_semaphore, #tpu.memory_space<semaphore_mem>>)
      } else {
      }
      %mul3A_396 = arith.constant 8 : i32
      %mul3A_397 = arith.muli %scan3A_170, %mul3A_396 : i32
      %add3A_398 = arith.constant 6 : i32
      %add3A_399 = arith.addi %mul3A_397, %add3A_398 : i32
      %dma_wait3A_400 = arith.constant 6 : i32
      %dma_wait3A_401 = arith.constant 0 : i32
      %dma_wait3A_402 = arith.constant 0 : i32
      %dma_wait3A_403 = tpu.memref_slice %arg6[%dma_wait3A_400, %dma_wait3A_401, %dma_wait3A_402] : memref<8x40x128xf32, #tpu.memory_space<vmem>> -> memref<1x40x128xf32, #tpu.memory_space<vmem>>
      %dma_wait3A_404 = tpu.memref_squeeze %dma_wait3A_403 : memref<1x40x128xf32, #tpu.memory_space<vmem>> -> memref<40x128xf32, #tpu.memory_space<vmem>>
      %dma_wait3A_405 = arith.constant 0 : i32
      %dma_wait3A_406 = tpu.memref_slice %arg5[%add3A_399, %dma_wait3A_405] : memref<64x40xi32, #tpu.memory_space<vmem>> -> memref<1x40xi32, #tpu.memory_space<vmem>>
      %dma_wait3A_407 = tpu.memref_squeeze %dma_wait3A_406 : memref<1x40xi32, #tpu.memory_space<vmem>> -> memref<40xi32, #tpu.memory_space<vmem>>
      %dma_wait3A_408 = arith.constant 0 : i32
      %dma_wait3A_409 = arith.constant 0 : i32
      %dma_wait3A_410 = tpu.memref_slice %arg2[%dma_wait3A_408, %dma_wait3A_409] : memref<10000x128xf32, #tpu.memory_space<hbm>> -> memref<10000x128xf32, #tpu.memory_space<hbm>>
      tpu.wait_indirect_dma semaphore(%arg13 : memref<!tpu.dma_semaphore, #tpu.memory_space<semaphore_mem>>) src(%dma_wait3A_410 : memref<10000x128xf32, #tpu.memory_space<hbm>>) dst(%dma_wait3A_404 : memref<40x128xf32, #tpu.memory_space<vmem>>)
      %mul3A_411 = arith.constant 40 : i32
      %mul3A_412 = arith.muli %add3A_399, %mul3A_411 : i32
      %add3A_413 = arith.addi %mul3A_4, %mul3A_412 : i32
      %dma_start3A_414 = arith.constant 6 : i32
      %dma_start3A_415 = arith.constant 0 : i32
      %dma_start3A_416 = arith.constant 0 : i32
      %dma_start3A_417 = tpu.memref_slice %arg6[%dma_start3A_414, %dma_start3A_415, %dma_start3A_416] : memref<8x40x128xf32, #tpu.memory_space<vmem>> -> memref<1x40x128xf32, #tpu.memory_space<vmem>>
      %dma_start3A_418 = tpu.memref_squeeze %dma_start3A_417 : memref<1x40x128xf32, #tpu.memory_space<vmem>> -> memref<40x128xf32, #tpu.memory_space<vmem>>
      %dma_start3A_419 = arith.constant 0 : i32
      %dma_start3A_420 = tpu.memref_slice %arg4[%add3A_413, %dma_start3A_419] : memref<81920x128xf32, #tpu.memory_space<hbm>> -> memref<40x128xf32, #tpu.memory_space<hbm>>
      %dma_start3A_421 = arith.constant 0 : i32
      %dma_start3A_422 = tpu.memref_slice %arg4[%add3A_413, %dma_start3A_421] : memref<81920x128xf32, #tpu.memory_space<hbm>> -> memref<40x128xf32, #tpu.memory_space<hbm>>
      %dma_start3A_423 = arith.constant 0 : i32
      %dma_start3A_424 = arith.constant 0 : i32
      %dma_start3A_425 = tpu.memref_slice %arg6[%dma_start3A_414, %dma_start3A_423, %dma_start3A_424] : memref<8x40x128xf32, #tpu.memory_space<vmem>> -> memref<1x40x128xf32, #tpu.memory_space<vmem>>
      %dma_start3A_426 = tpu.memref_squeeze %dma_start3A_425 : memref<1x40x128xf32, #tpu.memory_space<vmem>> -> memref<40x128xf32, #tpu.memory_space<vmem>>
      tpu.enqueue_dma source(%dma_start3A_426 : memref<40x128xf32, #tpu.memory_space<vmem>>) target(%dma_start3A_422 : memref<40x128xf32, #tpu.memory_space<hbm>>) target_semaphore(%arg21 : memref<!tpu.dma_semaphore, #tpu.memory_space<semaphore_mem>>)
      %add3A_427 = arith.constant 6 : i32
      %add3A_428 = arith.addi %add3A_399, %add3A_427 : i32
      %lt3A_429 = arith.constant 64 : i32
      %lt3A_430 = arith.cmpi slt, %add3A_428, %lt3A_429 : i32
      %convert_element_type3A_431 = arith.extui %lt3A_430 : i1 to i32
      %cond3A_432 = arith.constant 0 : i32
      %cond3A_433 = arith.cmpi ne, %convert_element_type3A_431, %cond3A_432 : i32
      scf.if %cond3A_433 {
        %ge3A = arith.constant 2 : i32
        %ge3A_472 = arith.cmpi sge, %add3A_399, %ge3A : i32
        %convert_element_type3A_473 = arith.extui %ge3A_472 : i1 to i32
        %cond3A_474 = arith.constant 0 : i32
        %cond3A_475 = arith.cmpi ne, %convert_element_type3A_473, %cond3A_474 : i32
        scf.if %cond3A_475 {
          %add3A_489 = arith.constant 6 : i32
          %add3A_490 = arith.addi %add3A_399, %add3A_489 : i32
          %sub3A = arith.constant 8 : i32
          %sub3A_491 = arith.subi %add3A_490, %sub3A : i32
          %mul3A_492 = arith.constant 40 : i32
          %mul3A_493 = arith.muli %sub3A_491, %mul3A_492 : i32
          %add3A_494 = arith.addi %mul3A_4, %mul3A_493 : i32
          %dma_wait3A_495 = arith.constant 4 : i32
          %dma_wait3A_496 = arith.constant 0 : i32
          %dma_wait3A_497 = arith.constant 0 : i32
          %dma_wait3A_498 = tpu.memref_slice %arg6[%dma_wait3A_495, %dma_wait3A_496, %dma_wait3A_497] : memref<8x40x128xf32, #tpu.memory_space<vmem>> -> memref<1x40x128xf32, #tpu.memory_space<vmem>>
          %dma_wait3A_499 = tpu.memref_squeeze %dma_wait3A_498 : memref<1x40x128xf32, #tpu.memory_space<vmem>> -> memref<40x128xf32, #tpu.memory_space<vmem>>
          %dma_wait3A_500 = arith.constant 0 : i32
          %dma_wait3A_501 = tpu.memref_slice %arg4[%add3A_494, %dma_wait3A_500] : memref<81920x128xf32, #tpu.memory_space<hbm>> -> memref<40x128xf32, #tpu.memory_space<hbm>>
          %dma_wait3A_502 = arith.constant 0 : i32
          %dma_wait3A_503 = tpu.memref_slice %arg4[%add3A_494, %dma_wait3A_502] : memref<81920x128xf32, #tpu.memory_space<hbm>> -> memref<40x128xf32, #tpu.memory_space<hbm>>
          %dma_wait3A_504 = arith.constant 0 : i32
          %dma_wait3A_505 = arith.constant 0 : i32
          %dma_wait3A_506 = tpu.memref_slice %arg6[%dma_wait3A_495, %dma_wait3A_504, %dma_wait3A_505] : memref<8x40x128xf32, #tpu.memory_space<vmem>> -> memref<1x40x128xf32, #tpu.memory_space<vmem>>
          %dma_wait3A_507 = tpu.memref_squeeze %dma_wait3A_506 : memref<1x40x128xf32, #tpu.memory_space<vmem>> -> memref<40x128xf32, #tpu.memory_space<vmem>>
          tpu.wait_dma2 semaphore(%arg19 : memref<!tpu.dma_semaphore, #tpu.memory_space<semaphore_mem>>) src(%dma_wait3A_507 : memref<40x128xf32, #tpu.memory_space<vmem>>) dst(%dma_wait3A_503 : memref<40x128xf32, #tpu.memory_space<hbm>>)
        } else {
        }
        %add3A_476 = arith.constant 6 : i32
        %add3A_477 = arith.addi %add3A_399, %add3A_476 : i32
        %dma_start3A_478 = arith.constant 4 : i32
        %dma_start3A_479 = arith.constant 0 : i32
        %dma_start3A_480 = arith.constant 0 : i32
        %dma_start3A_481 = tpu.memref_slice %arg6[%dma_start3A_478, %dma_start3A_479, %dma_start3A_480] : memref<8x40x128xf32, #tpu.memory_space<vmem>> -> memref<1x40x128xf32, #tpu.memory_space<vmem>>
        %dma_start3A_482 = tpu.memref_squeeze %dma_start3A_481 : memref<1x40x128xf32, #tpu.memory_space<vmem>> -> memref<40x128xf32, #tpu.memory_space<vmem>>
        %dma_start3A_483 = arith.constant 0 : i32
        %dma_start3A_484 = tpu.memref_slice %arg5[%add3A_477, %dma_start3A_483] : memref<64x40xi32, #tpu.memory_space<vmem>> -> memref<1x40xi32, #tpu.memory_space<vmem>>
        %dma_start3A_485 = tpu.memref_squeeze %dma_start3A_484 : memref<1x40xi32, #tpu.memory_space<vmem>> -> memref<40xi32, #tpu.memory_space<vmem>>
        %dma_start3A_486 = arith.constant 0 : i32
        %dma_start3A_487 = arith.constant 0 : i32
        %dma_start3A_488 = tpu.memref_slice %arg2[%dma_start3A_486, %dma_start3A_487] : memref<10000x128xf32, #tpu.memory_space<hbm>> -> memref<10000x128xf32, #tpu.memory_space<hbm>>
        tpu.enqueue_indirect_dma source(%dma_start3A_488 : memref<10000x128xf32, #tpu.memory_space<hbm>>) target(%dma_start3A_482 : memref<40x128xf32, #tpu.memory_space<vmem>>) offsets(%dma_start3A_485 : memref<40xi32, #tpu.memory_space<vmem>>) semaphore(%arg11 : memref<!tpu.dma_semaphore, #tpu.memory_space<semaphore_mem>>)
      } else {
      }
      %mul3A_434 = arith.constant 8 : i32
      %mul3A_435 = arith.muli %scan3A_170, %mul3A_434 : i32
      %add3A_436 = arith.constant 7 : i32
      %add3A_437 = arith.addi %mul3A_435, %add3A_436 : i32
      %dma_wait3A_438 = arith.constant 7 : i32
      %dma_wait3A_439 = arith.constant 0 : i32
      %dma_wait3A_440 = arith.constant 0 : i32
      %dma_wait3A_441 = tpu.memref_slice %arg6[%dma_wait3A_438, %dma_wait3A_439, %dma_wait3A_440] : memref<8x40x128xf32, #tpu.memory_space<vmem>> -> memref<1x40x128xf32, #tpu.memory_space<vmem>>
      %dma_wait3A_442 = tpu.memref_squeeze %dma_wait3A_441 : memref<1x40x128xf32, #tpu.memory_space<vmem>> -> memref<40x128xf32, #tpu.memory_space<vmem>>
      %dma_wait3A_443 = arith.constant 0 : i32
      %dma_wait3A_444 = tpu.memref_slice %arg5[%add3A_437, %dma_wait3A_443] : memref<64x40xi32, #tpu.memory_space<vmem>> -> memref<1x40xi32, #tpu.memory_space<vmem>>
      %dma_wait3A_445 = tpu.memref_squeeze %dma_wait3A_444 : memref<1x40xi32, #tpu.memory_space<vmem>> -> memref<40xi32, #tpu.memory_space<vmem>>
      %dma_wait3A_446 = arith.constant 0 : i32
      %dma_wait3A_447 = arith.constant 0 : i32
      %dma_wait3A_448 = tpu.memref_slice %arg2[%dma_wait3A_446, %dma_wait3A_447] : memref<10000x128xf32, #tpu.memory_space<hbm>> -> memref<10000x128xf32, #tpu.memory_space<hbm>>
      tpu.wait_indirect_dma semaphore(%arg14 : memref<!tpu.dma_semaphore, #tpu.memory_space<semaphore_mem>>) src(%dma_wait3A_448 : memref<10000x128xf32, #tpu.memory_space<hbm>>) dst(%dma_wait3A_442 : memref<40x128xf32, #tpu.memory_space<vmem>>)
      %mul3A_449 = arith.constant 40 : i32
      %mul3A_450 = arith.muli %add3A_437, %mul3A_449 : i32
      %add3A_451 = arith.addi %mul3A_4, %mul3A_450 : i32
      %dma_start3A_452 = arith.constant 7 : i32
      %dma_start3A_453 = arith.constant 0 : i32
      %dma_start3A_454 = arith.constant 0 : i32
      %dma_start3A_455 = tpu.memref_slice %arg6[%dma_start3A_452, %dma_start3A_453, %dma_start3A_454] : memref<8x40x128xf32, #tpu.memory_space<vmem>> -> memref<1x40x128xf32, #tpu.memory_space<vmem>>
      %dma_start3A_456 = tpu.memref_squeeze %dma_start3A_455 : memref<1x40x128xf32, #tpu.memory_space<vmem>> -> memref<40x128xf32, #tpu.memory_space<vmem>>
      %dma_start3A_457 = arith.constant 0 : i32
      %dma_start3A_458 = tpu.memref_slice %arg4[%add3A_451, %dma_start3A_457] : memref<81920x128xf32, #tpu.memory_space<hbm>> -> memref<40x128xf32, #tpu.memory_space<hbm>>
      %dma_start3A_459 = arith.constant 0 : i32
      %dma_start3A_460 = tpu.memref_slice %arg4[%add3A_451, %dma_start3A_459] : memref<81920x128xf32, #tpu.memory_space<hbm>> -> memref<40x128xf32, #tpu.memory_space<hbm>>
      %dma_start3A_461 = arith.constant 0 : i32
      %dma_start3A_462 = arith.constant 0 : i32
      %dma_start3A_463 = tpu.memref_slice %arg6[%dma_start3A_452, %dma_start3A_461, %dma_start3A_462] : memref<8x40x128xf32, #tpu.memory_space<vmem>> -> memref<1x40x128xf32, #tpu.memory_space<vmem>>
      %dma_start3A_464 = tpu.memref_squeeze %dma_start3A_463 : memref<1x40x128xf32, #tpu.memory_space<vmem>> -> memref<40x128xf32, #tpu.memory_space<vmem>>
      tpu.enqueue_dma source(%dma_start3A_464 : memref<40x128xf32, #tpu.memory_space<vmem>>) target(%dma_start3A_460 : memref<40x128xf32, #tpu.memory_space<hbm>>) target_semaphore(%arg22 : memref<!tpu.dma_semaphore, #tpu.memory_space<semaphore_mem>>)
      %add3A_465 = arith.constant 6 : i32
      %add3A_466 = arith.addi %add3A_437, %add3A_465 : i32
      %lt3A_467 = arith.constant 64 : i32
      %lt3A_468 = arith.cmpi slt, %add3A_466, %lt3A_467 : i32
      %convert_element_type3A_469 = arith.extui %lt3A_468 : i1 to i32
      %cond3A_470 = arith.constant 0 : i32
      %cond3A_471 = arith.cmpi ne, %convert_element_type3A_469, %cond3A_470 : i32
      scf.if %cond3A_471 {
        %ge3A = arith.constant 2 : i32
        %ge3A_472 = arith.cmpi sge, %add3A_437, %ge3A : i32
        %convert_element_type3A_473 = arith.extui %ge3A_472 : i1 to i32
        %cond3A_474 = arith.constant 0 : i32
        %cond3A_475 = arith.cmpi ne, %convert_element_type3A_473, %cond3A_474 : i32
        scf.if %cond3A_475 {
          %add3A_489 = arith.constant 6 : i32
          %add3A_490 = arith.addi %add3A_437, %add3A_489 : i32
          %sub3A = arith.constant 8 : i32
          %sub3A_491 = arith.subi %add3A_490, %sub3A : i32
          %mul3A_492 = arith.constant 40 : i32
          %mul3A_493 = arith.muli %sub3A_491, %mul3A_492 : i32
          %add3A_494 = arith.addi %mul3A_4, %mul3A_493 : i32
          %dma_wait3A_495 = arith.constant 5 : i32
          %dma_wait3A_496 = arith.constant 0 : i32
          %dma_wait3A_497 = arith.constant 0 : i32
          %dma_wait3A_498 = tpu.memref_slice %arg6[%dma_wait3A_495, %dma_wait3A_496, %dma_wait3A_497] : memref<8x40x128xf32, #tpu.memory_space<vmem>> -> memref<1x40x128xf32, #tpu.memory_space<vmem>>
          %dma_wait3A_499 = tpu.memref_squeeze %dma_wait3A_498 : memref<1x40x128xf32, #tpu.memory_space<vmem>> -> memref<40x128xf32, #tpu.memory_space<vmem>>
          %dma_wait3A_500 = arith.constant 0 : i32
          %dma_wait3A_501 = tpu.memref_slice %arg4[%add3A_494, %dma_wait3A_500] : memref<81920x128xf32, #tpu.memory_space<hbm>> -> memref<40x128xf32, #tpu.memory_space<hbm>>
          %dma_wait3A_502 = arith.constant 0 : i32
          %dma_wait3A_503 = tpu.memref_slice %arg4[%add3A_494, %dma_wait3A_502] : memref<81920x128xf32, #tpu.memory_space<hbm>> -> memref<40x128xf32, #tpu.memory_space<hbm>>
          %dma_wait3A_504 = arith.constant 0 : i32
          %dma_wait3A_505 = arith.constant 0 : i32
          %dma_wait3A_506 = tpu.memref_slice %arg6[%dma_wait3A_495, %dma_wait3A_504, %dma_wait3A_505] : memref<8x40x128xf32, #tpu.memory_space<vmem>> -> memref<1x40x128xf32, #tpu.memory_space<vmem>>
          %dma_wait3A_507 = tpu.memref_squeeze %dma_wait3A_506 : memref<1x40x128xf32, #tpu.memory_space<vmem>> -> memref<40x128xf32, #tpu.memory_space<vmem>>
          tpu.wait_dma2 semaphore(%arg20 : memref<!tpu.dma_semaphore, #tpu.memory_space<semaphore_mem>>) src(%dma_wait3A_507 : memref<40x128xf32, #tpu.memory_space<vmem>>) dst(%dma_wait3A_503 : memref<40x128xf32, #tpu.memory_space<hbm>>)
        } else {
        }
        %add3A_476 = arith.constant 6 : i32
        %add3A_477 = arith.addi %add3A_437, %add3A_476 : i32
        %dma_start3A_478 = arith.constant 5 : i32
        %dma_start3A_479 = arith.constant 0 : i32
        %dma_start3A_480 = arith.constant 0 : i32
        %dma_start3A_481 = tpu.memref_slice %arg6[%dma_start3A_478, %dma_start3A_479, %dma_start3A_480] : memref<8x40x128xf32, #tpu.memory_space<vmem>> -> memref<1x40x128xf32, #tpu.memory_space<vmem>>
        %dma_start3A_482 = tpu.memref_squeeze %dma_start3A_481 : memref<1x40x128xf32, #tpu.memory_space<vmem>> -> memref<40x128xf32, #tpu.memory_space<vmem>>
        %dma_start3A_483 = arith.constant 0 : i32
        %dma_start3A_484 = tpu.memref_slice %arg5[%add3A_477, %dma_start3A_483] : memref<64x40xi32, #tpu.memory_space<vmem>> -> memref<1x40xi32, #tpu.memory_space<vmem>>
        %dma_start3A_485 = tpu.memref_squeeze %dma_start3A_484 : memref<1x40xi32, #tpu.memory_space<vmem>> -> memref<40xi32, #tpu.memory_space<vmem>>
        %dma_start3A_486 = arith.constant 0 : i32
        %dma_start3A_487 = arith.constant 0 : i32
        %dma_start3A_488 = tpu.memref_slice %arg2[%dma_start3A_486, %dma_start3A_487] : memref<10000x128xf32, #tpu.memory_space<hbm>> -> memref<10000x128xf32, #tpu.memory_space<hbm>>
        tpu.enqueue_indirect_dma source(%dma_start3A_488 : memref<10000x128xf32, #tpu.memory_space<hbm>>) target(%dma_start3A_482 : memref<40x128xf32, #tpu.memory_space<vmem>>) offsets(%dma_start3A_485 : memref<40xi32, #tpu.memory_space<vmem>>) semaphore(%arg12 : memref<!tpu.dma_semaphore, #tpu.memory_space<semaphore_mem>>)
      } else {
      }
    }
    %scan3A_80 = arith.constant 8 : i32
    %add3A_81 = arith.constant 2320 : i32
    %add3A_82 = arith.addi %mul3A_4, %add3A_81 : i32
    %dma_wait3A = arith.constant 2 : i32
    %dma_wait3A_83 = arith.constant 0 : i32
    %dma_wait3A_84 = arith.constant 0 : i32
    %dma_wait3A_85 = tpu.memref_slice %arg6[%dma_wait3A, %dma_wait3A_83, %dma_wait3A_84] : memref<8x40x128xf32, #tpu.memory_space<vmem>> -> memref<1x40x128xf32, #tpu.memory_space<vmem>>
    %dma_wait3A_86 = tpu.memref_squeeze %dma_wait3A_85 : memref<1x40x128xf32, #tpu.memory_space<vmem>> -> memref<40x128xf32, #tpu.memory_space<vmem>>
    %dma_wait3A_87 = arith.constant 0 : i32
    %dma_wait3A_88 = tpu.memref_slice %arg4[%add3A_82, %dma_wait3A_87] : memref<81920x128xf32, #tpu.memory_space<hbm>> -> memref<40x128xf32, #tpu.memory_space<hbm>>
    %dma_wait3A_89 = arith.constant 0 : i32
    %dma_wait3A_90 = tpu.memref_slice %arg4[%add3A_82, %dma_wait3A_89] : memref<81920x128xf32, #tpu.memory_space<hbm>> -> memref<40x128xf32, #tpu.memory_space<hbm>>
    %dma_wait3A_91 = arith.constant 0 : i32
    %dma_wait3A_92 = arith.constant 0 : i32
    %dma_wait3A_93 = tpu.memref_slice %arg6[%dma_wait3A, %dma_wait3A_91, %dma_wait3A_92] : memref<8x40x128xf32, #tpu.memory_space<vmem>> -> memref<1x40x128xf32, #tpu.memory_space<vmem>>
    %dma_wait3A_94 = tpu.memref_squeeze %dma_wait3A_93 : memref<1x40x128xf32, #tpu.memory_space<vmem>> -> memref<40x128xf32, #tpu.memory_space<vmem>>
    tpu.wait_dma2 semaphore(%arg17 : memref<!tpu.dma_semaphore, #tpu.memory_space<semaphore_mem>>) src(%dma_wait3A_94 : memref<40x128xf32, #tpu.memory_space<vmem>>) dst(%dma_wait3A_90 : memref<40x128xf32, #tpu.memory_space<hbm>>)
    %add3A_95 = arith.constant 2360 : i32
    %add3A_96 = arith.addi %mul3A_4, %add3A_95 : i32
    %dma_wait3A_97 = arith.constant 3 : i32
    %dma_wait3A_98 = arith.constant 0 : i32
    %dma_wait3A_99 = arith.constant 0 : i32
    %dma_wait3A_100 = tpu.memref_slice %arg6[%dma_wait3A_97, %dma_wait3A_98, %dma_wait3A_99] : memref<8x40x128xf32, #tpu.memory_space<vmem>> -> memref<1x40x128xf32, #tpu.memory_space<vmem>>
    %dma_wait3A_101 = tpu.memref_squeeze %dma_wait3A_100 : memref<1x40x128xf32, #tpu.memory_space<vmem>> -> memref<40x128xf32, #tpu.memory_space<vmem>>
    %dma_wait3A_102 = arith.constant 0 : i32
    %dma_wait3A_103 = tpu.memref_slice %arg4[%add3A_96, %dma_wait3A_102] : memref<81920x128xf32, #tpu.memory_space<hbm>> -> memref<40x128xf32, #tpu.memory_space<hbm>>
    %dma_wait3A_104 = arith.constant 0 : i32
    %dma_wait3A_105 = tpu.memref_slice %arg4[%add3A_96, %dma_wait3A_104] : memref<81920x128xf32, #tpu.memory_space<hbm>> -> memref<40x128xf32, #tpu.memory_space<hbm>>
    %dma_wait3A_106 = arith.constant 0 : i32
    %dma_wait3A_107 = arith.constant 0 : i32
    %dma_wait3A_108 = tpu.memref_slice %arg6[%dma_wait3A_97, %dma_wait3A_106, %dma_wait3A_107] : memref<8x40x128xf32, #tpu.memory_space<vmem>> -> memref<1x40x128xf32, #tpu.memory_space<vmem>>
    %dma_wait3A_109 = tpu.memref_squeeze %dma_wait3A_108 : memref<1x40x128xf32, #tpu.memory_space<vmem>> -> memref<40x128xf32, #tpu.memory_space<vmem>>
    tpu.wait_dma2 semaphore(%arg18 : memref<!tpu.dma_semaphore, #tpu.memory_space<semaphore_mem>>) src(%dma_wait3A_109 : memref<40x128xf32, #tpu.memory_space<vmem>>) dst(%dma_wait3A_105 : memref<40x128xf32, #tpu.memory_space<hbm>>)
    %add3A_110 = arith.constant 2400 : i32
    %add3A_111 = arith.addi %mul3A_4, %add3A_110 : i32
    %dma_wait3A_112 = arith.constant 4 : i32
    %dma_wait3A_113 = arith.constant 0 : i32
    %dma_wait3A_114 = arith.constant 0 : i32
    %dma_wait3A_115 = tpu.memref_slice %arg6[%dma_wait3A_112, %dma_wait3A_113, %dma_wait3A_114] : memref<8x40x128xf32, #tpu.memory_space<vmem>> -> memref<1x40x128xf32, #tpu.memory_space<vmem>>
    %dma_wait3A_116 = tpu.memref_squeeze %dma_wait3A_115 : memref<1x40x128xf32, #tpu.memory_space<vmem>> -> memref<40x128xf32, #tpu.memory_space<vmem>>
    %dma_wait3A_117 = arith.constant 0 : i32
    %dma_wait3A_118 = tpu.memref_slice %arg4[%add3A_111, %dma_wait3A_117] : memref<81920x128xf32, #tpu.memory_space<hbm>> -> memref<40x128xf32, #tpu.memory_space<hbm>>
    %dma_wait3A_119 = arith.constant 0 : i32
    %dma_wait3A_120 = tpu.memref_slice %arg4[%add3A_111, %dma_wait3A_119] : memref<81920x128xf32, #tpu.memory_space<hbm>> -> memref<40x128xf32, #tpu.memory_space<hbm>>
    %dma_wait3A_121 = arith.constant 0 : i32
    %dma_wait3A_122 = arith.constant 0 : i32
    %dma_wait3A_123 = tpu.memref_slice %arg6[%dma_wait3A_112, %dma_wait3A_121, %dma_wait3A_122] : memref<8x40x128xf32, #tpu.memory_space<vmem>> -> memref<1x40x128xf32, #tpu.memory_space<vmem>>
    %dma_wait3A_124 = tpu.memref_squeeze %dma_wait3A_123 : memref<1x40x128xf32, #tpu.memory_space<vmem>> -> memref<40x128xf32, #tpu.memory_space<vmem>>
    tpu.wait_dma2 semaphore(%arg19 : memref<!tpu.dma_semaphore, #tpu.memory_space<semaphore_mem>>) src(%dma_wait3A_124 : memref<40x128xf32, #tpu.memory_space<vmem>>) dst(%dma_wait3A_120 : memref<40x128xf32, #tpu.memory_space<hbm>>)
    %add3A_125 = arith.constant 2440 : i32
    %add3A_126 = arith.addi %mul3A_4, %add3A_125 : i32
    %dma_wait3A_127 = arith.constant 5 : i32
    %dma_wait3A_128 = arith.constant 0 : i32
    %dma_wait3A_129 = arith.constant 0 : i32
    %dma_wait3A_130 = tpu.memref_slice %arg6[%dma_wait3A_127, %dma_wait3A_128, %dma_wait3A_129] : memref<8x40x128xf32, #tpu.memory_space<vmem>> -> memref<1x40x128xf32, #tpu.memory_space<vmem>>
    %dma_wait3A_131 = tpu.memref_squeeze %dma_wait3A_130 : memref<1x40x128xf32, #tpu.memory_space<vmem>> -> memref<40x128xf32, #tpu.memory_space<vmem>>
    %dma_wait3A_132 = arith.constant 0 : i32
    %dma_wait3A_133 = tpu.memref_slice %arg4[%add3A_126, %dma_wait3A_132] : memref<81920x128xf32, #tpu.memory_space<hbm>> -> memref<40x128xf32, #tpu.memory_space<hbm>>
    %dma_wait3A_134 = arith.constant 0 : i32
    %dma_wait3A_135 = tpu.memref_slice %arg4[%add3A_126, %dma_wait3A_134] : memref<81920x128xf32, #tpu.memory_space<hbm>> -> memref<40x128xf32, #tpu.memory_space<hbm>>
    %dma_wait3A_136 = arith.constant 0 : i32
    %dma_wait3A_137 = arith.constant 0 : i32
    %dma_wait3A_138 = tpu.memref_slice %arg6[%dma_wait3A_127, %dma_wait3A_136, %dma_wait3A_137] : memref<8x40x128xf32, #tpu.memory_space<vmem>> -> memref<1x40x128xf32, #tpu.memory_space<vmem>>
    %dma_wait3A_139 = tpu.memref_squeeze %dma_wait3A_138 : memref<1x40x128xf32, #tpu.memory_space<vmem>> -> memref<40x128xf32, #tpu.memory_space<vmem>>
    tpu.wait_dma2 semaphore(%arg20 : memref<!tpu.dma_semaphore, #tpu.memory_space<semaphore_mem>>) src(%dma_wait3A_139 : memref<40x128xf32, #tpu.memory_space<vmem>>) dst(%dma_wait3A_135 : memref<40x128xf32, #tpu.memory_space<hbm>>)
    %add3A_140 = arith.constant 2480 : i32
    %add3A_141 = arith.addi %mul3A_4, %add3A_140 : i32
    %dma_wait3A_142 = arith.constant 6 : i32
    %dma_wait3A_143 = arith.constant 0 : i32
    %dma_wait3A_144 = arith.constant 0 : i32
    %dma_wait3A_145 = tpu.memref_slice %arg6[%dma_wait3A_142, %dma_wait3A_143, %dma_wait3A_144] : memref<8x40x128xf32, #tpu.memory_space<vmem>> -> memref<1x40x128xf32, #tpu.memory_space<vmem>>
    %dma_wait3A_146 = tpu.memref_squeeze %dma_wait3A_145 : memref<1x40x128xf32, #tpu.memory_space<vmem>> -> memref<40x128xf32, #tpu.memory_space<vmem>>
    %dma_wait3A_147 = arith.constant 0 : i32
    %dma_wait3A_148 = tpu.memref_slice %arg4[%add3A_141, %dma_wait3A_147] : memref<81920x128xf32, #tpu.memory_space<hbm>> -> memref<40x128xf32, #tpu.memory_space<hbm>>
    %dma_wait3A_149 = arith.constant 0 : i32
    %dma_wait3A_150 = tpu.memref_slice %arg4[%add3A_141, %dma_wait3A_149] : memref<81920x128xf32, #tpu.memory_space<hbm>> -> memref<40x128xf32, #tpu.memory_space<hbm>>
    %dma_wait3A_151 = arith.constant 0 : i32
    %dma_wait3A_152 = arith.constant 0 : i32
    %dma_wait3A_153 = tpu.memref_slice %arg6[%dma_wait3A_142, %dma_wait3A_151, %dma_wait3A_152] : memref<8x40x128xf32, #tpu.memory_space<vmem>> -> memref<1x40x128xf32, #tpu.memory_space<vmem>>
    %dma_wait3A_154 = tpu.memref_squeeze %dma_wait3A_153 : memref<1x40x128xf32, #tpu.memory_space<vmem>> -> memref<40x128xf32, #tpu.memory_space<vmem>>
    tpu.wait_dma2 semaphore(%arg21 : memref<!tpu.dma_semaphore, #tpu.memory_space<semaphore_mem>>) src(%dma_wait3A_154 : memref<40x128xf32, #tpu.memory_space<vmem>>) dst(%dma_wait3A_150 : memref<40x128xf32, #tpu.memory_space<hbm>>)
    %add3A_155 = arith.constant 2520 : i32
    %add3A_156 = arith.addi %mul3A_4, %add3A_155 : i32
    %dma_wait3A_157 = arith.constant 7 : i32
    %dma_wait3A_158 = arith.constant 0 : i32
    %dma_wait3A_159 = arith.constant 0 : i32
    %dma_wait3A_160 = tpu.memref_slice %arg6[%dma_wait3A_157, %dma_wait3A_158, %dma_wait3A_159] : memref<8x40x128xf32, #tpu.memory_space<vmem>> -> memref<1x40x128xf32, #tpu.memory_space<vmem>>
    %dma_wait3A_161 = tpu.memref_squeeze %dma_wait3A_160 : memref<1x40x128xf32, #tpu.memory_space<vmem>> -> memref<40x128xf32, #tpu.memory_space<vmem>>
    %dma_wait3A_162 = arith.constant 0 : i32
    %dma_wait3A_163 = tpu.memref_slice %arg4[%add3A_156, %dma_wait3A_162] : memref<81920x128xf32, #tpu.memory_space<hbm>> -> memref<40x128xf32, #tpu.memory_space<hbm>>
    %dma_wait3A_164 = arith.constant 0 : i32
    %dma_wait3A_165 = tpu.memref_slice %arg4[%add3A_156, %dma_wait3A_164] : memref<81920x128xf32, #tpu.memory_space<hbm>> -> memref<40x128xf32, #tpu.memory_space<hbm>>
    %dma_wait3A_166 = arith.constant 0 : i32
    %dma_wait3A_167 = arith.constant 0 : i32
    %dma_wait3A_168 = tpu.memref_slice %arg6[%dma_wait3A_157, %dma_wait3A_166, %dma_wait3A_167] : memref<8x40x128xf32, #tpu.memory_space<vmem>> -> memref<1x40x128xf32, #tpu.memory_space<vmem>>
    %dma_wait3A_169 = tpu.memref_squeeze %dma_wait3A_168 : memref<1x40x128xf32, #tpu.memory_space<vmem>> -> memref<40x128xf32, #tpu.memory_space<vmem>>
    tpu.wait_dma2 semaphore(%arg22 : memref<!tpu.dma_semaphore, #tpu.memory_space<semaphore_mem>>) src(%dma_wait3A_169 : memref<40x128xf32, #tpu.memory_space<vmem>>) dst(%dma_wait3A_165 : memref<40x128xf32, #tpu.memory_space<hbm>>)
    return
  }
}

module attributes {stable_mosaic.version = 14 : i64} {
  func.func @_pre_body(%arg0: i32, %arg1: memref<1000x128xf32, #tpu.memory_space<vmem>>, %arg2: memref<1000x3xf32, #tpu.memory_space<vmem>>, %arg3: memref<128x128xf32, #tpu.memory_space<vmem>>, %arg4: memref<128x128xf32, #tpu.memory_space<vmem>>, %arg5: memref<1x128xf32, #tpu.memory_space<vmem>>, %arg6: memref<128x128xf32, #tpu.memory_space<vmem>>, %arg7: memref<1x128xf32, #tpu.memory_space<vmem>>, %arg8: memref<128x128xf32, #tpu.memory_space<vmem>>, %arg9: memref<1x128xf32, #tpu.memory_space<vmem>>, %arg10: memref<128x8xf32, #tpu.memory_space<vmem>>, %arg11: memref<1000x128xf32, #tpu.memory_space<vmem>>, %arg12: memref<1000x16xf32, #tpu.memory_space<vmem>>) attributes {dimension_semantics = [#tpu.dimension_semantics<parallel>], iteration_bounds = array<i64: 10>, scalar_prefetch = 0 : i64, scratch_operands = 0 : i64, tpu.core_type = #tpu.core_type<tc>, window_params = [{transform_indices = @transform_0, window_bounds = array<i64: 1000, 128>}, {transform_indices = @transform_1, window_bounds = array<i64: 1000, 3>}, {pipeline_mode = #tpu.pipeline_mode<synchronous>, transform_indices = @transform_2, window_bounds = array<i64: 128, 128>}, {pipeline_mode = #tpu.pipeline_mode<synchronous>, transform_indices = @transform_3, window_bounds = array<i64: 128, 128>}, {pipeline_mode = #tpu.pipeline_mode<synchronous>, transform_indices = @transform_4, window_bounds = array<i64: 1, 128>}, {pipeline_mode = #tpu.pipeline_mode<synchronous>, transform_indices = @transform_5, window_bounds = array<i64: 128, 128>}, {pipeline_mode = #tpu.pipeline_mode<synchronous>, transform_indices = @transform_6, window_bounds = array<i64: 1, 128>}, {pipeline_mode = #tpu.pipeline_mode<synchronous>, transform_indices = @transform_7, window_bounds = array<i64: 128, 128>}, {pipeline_mode = #tpu.pipeline_mode<synchronous>, transform_indices = @transform_8, window_bounds = array<i64: 1, 128>}, {pipeline_mode = #tpu.pipeline_mode<synchronous>, transform_indices = @transform_9, window_bounds = array<i64: 128, 8>}, {transform_indices = @transform_10, window_bounds = array<i64: 1000, 128>}, {transform_indices = @transform_11, window_bounds = array<i64: 1000, 16>}]} {
    %add3A = arith.constant 1.000000e+00 : f32
    %add3A_0 = arith.constant 9.99999974E-6 : f32
    %add3A_1 = arith.addf %add3A, %add3A_0 : f32
    %sqrt3A = math.sqrt %add3A_1 : f32
    %div3A = arith.constant 1.000000e+00 : f32
    %div3A_2 = arith.divf %div3A, %sqrt3A : f32
    %get3A = arith.constant 0 : index
    %get3A_3 = arith.constant 0 : index
    %get3A_4 = vector.load %arg1[%get3A, %get3A_3] : memref<1000x128xf32, #tpu.memory_space<vmem>>, vector<1000x128xf32>
    %get3A_5 = arith.constant 0 : index
    %get3A_6 = arith.constant 0 : index
    %get3A_7 = vector.load %arg3[%get3A_5, %get3A_6] : memref<128x128xf32, #tpu.memory_space<vmem>>, vector<128x128xf32>
    %dot_general3A = arith.constant dense<0.000000e+00> : vector<1000x128xf32>
    %dot_general3A_8 = tpu.matmul %get3A_4, %get3A_7, %dot_general3A {dimension_numbers = #tpu.dot_dimension_numbers<[1], [0], [0], [1], [0, 0, 1, 1], [], []>, transpose_lhs_hint = false} : vector<1000x128xf32>, vector<128x128xf32>, vector<1000x128xf32> -> vector<1000x128xf32>
    %mul3A = vector.broadcast %div3A_2 : f32 to vector<1000x128xf32>
    %mul3A_9 = arith.mulf %mul3A, %dot_general3A_8 : vector<1000x128xf32>
    %max3A = arith.constant 0.000000e+00 : f32
    %max3A_10 = vector.broadcast %max3A : f32 to vector<1000x128xf32>
    %max3A_11 = arith.maximumf %mul3A_9, %max3A_10 : vector<1000x128xf32>
    %get3A_12 = arith.constant 0 : index
    %get3A_13 = arith.constant 0 : index
    %get3A_14 = vector.load %arg4[%get3A_12, %get3A_13] : memref<128x128xf32, #tpu.memory_space<vmem>>, vector<128x128xf32>
    %dot_general3A_15 = arith.constant dense<0.000000e+00> : vector<1000x128xf32>
    %dot_general3A_16 = tpu.matmul %max3A_11, %get3A_14, %dot_general3A_15 {dimension_numbers = #tpu.dot_dimension_numbers<[1], [0], [0], [1], [0, 0, 1, 1], [], []>, transpose_lhs_hint = false} : vector<1000x128xf32>, vector<128x128xf32>, vector<1000x128xf32> -> vector<1000x128xf32>
    %get3A_17 = arith.constant 0 : index
    %get3A_18 = arith.constant 0 : index
    %get3A_19 = vector.load %arg5[%get3A_17, %get3A_18] : memref<1x128xf32, #tpu.memory_space<vmem>>, vector<1x128xf32>
    %add3A_20 = vector.broadcast %get3A_19 : vector<1x128xf32> to vector<1000x128xf32>
    %add3A_21 = arith.addf %dot_general3A_16, %add3A_20 : vector<1000x128xf32>
    %mul3A_22 = vector.broadcast %div3A_2 : f32 to vector<1000x128xf32>
    %mul3A_23 = arith.mulf %mul3A_22, %add3A_21 : vector<1000x128xf32>
    %max3A_24 = arith.constant 0.000000e+00 : f32
    %max3A_25 = vector.broadcast %max3A_24 : f32 to vector<1000x128xf32>
    %max3A_26 = arith.maximumf %mul3A_23, %max3A_25 : vector<1000x128xf32>
    %get3A_27 = arith.constant 0 : index
    %get3A_28 = arith.constant 0 : index
    %get3A_29 = vector.load %arg6[%get3A_27, %get3A_28] : memref<128x128xf32, #tpu.memory_space<vmem>>, vector<128x128xf32>
    %dot_general3A_30 = arith.constant dense<0.000000e+00> : vector<1000x128xf32>
    %dot_general3A_31 = tpu.matmul %max3A_11, %get3A_29, %dot_general3A_30 {dimension_numbers = #tpu.dot_dimension_numbers<[1], [0], [0], [1], [0, 0, 1, 1], [], []>, transpose_lhs_hint = false} : vector<1000x128xf32>, vector<128x128xf32>, vector<1000x128xf32> -> vector<1000x128xf32>
    %get3A_32 = arith.constant 0 : index
    %get3A_33 = arith.constant 0 : index
    %get3A_34 = vector.load %arg7[%get3A_32, %get3A_33] : memref<1x128xf32, #tpu.memory_space<vmem>>, vector<1x128xf32>
    %add3A_35 = vector.broadcast %get3A_34 : vector<1x128xf32> to vector<1000x128xf32>
    %add3A_36 = arith.addf %dot_general3A_31, %add3A_35 : vector<1000x128xf32>
    %mul3A_37 = vector.broadcast %div3A_2 : f32 to vector<1000x128xf32>
    %mul3A_38 = arith.mulf %mul3A_37, %add3A_36 : vector<1000x128xf32>
    %max3A_39 = arith.constant 0.000000e+00 : f32
    %max3A_40 = vector.broadcast %max3A_39 : f32 to vector<1000x128xf32>
    %max3A_41 = arith.maximumf %mul3A_38, %max3A_40 : vector<1000x128xf32>
    %get3A_42 = arith.constant 0 : index
    %get3A_43 = arith.constant 0 : index
    %get3A_44 = vector.load %arg8[%get3A_42, %get3A_43] : memref<128x128xf32, #tpu.memory_space<vmem>>, vector<128x128xf32>
    %dot_general3A_45 = arith.constant dense<0.000000e+00> : vector<1000x128xf32>
    %dot_general3A_46 = tpu.matmul %max3A_11, %get3A_44, %dot_general3A_45 {dimension_numbers = #tpu.dot_dimension_numbers<[1], [0], [0], [1], [0, 0, 1, 1], [], []>, transpose_lhs_hint = false} : vector<1000x128xf32>, vector<128x128xf32>, vector<1000x128xf32> -> vector<1000x128xf32>
    %get3A_47 = arith.constant 0 : index
    %get3A_48 = arith.constant 0 : index
    %get3A_49 = vector.load %arg9[%get3A_47, %get3A_48] : memref<1x128xf32, #tpu.memory_space<vmem>>, vector<1x128xf32>
    %add3A_50 = vector.broadcast %get3A_49 : vector<1x128xf32> to vector<1000x128xf32>
    %add3A_51 = arith.addf %dot_general3A_46, %add3A_50 : vector<1000x128xf32>
    %bitcast_convert_type3A = tpu.bitcast %add3A_51 : vector<1000x128xf32> -> vector<1000x128xi32>
    %slice3A = vector.extract_strided_slice %bitcast_convert_type3A {offsets = [0, 0], sizes = [1000, 64], strides = [1, 1]} : vector<1000x128xi32> to vector<1000x64xi32>
    %add3A_52 = arith.constant 32768 : i32
    %add3A_53 = vector.broadcast %add3A_52 : i32 to vector<1000x64xi32>
    %add3A_54 = arith.addi %slice3A, %add3A_53 : vector<1000x64xi32>
    %shift_right_logical3A = arith.constant 16 : i32
    %shift_right_logical3A_55 = vector.broadcast %shift_right_logical3A : i32 to vector<1000x64xi32>
    %shift_right_logical3A_56 = arith.shrui %add3A_54, %shift_right_logical3A_55 : vector<1000x64xi32>
    %slice3A_57 = vector.extract_strided_slice %bitcast_convert_type3A {offsets = [0, 64], sizes = [1000, 64], strides = [1, 1]} : vector<1000x128xi32> to vector<1000x64xi32>
    %add3A_58 = arith.constant 32768 : i32
    %add3A_59 = vector.broadcast %add3A_58 : i32 to vector<1000x64xi32>
    %add3A_60 = arith.addi %slice3A_57, %add3A_59 : vector<1000x64xi32>
    %and3A = arith.constant -65536 : i32
    %and3A_61 = vector.broadcast %and3A : i32 to vector<1000x64xi32>
    %and3A_62 = arith.andi %add3A_60, %and3A_61 : vector<1000x64xi32>
    %or3A = arith.ori %and3A_62, %shift_right_logical3A_56 : vector<1000x64xi32>
    %bitcast_convert_type3A_63 = tpu.bitcast %or3A : vector<1000x64xi32> -> vector<1000x64xf32>
    %get3A_64 = arith.constant 0 : index
    %get3A_65 = arith.constant 0 : index
    %get3A_66 = vector.load %arg10[%get3A_64, %get3A_65] : memref<128x8xf32, #tpu.memory_space<vmem>>, vector<128x8xf32>
    %dot_general3A_67 = arith.constant dense<0.000000e+00> : vector<1000x8xf32>
    %dot_general3A_68 = tpu.matmul %max3A_41, %get3A_66, %dot_general3A_67 {dimension_numbers = #tpu.dot_dimension_numbers<[1], [0], [0], [1], [0, 0, 1, 1], [], []>, transpose_lhs_hint = false} : vector<1000x128xf32>, vector<128x8xf32>, vector<1000x8xf32> -> vector<1000x8xf32>
    %get3A_69 = arith.constant 0 : index
    %get3A_70 = arith.constant 0 : index
    %get3A_71 = vector.load %arg10[%get3A_69, %get3A_70] : memref<128x8xf32, #tpu.memory_space<vmem>>, vector<128x8xf32>
    %dot_general3A_72 = arith.constant dense<0.000000e+00> : vector<1000x8xf32>
    %dot_general3A_73 = tpu.matmul %max3A_26, %get3A_71, %dot_general3A_72 {dimension_numbers = #tpu.dot_dimension_numbers<[1], [0], [0], [1], [0, 0, 1, 1], [], []>, transpose_lhs_hint = false} : vector<1000x128xf32>, vector<128x8xf32>, vector<1000x8xf32> -> vector<1000x8xf32>
    %get3A_74 = arith.constant 0 : index
    %get3A_75 = arith.constant 0 : index
    %get3A_76 = vector.load %arg2[%get3A_74, %get3A_75] : memref<1000x3xf32, #tpu.memory_space<vmem>>, vector<1000x3xf32>
    %broadcast_in_dim3A = arith.constant 0.000000e+00 : f32
    %broadcast_in_dim3A_77 = vector.broadcast %broadcast_in_dim3A : f32 to vector<1000x5xf32>
    %broadcast_in_dim3A_78 = arith.constant 0.000000e+00 : f32
    %broadcast_in_dim3A_79 = vector.broadcast %broadcast_in_dim3A_78 : f32 to vector<1000x48xf32>
    %concatenate3A = tpu.concatenate %bitcast_convert_type3A_63, %get3A_76, %broadcast_in_dim3A_77, %dot_general3A_68, %broadcast_in_dim3A_79 in 1 : vector<1000x64xf32>, vector<1000x3xf32>, vector<1000x5xf32>, vector<1000x8xf32>, vector<1000x48xf32> -> vector<1000x128xf32>
    %swap3A = arith.constant 0 : index
    %swap3A_80 = arith.constant 0 : index
    %swap3A_81 = vector.load %arg11[%swap3A, %swap3A_80] : memref<1000x128xf32, #tpu.memory_space<vmem>>, vector<1000x128xf32>
    tpu.vector_store %arg11[%swap3A, %swap3A_80], %concatenate3A {strides = array<i32>} : memref<1000x128xf32, #tpu.memory_space<vmem>>, vector<1000x128xf32>,
    %concatenate3A_82 = tpu.concatenate %get3A_76, %broadcast_in_dim3A_77, %dot_general3A_73 in 1 : vector<1000x3xf32>, vector<1000x5xf32>, vector<1000x8xf32> -> vector<1000x16xf32>
    %swap3A_83 = arith.constant 0 : index
    %swap3A_84 = arith.constant 0 : index
    %swap3A_85 = vector.load %arg12[%swap3A_83, %swap3A_84] : memref<1000x16xf32, #tpu.memory_space<vmem>>, vector<1000x16xf32>
    tpu.vector_store %arg12[%swap3A_83, %swap3A_84], %concatenate3A_82 {strides = array<i32>} : memref<1000x16xf32, #tpu.memory_space<vmem>>, vector<1000x16xf32>,
    return
  }
  func.func @transform_0(%arg0: i32) -> (i32, i32) {
    %c0_i32 = arith.constant 0 : i32
    %c0_i32_0 = arith.constant 0 : i32
    return %arg0, %c0_i32 : i32, i32
  }
  func.func @transform_1(%arg0: i32) -> (i32, i32) {
    %c0_i32 = arith.constant 0 : i32
    %c0_i32_0 = arith.constant 0 : i32
    return %arg0, %c0_i32 : i32, i32
  }
  func.func @transform_2(%arg0: i32) -> (i32, i32) {
    %c0_i32 = arith.constant 0 : i32
    %c0_i32_0 = arith.constant 0 : i32
    %c0_i32_1 = arith.constant 0 : i32
    return %c0_i32, %c0_i32_0 : i32, i32
  }
  func.func @transform_3(%arg0: i32) -> (i32, i32) {
    %c0_i32 = arith.constant 0 : i32
    %c0_i32_0 = arith.constant 0 : i32
    %c0_i32_1 = arith.constant 0 : i32
    return %c0_i32, %c0_i32_0 : i32, i32
  }
  func.func @transform_4(%arg0: i32) -> (i32, i32) {
    %c0_i32 = arith.constant 0 : i32
    %c0_i32_0 = arith.constant 0 : i32
    %c0_i32_1 = arith.constant 0 : i32
    return %c0_i32, %c0_i32_0 : i32, i32
  }
  func.func @transform_5(%arg0: i32) -> (i32, i32) {
    %c0_i32 = arith.constant 0 : i32
    %c0_i32_0 = arith.constant 0 : i32
    %c0_i32_1 = arith.constant 0 : i32
    return %c0_i32, %c0_i32_0 : i32, i32
  }
  func.func @transform_6(%arg0: i32) -> (i32, i32) {
    %c0_i32 = arith.constant 0 : i32
    %c0_i32_0 = arith.constant 0 : i32
    %c0_i32_1 = arith.constant 0 : i32
    return %c0_i32, %c0_i32_0 : i32, i32
  }
  func.func @transform_7(%arg0: i32) -> (i32, i32) {
    %c0_i32 = arith.constant 0 : i32
    %c0_i32_0 = arith.constant 0 : i32
    %c0_i32_1 = arith.constant 0 : i32
    return %c0_i32, %c0_i32_0 : i32, i32
  }
  func.func @transform_8(%arg0: i32) -> (i32, i32) {
    %c0_i32 = arith.constant 0 : i32
    %c0_i32_0 = arith.constant 0 : i32
    %c0_i32_1 = arith.constant 0 : i32
    return %c0_i32, %c0_i32_0 : i32, i32
  }
  func.func @transform_9(%arg0: i32) -> (i32, i32) {
    %c0_i32 = arith.constant 0 : i32
    %c0_i32_0 = arith.constant 0 : i32
    %c0_i32_1 = arith.constant 0 : i32
    return %c0_i32, %c0_i32_0 : i32, i32
  }
  func.func @transform_10(%arg0: i32) -> (i32, i32) {
    %c0_i32 = arith.constant 0 : i32
    %c0_i32_0 = arith.constant 0 : i32
    return %arg0, %c0_i32 : i32, i32
  }
  func.func @transform_11(%arg0: i32) -> (i32, i32) {
    %c0_i32 = arith.constant 0 : i32
    %c0_i32_0 = arith.constant 0 : i32
    return %arg0, %c0_i32 : i32, i32
  }
}

module attributes {stable_mosaic.version = 14 : i64} {
  func.func @_post_body(%arg0: i32, %arg1: memref<3200x128xf32, #tpu.memory_space<vmem>>, %arg2: memref<200x16xf32, #tpu.memory_space<vmem>>, %arg3: memref<200x128xf32, #tpu.memory_space<vmem>>, %arg4: memref<8x128xf32, #tpu.memory_space<vmem>>, %arg5: memref<1x128xf32, #tpu.memory_space<vmem>>, %arg6: memref<128x128xf32, #tpu.memory_space<vmem>>, %arg7: memref<1x128xf32, #tpu.memory_space<vmem>>, %arg8: memref<128x8xf32, #tpu.memory_space<vmem>>, %arg9: memref<1x8xf32, #tpu.memory_space<vmem>>, %arg10: memref<8x8xf32, #tpu.memory_space<vmem>>, %arg11: memref<1x8xf32, #tpu.memory_space<vmem>>, %arg12: memref<128x128xf32, #tpu.memory_space<vmem>>, %arg13: memref<200x128xf32, #tpu.memory_space<vmem>>) attributes {dimension_semantics = [#tpu.dimension_semantics<parallel>], iteration_bounds = array<i64: 25>, scalar_prefetch = 0 : i64, scratch_operands = 0 : i64, tpu.core_type = #tpu.core_type<tc>, window_params = [{transform_indices = @transform_0, window_bounds = array<i64: 3200, 128>}, {transform_indices = @transform_1, window_bounds = array<i64: 200, 16>}, {transform_indices = @transform_2, window_bounds = array<i64: 200, 128>}, {pipeline_mode = #tpu.pipeline_mode<synchronous>, transform_indices = @transform_3, window_bounds = array<i64: 8, 128>}, {pipeline_mode = #tpu.pipeline_mode<synchronous>, transform_indices = @transform_4, window_bounds = array<i64: 1, 128>}, {pipeline_mode = #tpu.pipeline_mode<synchronous>, transform_indices = @transform_5, window_bounds = array<i64: 128, 128>}, {pipeline_mode = #tpu.pipeline_mode<synchronous>, transform_indices = @transform_6, window_bounds = array<i64: 1, 128>}, {pipeline_mode = #tpu.pipeline_mode<synchronous>, transform_indices = @transform_7, window_bounds = array<i64: 128, 8>}, {pipeline_mode = #tpu.pipeline_mode<synchronous>, transform_indices = @transform_8, window_bounds = array<i64: 1, 8>}, {pipeline_mode = #tpu.pipeline_mode<synchronous>, transform_indices = @transform_9, window_bounds = array<i64: 8, 8>}, {pipeline_mode = #tpu.pipeline_mode<synchronous>, transform_indices = @transform_10, window_bounds = array<i64: 1, 8>}, {pipeline_mode = #tpu.pipeline_mode<synchronous>, transform_indices = @transform_11, window_bounds = array<i64: 128, 128>}, {transform_indices = @transform_12, window_bounds = array<i64: 200, 128>}]} {
    %add3A = arith.constant 1.000000e+00 : f32
    %add3A_0 = arith.constant 9.99999974E-6 : f32
    %add3A_1 = arith.addf %add3A, %add3A_0 : f32
    %sqrt3A = math.sqrt %add3A_1 : f32
    %div3A = arith.constant 1.000000e+00 : f32
    %div3A_2 = arith.divf %div3A, %sqrt3A : f32
    %get3A = arith.constant 0 : index
    %get3A_3 = arith.constant 0 : index
    %get3A_4 = vector.load %arg1[%get3A, %get3A_3] : memref<3200x128xf32, #tpu.memory_space<vmem>>, vector<3200x128xf32>
    %slice3A = vector.extract_strided_slice %get3A_4 {offsets = [0, 64], sizes = [3200, 16], strides = [1, 1]} : vector<3200x128xf32> to vector<3200x16xf32>
    %get3A_5 = arith.constant 0 : index
    %get3A_6 = arith.constant 0 : index
    %get3A_7 = vector.load %arg2[%get3A_5, %get3A_6] : memref<200x16xf32, #tpu.memory_space<vmem>>, vector<200x16xf32>
    %broadcast_in_dim3A = vector.shape_cast %get3A_7 : vector<200x16xf32> to vector<200x1x16xf32>
    %broadcast_in_dim3A_8 = vector.shape_cast %broadcast_in_dim3A : vector<200x1x16xf32> to vector<200x1x16xf32>
    %broadcast_in_dim3A_9 = vector.broadcast %broadcast_in_dim3A_8 : vector<200x1x16xf32> to vector<200x16x16xf32>
    %reshape3A = vector.shape_cast %broadcast_in_dim3A_9 : vector<200x16x16xf32> to vector<3200x16xf32>
    %slice3A_10 = vector.extract_strided_slice %slice3A {offsets = [0, 0], sizes = [3200, 8], strides = [1, 1]} : vector<3200x16xf32> to vector<3200x8xf32>
    %slice3A_11 = vector.extract_strided_slice %reshape3A {offsets = [0, 0], sizes = [3200, 8], strides = [1, 1]} : vector<3200x16xf32> to vector<3200x8xf32>
    %sub3A = arith.subf %slice3A_10, %slice3A_11 : vector<3200x8xf32>
    %get3A_12 = arith.constant 0 : index
    %get3A_13 = arith.constant 0 : index
    %get3A_14 = vector.load %arg4[%get3A_12, %get3A_13] : memref<8x128xf32, #tpu.memory_space<vmem>>, vector<8x128xf32>
    %dot_general3A = arith.constant dense<0.000000e+00> : vector<3200x128xf32>
    %dot_general3A_15 = tpu.matmul %sub3A, %get3A_14, %dot_general3A {dimension_numbers = #tpu.dot_dimension_numbers<[1], [0], [0], [1], [0, 0, 1, 1], [], []>, transpose_lhs_hint = false} : vector<3200x8xf32>, vector<8x128xf32>, vector<3200x128xf32> -> vector<3200x128xf32>
    %get3A_16 = arith.constant 0 : index
    %get3A_17 = arith.constant 0 : index
    %get3A_18 = vector.load %arg5[%get3A_16, %get3A_17] : memref<1x128xf32, #tpu.memory_space<vmem>>, vector<1x128xf32>
    %add3A_19 = vector.broadcast %get3A_18 : vector<1x128xf32> to vector<3200x128xf32>
    %add3A_20 = arith.addf %dot_general3A_15, %add3A_19 : vector<3200x128xf32>
    %mul3A = vector.broadcast %div3A_2 : f32 to vector<3200x128xf32>
    %mul3A_21 = arith.mulf %mul3A, %add3A_20 : vector<3200x128xf32>
    %max3A = arith.constant 0.000000e+00 : f32
    %max3A_22 = vector.broadcast %max3A : f32 to vector<3200x128xf32>
    %max3A_23 = arith.maximumf %mul3A_21, %max3A_22 : vector<3200x128xf32>
    %get3A_24 = arith.constant 0 : index
    %get3A_25 = arith.constant 0 : index
    %get3A_26 = vector.load %arg6[%get3A_24, %get3A_25] : memref<128x128xf32, #tpu.memory_space<vmem>>, vector<128x128xf32>
    %dot_general3A_27 = arith.constant dense<0.000000e+00> : vector<3200x128xf32>
    %dot_general3A_28 = tpu.matmul %max3A_23, %get3A_26, %dot_general3A_27 {dimension_numbers = #tpu.dot_dimension_numbers<[1], [0], [0], [1], [0, 0, 1, 1], [], []>, transpose_lhs_hint = false} : vector<3200x128xf32>, vector<128x128xf32>, vector<3200x128xf32> -> vector<3200x128xf32>
    %get3A_29 = arith.constant 0 : index
    %get3A_30 = arith.constant 0 : index
    %get3A_31 = vector.load %arg7[%get3A_29, %get3A_30] : memref<1x128xf32, #tpu.memory_space<vmem>>, vector<1x128xf32>
    %add3A_32 = vector.broadcast %get3A_31 : vector<1x128xf32> to vector<3200x128xf32>
    %add3A_33 = arith.addf %dot_general3A_28, %add3A_32 : vector<3200x128xf32>
    %slice3A_34 = vector.extract_strided_slice %slice3A {offsets = [0, 8], sizes = [3200, 8], strides = [1, 1]} : vector<3200x16xf32> to vector<3200x8xf32>
    %slice3A_35 = vector.extract_strided_slice %reshape3A {offsets = [0, 8], sizes = [3200, 8], strides = [1, 1]} : vector<3200x16xf32> to vector<3200x8xf32>
    %sub3A_36 = arith.subf %slice3A_34, %slice3A_35 : vector<3200x8xf32>
    %get3A_37 = arith.constant 0 : index
    %get3A_38 = arith.constant 0 : index
    %get3A_39 = vector.load %arg8[%get3A_37, %get3A_38] : memref<128x8xf32, #tpu.memory_space<vmem>>, vector<128x8xf32>
    %dot_general3A_40 = arith.constant dense<0.000000e+00> : vector<3200x8xf32>
    %dot_general3A_41 = tpu.matmul %add3A_33, %get3A_39, %dot_general3A_40 {dimension_numbers = #tpu.dot_dimension_numbers<[1], [0], [0], [1], [0, 0, 1, 1], [], []>, transpose_lhs_hint = false} : vector<3200x128xf32>, vector<128x8xf32>, vector<3200x8xf32> -> vector<3200x8xf32>
    %add3A_42 = arith.addf %sub3A_36, %dot_general3A_41 : vector<3200x8xf32>
    %get3A_43 = arith.constant 0 : index
    %get3A_44 = arith.constant 0 : index
    %get3A_45 = vector.load %arg9[%get3A_43, %get3A_44] : memref<1x8xf32, #tpu.memory_space<vmem>>, vector<1x8xf32>
    %add3A_46 = vector.broadcast %get3A_45 : vector<1x8xf32> to vector<3200x8xf32>
    %add3A_47 = arith.addf %add3A_42, %add3A_46 : vector<3200x8xf32>
    %mul3A_48 = vector.broadcast %div3A_2 : f32 to vector<3200x8xf32>
    %mul3A_49 = arith.mulf %mul3A_48, %add3A_47 : vector<3200x8xf32>
    %max3A_50 = arith.constant 0.000000e+00 : f32
    %max3A_51 = vector.broadcast %max3A_50 : f32 to vector<3200x8xf32>
    %max3A_52 = arith.maximumf %mul3A_49, %max3A_51 : vector<3200x8xf32>
    %get3A_53 = arith.constant 0 : index
    %get3A_54 = arith.constant 0 : index
    %get3A_55 = vector.load %arg10[%get3A_53, %get3A_54] : memref<8x8xf32, #tpu.memory_space<vmem>>, vector<8x8xf32>
    %dot_general3A_56 = arith.constant dense<0.000000e+00> : vector<3200x8xf32>
    %dot_general3A_57 = tpu.matmul %max3A_52, %get3A_55, %dot_general3A_56 {dimension_numbers = #tpu.dot_dimension_numbers<[1], [0], [0], [1], [0, 0, 1, 1], [], []>, transpose_lhs_hint = false} : vector<3200x8xf32>, vector<8x8xf32>, vector<3200x8xf32> -> vector<3200x8xf32>
    %get3A_58 = arith.constant 0 : index
    %get3A_59 = arith.constant 0 : index
    %get3A_60 = vector.load %arg11[%get3A_58, %get3A_59] : memref<1x8xf32, #tpu.memory_space<vmem>>, vector<1x8xf32>
    %add3A_61 = vector.broadcast %get3A_60 : vector<1x8xf32> to vector<3200x8xf32>
    %add3A_62 = arith.addf %dot_general3A_57, %add3A_61 : vector<3200x8xf32>
    %reshape3A_63 = vector.shape_cast %add3A_62 : vector<3200x8xf32> to vector<200x16x8xf32>
    %reduce_max3A = arith.constant dense<0xFF800000> : vector<200x8xf32>
    %reduce_max3A_64 = vector.multi_reduction <maximumf>, %reshape3A_63, %reduce_max3A [1] : vector<200x16x8xf32> to vector<200x8xf32>
    %broadcast_in_dim3A_65 = vector.shape_cast %reduce_max3A_64 : vector<200x8xf32> to vector<200x1x8xf32>
    %sub3A_66 = vector.broadcast %broadcast_in_dim3A_65 : vector<200x1x8xf32> to vector<200x16x8xf32>
    %sub3A_67 = arith.subf %reshape3A_63, %sub3A_66 : vector<200x16x8xf32>
    %exp3A = math.exp %sub3A_67 : vector<200x16x8xf32>
    %reduce_sum3A = arith.constant dense<0.000000e+00> : vector<200x8xf32>
    %reduce_sum3A_68 = vector.multi_reduction <add>, %exp3A, %reduce_sum3A [1] : vector<200x16x8xf32> to vector<200x8xf32>
    %broadcast_in_dim3A_69 = vector.shape_cast %reduce_sum3A_68 : vector<200x8xf32> to vector<200x1x8xf32>
    %div3A_70 = vector.broadcast %broadcast_in_dim3A_69 : vector<200x1x8xf32> to vector<200x16x8xf32>
    %div3A_71 = arith.divf %exp3A, %div3A_70 : vector<200x16x8xf32>
    %reshape3A_72 = vector.shape_cast %div3A_71 : vector<200x16x8xf32> to vector<3200x8xf32>
    %iota3A = tpu.iota {dimensions = array<i32: 0>} : vector<8x128xi32>
    %iota3A_73 = tpu.iota {dimensions = array<i32: 1>} : vector<8x128xi32>
    %jit3A = arith.constant 16 : i32
    %div3A_74 = vector.broadcast %jit3A : i32 to vector<8x128xi32>
    %div3A_75 = arith.divsi %iota3A_73, %div3A_74 : vector<8x128xi32>
    %sign3A = arith.constant 0 : i32
    %sign3A_76 = vector.broadcast %sign3A : i32 to vector<8x128xi32>
    %sign3A_77 = arith.cmpi sgt, %iota3A_73, %sign3A_76 : vector<8x128xi32>
    %sign3A_78 = arith.extui %sign3A_77 : vector<8x128xi1> to vector<8x128xi32>
    %sign3A_79 = arith.constant 0 : i32
    %sign3A_80 = vector.broadcast %sign3A_79 : i32 to vector<8x128xi32>
    %sign3A_81 = arith.cmpi slt, %iota3A_73, %sign3A_80 : vector<8x128xi32>
    %sign3A_82 = arith.extui %sign3A_81 : vector<8x128xi1> to vector<8x128xi32>
    %sign3A_83 = arith.subi %sign3A_78, %sign3A_82 : vector<8x128xi32>
    %sign3A_84 = arith.constant 0 : i32
    %sign3A_85 = arith.cmpi sgt, %jit3A, %sign3A_84 : i32
    %sign3A_86 = arith.extui %sign3A_85 : i1 to i32
    %sign3A_87 = arith.constant 0 : i32
    %sign3A_88 = arith.cmpi slt, %jit3A, %sign3A_87 : i32
    %sign3A_89 = arith.extui %sign3A_88 : i1 to i32
    %sign3A_90 = arith.subi %sign3A_86, %sign3A_89 : i32
    %ne3A = vector.broadcast %sign3A_90 : i32 to vector<8x128xi32>
    %ne3A_91 = arith.cmpi ne, %sign3A_83, %ne3A : vector<8x128xi32>
    %rem3A = vector.broadcast %jit3A : i32 to vector<8x128xi32>
    %rem3A_92 = arith.remsi %iota3A_73, %rem3A : vector<8x128xi32>
    %ne3A_93 = arith.constant 0 : i32
    %ne3A_94 = vector.broadcast %ne3A_93 : i32 to vector<8x128xi32>
    %ne3A_95 = arith.cmpi ne, %rem3A_92, %ne3A_94 : vector<8x128xi32>
    %and3A = arith.andi %ne3A_91, %ne3A_95 : vector<8x128xi1>
    %sub3A_96 = arith.constant 1 : i32
    %sub3A_97 = vector.broadcast %sub3A_96 : i32 to vector<8x128xi32>
    %sub3A_98 = arith.subi %div3A_75, %sub3A_97 : vector<8x128xi32>
    %select_n3A = arith.select %and3A, %sub3A_98, %div3A_75 : vector<8x128xi1>, vector<8x128xi32>
    %eq3A = arith.cmpi eq, %iota3A, %select_n3A : vector<8x128xi32>
    %convert_element_type3A = arith.extui %eq3A : vector<8x128xi1> to vector<8x128xi32>
    %convert_element_type3A_99 = arith.sitofp %convert_element_type3A : vector<8x128xi32> to vector<8x128xf32>
    %dot_general3A_100 = arith.constant dense<0.000000e+00> : vector<3200x128xf32>
    %dot_general3A_101 = tpu.matmul %reshape3A_72, %convert_element_type3A_99, %dot_general3A_100 {dimension_numbers = #tpu.dot_dimension_numbers<[1], [0], [0], [1], [0, 0, 1, 1], [], []>, transpose_lhs_hint = false} : vector<3200x8xf32>, vector<8x128xf32>, vector<3200x128xf32> -> vector<3200x128xf32>
    %slice3A_102 = vector.extract_strided_slice %get3A_4 {offsets = [0, 0], sizes = [3200, 64], strides = [1, 1]} : vector<3200x128xf32> to vector<3200x64xf32>
    %bitcast_convert_type3A = tpu.bitcast %slice3A_102 : vector<3200x64xf32> -> vector<3200x64xi32>
    %shift_left3A = arith.constant 16 : i32
    %shift_left3A_103 = vector.broadcast %shift_left3A : i32 to vector<3200x64xi32>
    %shift_left3A_104 = arith.shli %bitcast_convert_type3A, %shift_left3A_103 : vector<3200x64xi32>
    %bitcast_convert_type3A_105 = tpu.bitcast %shift_left3A_104 : vector<3200x64xi32> -> vector<3200x64xf32>
    %and3A_106 = arith.constant -65536 : i32
    %and3A_107 = vector.broadcast %and3A_106 : i32 to vector<3200x64xi32>
    %and3A_108 = arith.andi %bitcast_convert_type3A, %and3A_107 : vector<3200x64xi32>
    %bitcast_convert_type3A_109 = tpu.bitcast %and3A_108 : vector<3200x64xi32> -> vector<3200x64xf32>
    %concatenate3A = tpu.concatenate %bitcast_convert_type3A_105, %bitcast_convert_type3A_109 in 1 : vector<3200x64xf32>, vector<3200x64xf32> -> vector<3200x128xf32>
    %add3A_110 = arith.addf %concatenate3A, %add3A_33 : vector<3200x128xf32>
    %mul3A_111 = arith.mulf %add3A_110, %dot_general3A_101 : vector<3200x128xf32>
    %reshape3A_112 = vector.shape_cast %mul3A_111 : vector<3200x128xf32> to vector<200x16x128xf32>
    %reduce_sum3A_113 = arith.constant dense<0.000000e+00> : vector<200x128xf32>
    %reduce_sum3A_114 = vector.multi_reduction <add>, %reshape3A_112, %reduce_sum3A_113 [1] : vector<200x16x128xf32> to vector<200x128xf32>
    %mul3A_115 = vector.broadcast %div3A_2 : f32 to vector<200x128xf32>
    %mul3A_116 = arith.mulf %mul3A_115, %reduce_sum3A_114 : vector<200x128xf32>
    %max3A_117 = arith.constant 0.000000e+00 : f32
    %max3A_118 = vector.broadcast %max3A_117 : f32 to vector<200x128xf32>
    %max3A_119 = arith.maximumf %mul3A_116, %max3A_118 : vector<200x128xf32>
    %get3A_120 = arith.constant 0 : index
    %get3A_121 = arith.constant 0 : index
    %get3A_122 = vector.load %arg3[%get3A_120, %get3A_121] : memref<200x128xf32, #tpu.memory_space<vmem>>, vector<200x128xf32>
    %get3A_123 = arith.constant 0 : index
    %get3A_124 = arith.constant 0 : index
    %get3A_125 = vector.load %arg12[%get3A_123, %get3A_124] : memref<128x128xf32, #tpu.memory_space<vmem>>, vector<128x128xf32>
    %dot_general3A_126 = arith.constant dense<0.000000e+00> : vector<200x128xf32>
    %dot_general3A_127 = tpu.matmul %max3A_119, %get3A_125, %dot_general3A_126 {dimension_numbers = #tpu.dot_dimension_numbers<[1], [0], [0], [1], [0, 0, 1, 1], [], []>, transpose_lhs_hint = false} : vector<200x128xf32>, vector<128x128xf32>, vector<200x128xf32> -> vector<200x128xf32>
    %mul3A_128 = vector.broadcast %div3A_2 : f32 to vector<200x128xf32>
    %mul3A_129 = arith.mulf %mul3A_128, %dot_general3A_127 : vector<200x128xf32>
    %add3A_130 = arith.addf %get3A_122, %mul3A_129 : vector<200x128xf32>
    %max3A_131 = arith.constant 0.000000e+00 : f32
    %max3A_132 = vector.broadcast %max3A_131 : f32 to vector<200x128xf32>
    %max3A_133 = arith.maximumf %add3A_130, %max3A_132 : vector<200x128xf32>
    %swap3A = arith.constant 0 : index
    %swap3A_134 = arith.constant 0 : index
    %swap3A_135 = vector.load %arg13[%swap3A, %swap3A_134] : memref<200x128xf32, #tpu.memory_space<vmem>>, vector<200x128xf32>
    tpu.vector_store %arg13[%swap3A, %swap3A_134], %max3A_133 {strides = array<i32>} : memref<200x128xf32, #tpu.memory_space<vmem>>, vector<200x128xf32>,
    return
  }
  func.func @transform_0(%arg0: i32) -> (i32, i32) {
    %c0_i32 = arith.constant 0 : i32
    %c0_i32_0 = arith.constant 0 : i32
    return %arg0, %c0_i32 : i32, i32
  }
  func.func @transform_1(%arg0: i32) -> (i32, i32) {
    %c0_i32 = arith.constant 0 : i32
    %c0_i32_0 = arith.constant 0 : i32
    return %arg0, %c0_i32 : i32, i32
  }
  func.func @transform_2(%arg0: i32) -> (i32, i32) {
    %c0_i32 = arith.constant 0 : i32
    %c0_i32_0 = arith.constant 0 : i32
    return %arg0, %c0_i32 : i32, i32
  }
  func.func @transform_3(%arg0: i32) -> (i32, i32) {
    %c0_i32 = arith.constant 0 : i32
    %c0_i32_0 = arith.constant 0 : i32
    %c0_i32_1 = arith.constant 0 : i32
    return %c0_i32, %c0_i32_0 : i32, i32
  }
  func.func @transform_4(%arg0: i32) -> (i32, i32) {
    %c0_i32 = arith.constant 0 : i32
    %c0_i32_0 = arith.constant 0 : i32
    %c0_i32_1 = arith.constant 0 : i32
    return %c0_i32, %c0_i32_0 : i32, i32
  }
  func.func @transform_5(%arg0: i32) -> (i32, i32) {
    %c0_i32 = arith.constant 0 : i32
    %c0_i32_0 = arith.constant 0 : i32
    %c0_i32_1 = arith.constant 0 : i32
    return %c0_i32, %c0_i32_0 : i32, i32
  }
  func.func @transform_6(%arg0: i32) -> (i32, i32) {
    %c0_i32 = arith.constant 0 : i32
    %c0_i32_0 = arith.constant 0 : i32
    %c0_i32_1 = arith.constant 0 : i32
    return %c0_i32, %c0_i32_0 : i32, i32
  }
  func.func @transform_7(%arg0: i32) -> (i32, i32) {
    %c0_i32 = arith.constant 0 : i32
    %c0_i32_0 = arith.constant 0 : i32
    %c0_i32_1 = arith.constant 0 : i32
    return %c0_i32, %c0_i32_0 : i32, i32
  }
  func.func @transform_8(%arg0: i32) -> (i32, i32) {
    %c0_i32 = arith.constant 0 : i32
    %c0_i32_0 = arith.constant 0 : i32
    %c0_i32_1 = arith.constant 0 : i32
    return %c0_i32, %c0_i32_0 : i32, i32
  }
  func.func @transform_9(%arg0: i32) -> (i32, i32) {
    %c0_i32 = arith.constant 0 : i32
    %c0_i32_0 = arith.constant 0 : i32
    %c0_i32_1 = arith.constant 0 : i32
    return %c0_i32, %c0_i32_0 : i32, i32
  }
  func.func @transform_10(%arg0: i32) -> (i32, i32) {
    %c0_i32 = arith.constant 0 : i32
    %c0_i32_0 = arith.constant 0 : i32
    %c0_i32_1 = arith.constant 0 : i32
    return %c0_i32, %c0_i32_0 : i32, i32
  }
  func.func @transform_11(%arg0: i32) -> (i32, i32) {
    %c0_i32 = arith.constant 0 : i32
    %c0_i32_0 = arith.constant 0 : i32
    %c0_i32_1 = arith.constant 0 : i32
    return %c0_i32, %c0_i32_0 : i32, i32
  }
  func.func @transform_12(%arg0: i32) -> (i32, i32) {
    %c0_i32 = arith.constant 0 : i32
    %c0_i32_0 = arith.constant 0 : i32
    return %arg0, %c0_i32 : i32, i32
  }
}

</mosaic_0001>

<sc_bundles>
// kernel: kernel.10.cloned.1.call-start
scs
__scs_entry_jumppad:
0x0: {  	(pc) =	sbr.rel $0x88, $3  }
0x1: {  	(tag) =	ssettag $0x0;
	lr =	simm.s32 $0x1  }
0x2: {  	[smem:$0x3F8E] =	sst lr;
	_ =	strace $0xD0000000  }
0x3: {  	_ = 	snop  }
0x4: {  	_ = 	snop  }
0x5: {  	_ = 	snop  }
0x6: {  	_ = 	snop  }
0x7: {  	_ = 	snop  }
__scs_overlays_trampoline_lowered:
0x8: {  	[smem:$0x3F9D] =	sst s0  }
0x9: {  	[smem:$0x3F9E] =	sst s1  }
0xa: {  	[smem:$0x3F9F] =	sst s2  }
0xb: {  	[smem:$0x3FA0] =	sst s3  }
0xc: {  	[smem:$0x3FA1] =	sst s4  }
0xd: {  	[smem:$0x3FA2] =	sst s5  }
0xe: {  	[smem:$0x3FA3] =	sst s6  }
0xf: {  	[smem:$0x3FA4] =	sst s7  }
0x10: {  	[smem:$0x3FA5] =	sst s8  }
0x11: {  	[smem:$0x3FA6] =	sst s9;
	s0 =	simm.s32 @!p0 $0x0  }
0x12: {  	s1 =	sld [smem:$0x3F8C];
	s0 =	simm.s32 @p0 $0x1  }
0x13: {  	[smem:$0x3FA7] =	sst s0;
	s0 =	simm.s32 @!p1 $0x0  }
0x14: {  	s2 =	sld [smem:$0x3F8B];
	s0 =	simm.s32 @p1 $0x1  }
0x15: {  	[smem:$0x3FA8] =	sst s0;
	s0 =	simm.s32 @!p2 $0x0  }
0x16: {  	s3 =	sld [smem:$0x3FDB];
	s0 =	simm.s32 @p2 $0x1  }
0x17: {  	s4 =	simm.s32 $0x1BF5;
	[smem:$0x3FAA] =	sst s0  }
0x18: {  	s0 =	sld [smem:$0x3F8D];
	_ =	swait.ge [sflag:s4], $0x0  }
0x19: {  	s7 =	sld [smem:$0x3F8E]  }
0x1a: {  	s8 =	sadd.s32 $0xFFFFE003, lr  }
0x1b: {  	s9 =	sadd.s32 $0xFFFFFEF7, lr;
	s5 =	simm.s32 $0xFFFFFFFF;
	p2 =	slt.u32 s8, $0xFFFFF086  }
0x1c: {  	p1 =	slt.u32 s9, $0xF7A;
	s5 =	simm.s32 @!p2 $0x0  }
0x1d: {  	s5 =	simm.s32 @p1 $0x1;
	p0 =	seq.s32 s7, s2  }
0x1e: {  	s7 =	smul.u32 @!p0 $0xF7A, s2;
	p2 =	seq.s32 @!p0 s5, $0x0  }
0x1f: {  	s9 =	smul.u32 $0xF7A, s1;
	s8 =	simm.s32 @!p0 $0x1BF5;
	p2 =	por !p2, p0  }
0x20: {  	[sflag:s8] =	ssyncset.s32 @!p0 $0xFFFFF086;
	s6 =	sadd.s32 @!p0 s3, s7;
	s7 =	simm.s32 @!p0 $0x108  }
0x21: {  	s3 =	sadd.s32 s3, s9;
	s6 =	sadd.s32 @!p0 $0x88, s6;
	s7 =	simm.s32 @p2 $0x1082  }
0x22: {  	[simem:s7], [sflag:s8] =	dma.local @!p0 [hbm:s6], $0xF7A  }
0x23: {  	s9 =	sor.u32 $0xD0000000, s2;
	s6 =	simm.s32 $0x108;
	_ =	swait.ge @!p0 [sflag:s8], $0x0  }
0x24: {  	s3 =	sadd.s32 $0x88, s3;
	s6 =	simm.s32 @!p1 $0x1082;
	[sflag:s4] =	ssyncset.s32 $0xFFFFF086  }
0x25: {  	[simem:s6], [sflag:s4] =	dma.local [hbm:s3], $0xF7A  }
0x26: {  	[smem:$0x3F8E] =	sst s1;
	(tag) =	ssettag s2;
	_ =	strace s9  }
0x27: {  	s1 =	sld [smem:$0x3F9E]  }
0x28: {  	s2 =	sld [smem:$0x3F9F]  }
0x29: {  	s4 =	sld [smem:$0x3FA1]  }
0x2a: {  	p0 =	seq.s32 s5, $0x0;
	s5 =	sld [smem:$0x3FA2]  }
0x2b: {  	s6 =	sld [smem:$0x3FA3]  }
0x2c: {  	s7 =	sld [smem:$0x3FA4]  }
0x2d: {  	s3 =	simm.s32 $0x108;
	s8 =	sld [smem:$0x3FA5]  }
0x2e: {  	s3 =	simm.s32 @!p0 $0x1082;
	s9 =	sld [smem:$0x3FA6]  }
0x2f: {  	lr =	sadd.s32 s0, s3;
	s0 =	sld [smem:$0x3F9D]  }
0x30: {  	s3 =	sld [smem:$0x3FA0]  }
0x31: {  	[smem:$0x3FA9] =	sst s10  }
0x32: {  	s10 =	sld [smem:$0x3FA7];
	_ =	sdelay $0x3  }
0x33: {  	p0 =	seq.s32 s10, $0x1;
	s10 =	sld [smem:$0x3FA9];
	_ =	sdelay $0x3  }
0x34: {  	[smem:$0x3FA9] =	sst s10  }
0x35: {  	s10 =	sld [smem:$0x3FA8];
	_ =	sdelay $0x3  }
0x36: {  	p1 =	seq.s32 s10, $0x1;
	s10 =	sld [smem:$0x3FA9];
	_ =	sdelay $0x3  }
0x37: {  	[smem:$0x3FA9] =	sst s10  }
0x38: {  	s10 =	sld [smem:$0x3FAA]  }
0x39: {  	_ = 	snop;
	(pc) =	sbr.ind lr, $3  }
0x3a: {  	_ = 	snop  }
0x3b: {  	_ = 	snop  }
0x3c: {  	p2 =	seq.s32 s10, $0x1;
	s10 =	sld [smem:$0x3FA9]  }
0x3d: {  	_ =	shalt  }
0x3e: {  	_ =	shalt  }
0x3f: {  	_ =	shalt  }
0x40: {  	_ =	shalt  }
0x41: {  	_ =	shalt  }
0x42: {  	_ =	shalt  }
0x43: {  	_ =	shalt  }
0x44: {  	_ =	shalt  }
0x45: {  	_ =	shalt  }
0x46: {  	_ =	shalt  }
0x47: {  	_ =	shalt  }
0x48: {  	_ =	shalt  }
0x49: {  	_ =	shalt  }
0x4a: {  	_ =	shalt  }
0x4b: {  	_ =	shalt  }
0x4c: {  	_ =	shalt  }
0x4d: {  	_ =	shalt  }
0x4e: {  	_ =	shalt  }
0x4f: {  	_ =	shalt  }
0x50: {  	_ =	shalt  }
0x51: {  	_ =	shalt  }
0x52: {  	_ =	shalt  }
0x53: {  	_ =	shalt  }
0x54: {  	_ =	shalt  }
0x55: {  	_ =	shalt  }
0x56: {  	_ =	shalt  }
0x57: {  	_ =	shalt  }
0x58: {  	_ =	shalt  }
0x59: {  	_ =	shalt  }
0x5a: {  	_ =	shalt  }
0x5b: {  	_ =	shalt  }
0x5c: {  	_ =	shalt  }
0x5d: {  	_ =	shalt  }
0x5e: {  	_ =	shalt  }
0x5f: {  	_ =	shalt  }
0x60: {  	_ =	shalt  }
0x61: {  	_ =	shalt  }
0x62: {  	_ =	shalt  }
0x63: {  	_ =	shalt  }
0x64: {  	_ =	shalt  }
0x65: {  	_ =	shalt  }
0x66: {  	_ =	shalt  }
0x67: {  	_ =	shalt  }
0x68: {  	_ =	shalt  }
0x69: {  	_ =	shalt  }
0x6a: {  	_ =	shalt  }
0x6b: {  	_ =	shalt  }
0x6c: {  	_ =	shalt  }
0x6d: {  	_ =	shalt  }
0x6e: {  	_ =	shalt  }
0x6f: {  	_ =	shalt  }
0x70: {  	_ =	shalt  }
0x71: {  	_ =	shalt  }
0x72: {  	_ =	shalt  }
0x73: {  	_ =	shalt  }
0x74: {  	_ =	shalt  }
0x75: {  	_ =	shalt  }
0x76: {  	_ =	shalt  }
0x77: {  	_ =	shalt  }
0x78: {  	_ =	shalt  }
0x79: {  	_ =	shalt  }
0x7a: {  	_ =	shalt  }
0x7b: {  	_ =	shalt  }
0x7c: {  	_ =	shalt  }
0x7d: {  	_ =	shalt  }
0x7e: {  	_ =	shalt  }
0x7f: {  	_ =	shalt  }
0x80: {  	_ =	shalt  }
0x81: {  	_ =	shalt  }
0x82: {  	_ =	shalt  }
0x83: {  	_ =	shalt  }
0x84: {  	_ =	shalt  }
0x85: {  	_ =	shalt  }
0x86: {  	_ =	shalt  }
0x87: {  	_ =	shalt  }
.Lfunc_end0:
.L_simem_size_0:
called_computation.1_lowered:
.L_overlay_start_0:
0x88: {  	s2 =	sld [smem:$0x3FD9]  }
0x89: {  	s3 =	sld [smem:$0x3FFE];
	_ =	sdelay $0x1  }
0x8a: {  	s1 =	srdreg.scid  }
0x8b: {  	s0 =	sand.u32 $0x1, s1  }
0x8c: {  	s17 =	sshll.u32 s0, $0xA;
	s2 =	sadd.s32 s3, s2  }
0x8d: {  	s2 =	sadd.s32 s2, s17  }
0x8e: {  	[smem:$0x3FB5] =	sst s2  }
0x8f: {  	_ = 	snop  }
0x90: {  	s18 =	sld [smem:$0x3FD0];
	(tm) =	ssettm $0x1  }
0x91: {  	s19 =	sld [smem:$0x3FFB];
	_ =	sdelay $0x3  }
0x92: {  	_ =	strace s19  }
0x93: {  	s2 =	sld [smem:$0x3FFC];
	_ =	sdelay $0x3  }
0x94: {  	_ =	strace s2  }
0x95: {  	s2 =	sld [smem:$0x3FFD];
	_ =	sdelay $0x3  }
0x96: {  	_ =	strace s2  }
0x97: {  	_ =	strace $0x8FFFFFFF  }
0x98: {  	s20 =	sld [smem:$0x3FDB];
	_ =	sdelay $0x1  }
0x99: {  	s4 =	simm.s32 $_scs_section_size  }
0x9a: {  	s5 =	simm.s32 $_size__tile_overlayer_lowered;
	s6 =	simm.s32 $_tile_overlayer_lowered  }
0x9b: {  	s7 =	simm.s32 $0x1BFF;
	s21 =	sshll.u32 s6, $0x1;
	s4 =	sadd.s32 s4, s20  }
0x9c: {  	s22 =	simm.s32 $0x0;
	s5 =	sshll.u32 s5, $0x1;
	s6 =	sadd.s32 s21, s4  }
0x9d: {  	[timem:s22], [sflag:s7] =	dma.local [hbm:s6], s5  }
0x9e: {  	_ =	swait.ge [sflag:s7], s5  }
0x9f: {  	s5 =	ssub.s32 $0x0, s5;
	[sflag:s7] =	ssyncset.done $0x0  }
0xa0: {  	[sflag:s7] =	ssyncadd.s32 s5;
	_ =	sdelay $0x1  }
0xa1: {  	s23 =	simm.s32 $0x1B8B  }
0xa2: {  	_ =	swait.ge [sflag:s23], $0x1  }
0xa3: {  	[sflag:s23] =	ssyncset.done $0x0  }
0xa4: {  	[sflag:s23] =	ssyncadd.s32 $0xFFFFFFFF  }
0xa5: {  	s5 =	sld [smem:$0x0]  }
0xa6: {  	s6 =	sand.u32 $0xFFFFFFFE, s1  }
0xa7: {  	p0 =	sne.s32 s1, s6  }
0xa8: {  	s6 =	sshll.u32 @p0 s6, $0xE  }
0xa9: {  	s6 =	sadd.s32 @p0 $0x11B8D, s6;
	s7 =	sshll.u32 @p0 s5, $0x11  }
0xaa: {  	s6 =	sor.u32 @p0 s7, s6  }
0xab: {  	[sflag:s6] =	ssyncadd.remote.s32 @p0 $0x1;
	_ =	sdelay $0x1  }
0xac: {  	s6 =	simm.s32 @p0 $0x1B8D  }
0xad: {  	_ =	swait.eq @p0 [sflag:s6], $0x1  }
0xae: {  	[sflag:s6] =	ssyncadd.s32 @p0 $0xFFFFFFFF  }
0xaf: {  	s7 =	sshll.u32 @!p0 s1, $0xE  }
0xb0: {  	s7 =	sor.u32 @!p0 $0x4000, s7;
	s6 =	simm.s32 @!p0 $0x1B8D  }
0xb1: {  	s5 =	sshll.u32 @!p0 s5, $0x11;
	s7 =	sadd.s32 @!p0 $0x11B8D, s7;
	_ =	swait.eq @!p0 [sflag:s6], $0x1  }
0xb2: {  	s5 =	sor.u32 @!p0 s5, s7;
	[sflag:s6] =	ssyncadd.s32 @!p0 $0xFFFFFFFF  }
0xb3: {  	s25 =	simm.s32 $0x1B8E;
	s24 =	sld [smem:$0x3FFE];
	[sflag:s5] =	ssyncadd.remote.s32 @!p0 $0x1  }
0xb4: {  	s26 =	simm.s32 $execute0_lowered;
	[smem:$0x3FD2] =	sst s25  }
0xb5: {  	s6 =	sshll.u32 s26, $0x1;
	_ =	strace $0x80000049;
	[dreg:$0x1] =	wrdreg $0xFFFFFFFF  }
0xb6: {  	s28 =	simm.s32 $_size_execute0_lowered;
	s4 =	sadd.s32 s4, s6;
	[dreg:$0x0] =	wrdreg $0x0  }
0xb7: {  	s6 =	sshll.u32 s28, $0x1;
	[dreg:$0x2] =	wrdreg s4  }
0xb8: {  	[dreg:$0x3] =	wrdreg s6  }
0xb9: {  	[dreg:$0x4] =	wrdreg $0xC0  }
0xba: {  	_ =	task [dreg:s22], $0x5FFFF  }
0xbb: {  	[dreg:$0x1] =	wrdreg $0xFFFFFFFF  }
0xbc: {  	[dreg:$0x0] =	wrdreg $0x60  }
0xbd: {  	[dreg:$0x2] =	wrdreg s18  }
0xbe: {  	[dreg:$0x3] =	wrdreg s24  }
0xbf: {  	[dreg:$0x4] =	wrdreg $0xA  }
0xc0: {  	_ =	task.clear_ibuf [dreg:s22], $0x5FFFF;
	_ =	strace $0x90000049  }
0xc1: {  	s29 =	simm.s32 $0xA;
	_ =	strace $0x8000004B  }
0xc2: {  	_ =	swait.ge [sflag:s29], $0x1  }
0xc3: {  	[sflag:s29] =	ssyncadd.s32 $0xFFFFFFFF  }
0xc4: {  	_ =	strace $0x9000004B  }
0xc5: {  	_ =	sfence  }
0xc6: {  	s30 =	sld [smem:$0x0];
	_ =	sdelay $0x2  }
0xc7: {  	s31 =	sshll.u32 s1, $0xD;
	s1 =	sshrl.u32 s1, $0x2  }
0xc8: {  	s4 =	sand.u32 $0x4000, s31;
	s1 =	sadd.s32 s1, s30  }
0xc9: {  	s0 =	sor.u32 s4, s0;
	s1 =	sshll.u32 s1, $0x11  }
0xca: {  	s0 =	sor.u32 s1, s0  }
0xcb: {  	s0 =	sadd.s32 $0x8F2B, s0  }
0xcc: {  	[sflag:s0] =	ssyncadd.remote.s32 $0x1  }
0xcd: {  	_ =	sfence.sel $0xFFFF  }
0xce: {  	[dreg:$0x0] =	wrdreg $0xFFFFFFFF;
	(pc) =	sbr.abs _section_cstart, $3  }
0xcf: {  	[dreg:$0x1] =	wrdreg $0xFFFFFFFF  }
0xd0: {  	_ =	task.clear_ibuf [dreg:s22], $0x2FFFF;
	_ =	strace $0x9FFFFFFF  }
0xd1: {  	(tm) =	ssettm $0x7FFFFFFF  }
tec
execute0_lowered:
.L_overlay_start_1:
0x0: {  	(tag) =	ssettag $0x1  }
0x1: {  	s1 =	rddreg [dreg:$0x0]  }
0x2: {  	s0 =	rddreg [dreg:$0x1];
	s3 =	simm.s32 $0x0  }
0x3: {  	s2 =	srdreg.scid;
	s8 =	stileid.u32;
	s10 =	simm.s32 $0x28  }
0x4: {  	s11 =	simm.s32 $0x2000;
	s13 =	simm.s32 $0x3400;
	s15 =	simm.s32 $0x4800  }
0x5: {  	s19 =	simm.s32 $0x7000;
	s21 =	simm.s32 $0x8400;
	s22 =	simm.s32 $0x1  }
0x6: {  	s23 =	simm.s32 $0x9800;
	s24 =	simm.s32 $0x2;
	s25 =	simm.s32 $0xAC00  }
0x7: {  	s26 =	simm.s32 $0x3;
	s28 =	simm.s32 $0x5;
	s29 =	simm.s32 $0x7  }
0x8: {  	s30 =	simm.s32 $0x8;
	s12 =	simm.s32 $0xE;
	s16 =	simm.s32 $0x10  }
0x9: {  	[smem:$0x7FF] =	sst s3;
	s2 =	sand.u32 $0x1, s2;
	s4 =	sshll.u32 s8, $0x1  }
0xa: {  	s8 =	smul.u32 $0x14000, s8;
	_ =	strace $0x8000004A;
	s4 =	sor.u32 s2, s4  }
0xb: {  	s6 =	ssub.s32 $0x2, s2;
	s2 =	smul.u32 $0xA000, s2;
	s5 =	sshll.u32 s4, $0xA  }
0xc: {  	s4 =	smul.u32 $0xA000, s4;
	s7 =	sshrl.u32 s6, $0x1;
	s5 =	sadd.s32 s5, s0  }
.Ltmp0:
0xd: {  	s0 =	sadd.s32 $0x153C00, s0;
	s6 =	ssub.s32 s6, s7;
	(pc) =	sbr.rel .LBB2_1-.Ltmp0, $4  }
0xe: {  	s5 =	sadd.s32 $0x14BC00, s5;
	s4 =	sadd.s32 s0, s4;
	s0 =	sadd.s32 s8, s0  }
0xf: {  	s31 =	smax.u32 s6, $0x1;
	[dreg:$0x3] =	wrdreg s5;
	s0 =	sadd.s32 s2, s0  }
0x10: {  	s17 =	simm.s32 $0x0;
	[dreg:$0x4] =	wrdreg s31;
	s0 =	sadd.s32 $0xA00, s0  }
0x11: {  	s6 =	sadd.s32 $0x9380, s4;
	s7 =	sadd.s32 $0x9880, s4;
	[dreg:$0x5] =	wrdreg s0  }
.LBB2_4:
0x12: {  	s0 =	simm.s32 $0xB  }
0x13: {  	_ =	swait.ge [sflag:s0], $0x1400  }
0x14: {  	[sflag:s0] =	ssyncset.done $0x0  }
0x15: {  	s14 =	simm.s32 $0xC;
	[sflag:s0] =	ssyncadd.s32 $0xFFFFEC00  }
0x16: {  	_ =	swait.ge [sflag:s14], $0x1400  }
0x17: {  	[sflag:s14] =	ssyncset.done $0x0  }
0x18: {  	s18 =	simm.s32 $0xD;
	[sflag:s14] =	ssyncadd.s32 $0xFFFFEC00  }
0x19: {  	_ =	swait.ge [sflag:s18], $0x1400  }
0x1a: {  	[sflag:s18] =	ssyncset.done $0x0  }
0x1b: {  	[sflag:s18] =	ssyncadd.s32 $0xFFFFEC00  }
0x1c: {  	_ =	swait.ge [sflag:s12], $0x1400  }
0x1d: {  	[sflag:s12] =	ssyncset.done $0x0  }
0x1e: {  	s20 =	simm.s32 $0xF;
	[sflag:s12] =	ssyncadd.s32 $0xFFFFEC00  }
0x1f: {  	_ =	swait.ge [sflag:s20], $0x1400  }
0x20: {  	[sflag:s20] =	ssyncset.done $0x0  }
0x21: {  	[sflag:s20] =	ssyncadd.s32 $0xFFFFEC00  }
0x22: {  	_ =	swait.ge [sflag:s16], $0x1400  }
0x23: {  	s17 =	sadd.s32 $0x1, s17;
	s31 =	rddreg [dreg:$0x4]  }
0x24: {  	p0 =	sne.s32 s17, s31  }
.Ltmp1:
0x25: {  	_ = 	snop;
	(pc) =	sbr.rel @!p0 .LBB2_5-.Ltmp1, $3  }
0x26: {  	_ =	sdelay $0x1  }
0x27: {  	[sflag:s16] =	ssyncset.done $0x0  }
0x28: {  	[sflag:s16] =	ssyncadd.s32 $0xFFFFEC00  }
.LBB2_1:
0x29: {  	s0 =	rddreg [dreg:$0x3];
	s8 =	simm.s32 $0x11  }
0x2a: {  	[tilespmem:s3], [sflag:$0x11] =	stream.linear.gather [hbm4b:s0+s3], $0x2000, $0x38;
	[tilespmem:$0xC000] =	vst v63  }
0x2b: {  	_ =	swait.ge [sflag:s8], $0x2000  }
0x2c: {  	[sflag:s8] =	ssyncset.done $0x0  }
0x2d: {  	[sflag:s8] =	ssyncadd.s32 $0xFFFFE000  }
0x2e: {  	[tilespmem:s11], [sflag:$0x1] =	stream.indirect.gather [hbm4b:s1+s10], $0x80, s3, s10, $0xb8;
	[tilespmem:$0xC000] =	vst v63  }
0x2f: {  	s9 =	simm.s32 $0x80  }
0x30: {  	[tilespmem:s13], [sflag:$0x2] =	stream.indirect.gather [hbm4b:s1+s10], $0x80, s9, s10, $0xb8;
	[tilespmem:$0xC000] =	vst v63  }
0x31: {  	s14 =	simm.s32 $0x100  }
0x32: {  	[tilespmem:s15], [sflag:$0x3] =	stream.indirect.gather [hbm4b:s1+s10], $0x80, s14, s10, $0xb8;
	[tilespmem:$0xC000] =	vst v63  }
0x33: {  	s18 =	simm.s32 $0x180;
	s2 =	simm.s32 $0x5C00  }
0x34: {  	[tilespmem:s2], [sflag:$0x4] =	stream.indirect.gather [hbm4b:s1+s10], $0x80, s18, s10, $0xb8;
	[tilespmem:$0xC000] =	vst v63  }
0x35: {  	s20 =	simm.s32 $0x200  }
0x36: {  	[tilespmem:s19], [sflag:$0x5] =	stream.indirect.gather [hbm4b:s1+s10], $0x80, s20, s10, $0xb8;
	[tilespmem:$0xC000] =	vst v63  }
0x37: {  	s31 =	simm.s32 $0x280;
	s8 =	rddreg [dreg:$0x5];
	s20 =	simm.s32 $0x0  }
0x38: {  	[tilespmem:s21], [sflag:$0x6] =	stream.indirect.gather [hbm4b:s1+s10], $0x80, s31, s10, $0xb8;
	[tilespmem:$0xC000] =	vst v63  }
.LBB2_2:
0x39: {  	_ =	swait.ge [sflag:s22], $0x1400  }
0x3a: {  	p0 =	seq.s32 s20, $0x0;
	[sflag:s22] =	ssyncset.done $0x0  }
0x3b: {  	s4 =	sadd.s32 $0xFFFFF600, s8;
	s5 =	simm.s32 @!p0 $0xF;
	[sflag:s22] =	ssyncadd.s32 $0xFFFFEC00  }
0x3c: {  	[hbm4b:s4+s3] =	stream.linear.scatter [tilespmem:s11], [sflag:$0x9], $0x1400, $0x38;
	[tilespmem:$0xC000] =	vst v63  }
0x3d: {  	_ =	swait.ge @!p0 [sflag:s5], $0x1400  }
0x3e: {  	s4 =	sshra.s32 s20, $0x2;
	[sflag:s5] =	ssyncset.done @!p0 $0x0  }
0x3f: {  	s31 =	sadd.s32 $0x300, s4;
	[sflag:s5] =	ssyncadd.s32 @!p0 $0xFFFFEC00  }
0x40: {  	[tilespmem:s23], [sflag:$0x7] =	stream.indirect.gather [hbm4b:s1+s10], $0x80, s31, s10, $0xb8;
	[tilespmem:$0xC000] =	vst v63  }
0x41: {  	_ =	swait.ge [sflag:s24], $0x1400  }
0x42: {  	[sflag:s24] =	ssyncset.done $0x0  }
0x43: {  	s0 =	sadd.s32 $0xFFFFF880, s8;
	s5 =	simm.s32 @!p0 $0x10;
	[sflag:s24] =	ssyncadd.s32 $0xFFFFEC00  }
0x44: {  	[hbm4b:s0+s3] =	stream.linear.scatter [tilespmem:s13], [sflag:$0xA], $0x1400, $0x38;
	[tilespmem:$0xC000] =	vst v63  }
0x45: {  	_ =	swait.ge @!p0 [sflag:s5], $0x1400  }
0x46: {  	[sflag:s5] =	ssyncset.done @!p0 $0x0  }
0x47: {  	s2 =	sadd.s32 $0x380, s4;
	[sflag:s5] =	ssyncadd.s32 @!p0 $0xFFFFEC00  }
0x48: {  	[tilespmem:s25], [sflag:$0x8] =	stream.indirect.gather [hbm4b:s1+s10], $0x80, s2, s10, $0xb8;
	[tilespmem:$0xC000] =	vst v63  }
0x49: {  	_ =	swait.ge [sflag:s26], $0x1400  }
0x4a: {  	p0 =	seq.s32 s20, $0x7000;
	[sflag:s26] =	ssyncset.done $0x0  }
0x4b: {  	s9 =	sadd.s32 $0xFFFFFB00, s8;
	s5 =	simm.s32 @p0 $0x4;
	[sflag:s26] =	ssyncadd.s32 $0xFFFFEC00  }
0x4c: {  	[hbm4b:s9+s3] =	stream.linear.scatter [tilespmem:s15], [sflag:$0xB], $0x1400, $0x38;
	[tilespmem:$0xC000] =	vst v63  }
0x4d: {  	_ =	swait.ge @p0 [sflag:s5], $0x1400  }
0x4e: {  	[sflag:s5] =	ssyncset.done @p0 $0x0  }
0x4f: {  	s18 =	simm.s32 @p0 $0x5C00;
	[sflag:s5] =	ssyncadd.s32 @p0 $0xFFFFEC00;
	s5 =	simm.s32 @p0 $0x0  }
0x50: {  	[hbm4b:s6+s5] =	stream.linear.scatter @p0 [tilespmem:s18], [sflag:$0xC], $0x1400, $0x38;
	[tilespmem:$0xC000] =	vst v63  }
0x51: {  	s18 =	simm.s32 @!p0 $0x9  }
0x52: {  	_ =	swait.ge @!p0 [sflag:s18], $0x1400  }
0x53: {  	[sflag:s18] =	ssyncset.done @!p0 $0x0  }
0x54: {  	[sflag:s18] =	ssyncadd.s32 @!p0 $0xFFFFEC00;
	s18 =	sshra.s32 @!p0 s20, $0x2  }
0x55: {  	s31 =	simm.s32 @!p0 $0x28;
	s0 =	simm.s32 @!p0 $0x2000;
	s9 =	sadd.s32 @!p0 $0x400, s18  }
0x56: {  	[tilespmem:s0], [sflag:$0x1] =	stream.indirect.gather @!p0 [hbm4b:s1+s31], $0x80, s9, s31, $0xb8;
	[tilespmem:$0xC000] =	vst v63  }
0x57: {  	s0 =	simm.s32 @!p0 $0x4  }
0x58: {  	_ =	swait.ge @!p0 [sflag:s0], $0x1400  }
0x59: {  	s2 =	simm.s32 @!p0 $0x5C00;
	[sflag:s0] =	ssyncset.done @!p0 $0x0  }
0x5a: {  	s9 =	simm.s32 @!p0 $0x0;
	[sflag:s0] =	ssyncadd.s32 @!p0 $0xFFFFEC00;
	s0 =	sadd.s32 @!p0 $0xFFFFFD80, s8  }
0x5b: {  	[hbm4b:s0+s9] =	stream.linear.scatter @!p0 [tilespmem:s2], [sflag:$0xC], $0x1400, $0x38;
	[tilespmem:$0xC000] =	vst v63  }
0x5c: {  	s0 =	simm.s32 @!p0 $0xA  }
0x5d: {  	_ =	swait.ge @!p0 [sflag:s0], $0x1400  }
0x5e: {  	[sflag:s0] =	ssyncset.done @!p0 $0x0  }
0x5f: {  	s14 =	simm.s32 @!p0 $0x3400;
	[sflag:s0] =	ssyncadd.s32 @!p0 $0xFFFFEC00;
	s0 =	sadd.s32 @!p0 $0x480, s18  }
0x60: {  	[tilespmem:s14], [sflag:$0x2] =	stream.indirect.gather @!p0 [hbm4b:s1+s31], $0x80, s0, s31, $0xb8;
	[tilespmem:$0xC000] =	vst v63  }
0x61: {  	_ =	swait.ge [sflag:s28], $0x1400  }
0x62: {  	[sflag:s28] =	ssyncset.done $0x0  }
0x63: {  	s0 =	simm.s32 @p0 $0x6;
	[sflag:s28] =	ssyncadd.s32 $0xFFFFEC00  }
0x64: {  	[hbm4b:s8+s3] =	stream.linear.scatter [tilespmem:s19], [sflag:$0xD], $0x1400, $0x38;
	[tilespmem:$0xC000] =	vst v63  }
0x65: {  	_ =	swait.ge @p0 [sflag:s0], $0x1400  }
0x66: {  	[sflag:s0] =	ssyncset.done @p0 $0x0  }
0x67: {  	[sflag:s0] =	ssyncadd.s32 @p0 $0xFFFFEC00;
	s0 =	simm.s32 @p0 $0x8400  }
0x68: {  	[hbm4b:s7+s5] =	stream.linear.scatter @p0 [tilespmem:s0], [sflag:$0xE], $0x1400, $0x38;
	[tilespmem:$0xC000] =	vst v63  }
0x69: {  	s0 =	simm.s32 @!p0 $0xB  }
0x6a: {  	_ =	swait.ge @!p0 [sflag:s0], $0x1400  }
0x6b: {  	[sflag:s0] =	ssyncset.done @!p0 $0x0  }
0x6c: {  	s5 =	simm.s32 @!p0 $0x4800;
	[sflag:s0] =	ssyncadd.s32 @!p0 $0xFFFFEC00;
	s0 =	sadd.s32 @!p0 $0x500, s18  }
0x6d: {  	[tilespmem:s5], [sflag:$0x3] =	stream.indirect.gather @!p0 [hbm4b:s1+s31], $0x80, s0, s31, $0xb8;
	[tilespmem:$0xC000] =	vst v63  }
0x6e: {  	s0 =	simm.s32 @!p0 $0x6  }
0x6f: {  	_ =	swait.ge @!p0 [sflag:s0], $0x1400  }
0x70: {  	[sflag:s0] =	ssyncset.done @!p0 $0x0  }
0x71: {  	s5 =	simm.s32 @!p0 $0x8400;
	[sflag:s0] =	ssyncadd.s32 @!p0 $0xFFFFEC00;
	s0 =	sadd.s32 @!p0 $0x280, s8  }
0x72: {  	[hbm4b:s0+s9] =	stream.linear.scatter @!p0 [tilespmem:s5], [sflag:$0xE], $0x1400, $0x38;
	[tilespmem:$0xC000] =	vst v63  }
0x73: {  	s0 =	simm.s32 @!p0 $0xC  }
0x74: {  	_ =	swait.ge @!p0 [sflag:s0], $0x1400  }
0x75: {  	[sflag:s0] =	ssyncset.done @!p0 $0x0  }
0x76: {  	[sflag:s0] =	ssyncadd.s32 @!p0 $0xFFFFEC00;
	s0 =	sadd.s32 @!p0 $0x580, s18  }
0x77: {  	[tilespmem:s2], [sflag:$0x4] =	stream.indirect.gather @!p0 [hbm4b:s1+s31], $0x80, s0, s31, $0xb8;
	[tilespmem:$0xC000] =	vst v63  }
0x78: {  	_ =	swait.ge [sflag:s29], $0x1400  }
0x79: {  	[sflag:s29] =	ssyncset.done $0x0  }
0x7a: {  	s14 =	sadd.s32 $0x500, s8;
	s0 =	simm.s32 @!p0 $0xD;
	[sflag:s29] =	ssyncadd.s32 $0xFFFFEC00  }
0x7b: {  	[hbm4b:s14+s3] =	stream.linear.scatter [tilespmem:s23], [sflag:$0xF], $0x1400, $0x38;
	[tilespmem:$0xC000] =	vst v63  }
0x7c: {  	_ =	swait.ge @!p0 [sflag:s0], $0x1400  }
0x7d: {  	[sflag:s0] =	ssyncset.done @!p0 $0x0  }
0x7e: {  	s2 =	simm.s32 @!p0 $0x7000;
	[sflag:s0] =	ssyncadd.s32 @!p0 $0xFFFFEC00;
	s0 =	sadd.s32 @!p0 $0x600, s18  }
0x7f: {  	[tilespmem:s2], [sflag:$0x5] =	stream.indirect.gather @!p0 [hbm4b:s1+s31], $0x80, s0, s31, $0xb8;
	[tilespmem:$0xC000] =	vst v63  }
.Ltmp2:
0x80: {  	_ = 	snop;
	(pc) =	sbr.rel @p0 .LBB2_4-.Ltmp2, $4  }
0x81: {  	_ =	swait.ge [sflag:s30], $0x1400  }
0x82: {  	[sflag:s30] =	ssyncset.done $0x0  }
0x83: {  	s31 =	sadd.s32 $0x780, s8;
	[sflag:s30] =	ssyncadd.s32 $0xFFFFEC00  }
0x84: {  	[hbm4b:s31+s3] =	stream.linear.scatter [tilespmem:s25], [sflag:$0x10], $0x1400, $0x38;
	[tilespmem:$0xC000] =	vst v63  }
.Ltmp3:
0x85: {  	(pc) =	sbr.rel .LBB2_2-.Ltmp3, $4  }
0x86: {  	_ =	swait.ge [sflag:s12], $0x1400  }
0x87: {  	s0 =	sadd.s32 $0x680, s4;
	[sflag:s12] =	ssyncset.done $0x0  }
0x88: {  	s20 =	sadd.s32 $0x1000, s20;
	s8 =	sadd.s32 $0x1400, s8;
	[sflag:s12] =	ssyncadd.s32 $0xFFFFEC00  }
0x89: {  	[tilespmem:s21], [sflag:$0x6] =	stream.indirect.gather [hbm4b:s1+s10], $0x80, s0, s10, $0xb8;
	[tilespmem:$0xC000] =	vst v63  }
.LBB2_5:
0x8a: {  	_ =	sfence.sel $0x180000  }
0x8b: {  	[bflag:$0x0] =	sbarrier.arrive $0xFFFF  }
0x8c: {  	_ =	strace $0x9000004A  }
0x8d: {  	s0 =	stileid.u32;
	[bflag:$0x2] =	sbarrier.arrive $0xFFFF  }
0x8e: {  	p0 =	sne.s32 s0, $0x0;
	s0 =	rddreg [dreg:$0x2]  }
0x8f: {  	s0 =	sadd.s32 @!p0 $0x100000, s0  }
0x90: {  	[sflag:s0] =	ssyncadd.tile.s32 @!p0 $0x1;
	_ =	shalt  }
.Lfunc_end2:
_tile_overlayer_lowered:
.L_overlay_start_2:
0x91: {  	(tag) =	ssettag $0x2  }
0x92: {  	s0 =	rddreg [dreg:$0x0];
	s2 =	stileid.u32  }
0x93: {  	s1 =	rddreg [dreg:$0x1];
	p0 =	sne.s32 s2, $0x0  }
0x94: {  	s3 =	rddreg [dreg:$0x2];
	[bflag:$0x3] =	sbarrier.arrive $0xFFFF;
	s2 =	simm.s32 @!p0 $0x1C11  }
0x95: {  	[timem:s3], [sflag:s2] =	dma.local @!p0 [hbm:s0], s1  }
0x96: {  	s0 =	simm.s32 @!p0 $0x11  }
0x97: {  	_ =	swait.ge @!p0 [sflag:s0], s1  }
0x98: {  	s1 =	ssub.s32 @!p0 $0x0, s1;
	[sflag:s0] =	ssyncset.done @!p0 $0x0  }
0x99: {  	[sflag:s0] =	ssyncadd.s32 @!p0 s1  }
0x9a: {  	[bflag:$0x3] =	sbarrier.arrive $0xFFFF  }
0x9b: {  	_ =	shalt  }

// kernel: kernel.7.cloned.1.call-start
scs
__scs_entry_jumppad:
0x0: {  	(pc) =	sbr.rel $0x88, $3  }
0x1: {  	(tag) =	ssettag $0x0;
	lr =	simm.s32 $0x1  }
0x2: {  	[smem:$0x3F8E] =	sst lr;
	_ =	strace $0xD0000000  }
0x3: {  	_ = 	snop  }
0x4: {  	_ = 	snop  }
0x5: {  	_ = 	snop  }
0x6: {  	_ = 	snop  }
0x7: {  	_ = 	snop  }
__scs_overlays_trampoline_lowered:
0x8: {  	[smem:$0x3F9D] =	sst s0  }
0x9: {  	[smem:$0x3F9E] =	sst s1  }
0xa: {  	[smem:$0x3F9F] =	sst s2  }
0xb: {  	[smem:$0x3FA0] =	sst s3  }
0xc: {  	[smem:$0x3FA1] =	sst s4  }
0xd: {  	[smem:$0x3FA2] =	sst s5  }
0xe: {  	[smem:$0x3FA3] =	sst s6  }
0xf: {  	[smem:$0x3FA4] =	sst s7  }
0x10: {  	[smem:$0x3FA5] =	sst s8  }
0x11: {  	[smem:$0x3FA6] =	sst s9;
	s0 =	simm.s32 @!p0 $0x0  }
0x12: {  	s1 =	sld [smem:$0x3F8C];
	s0 =	simm.s32 @p0 $0x1  }
0x13: {  	[smem:$0x3FA7] =	sst s0;
	s0 =	simm.s32 @!p1 $0x0  }
0x14: {  	s2 =	sld [smem:$0x3F8B];
	s0 =	simm.s32 @p1 $0x1  }
0x15: {  	[smem:$0x3FA8] =	sst s0;
	s0 =	simm.s32 @!p2 $0x0  }
0x16: {  	s3 =	sld [smem:$0x3FDB];
	s0 =	simm.s32 @p2 $0x1  }
0x17: {  	s4 =	simm.s32 $0x1BF5;
	[smem:$0x3FAA] =	sst s0  }
0x18: {  	s0 =	sld [smem:$0x3F8D];
	_ =	swait.ge [sflag:s4], $0x0  }
0x19: {  	s7 =	sld [smem:$0x3F8E]  }
0x1a: {  	s8 =	sadd.s32 $0xFFFFE003, lr  }
0x1b: {  	s9 =	sadd.s32 $0xFFFFFEF7, lr;
	s5 =	simm.s32 $0xFFFFFFFF;
	p2 =	slt.u32 s8, $0xFFFFF086  }
0x1c: {  	p1 =	slt.u32 s9, $0xF7A;
	s5 =	simm.s32 @!p2 $0x0  }
0x1d: {  	s5 =	simm.s32 @p1 $0x1;
	p0 =	seq.s32 s7, s2  }
0x1e: {  	s7 =	smul.u32 @!p0 $0xF7A, s2;
	p2 =	seq.s32 @!p0 s5, $0x0  }
0x1f: {  	s9 =	smul.u32 $0xF7A, s1;
	s8 =	simm.s32 @!p0 $0x1BF5;
	p2 =	por !p2, p0  }
0x20: {  	[sflag:s8] =	ssyncset.s32 @!p0 $0xFFFFF086;
	s6 =	sadd.s32 @!p0 s3, s7;
	s7 =	simm.s32 @!p0 $0x108  }
0x21: {  	s3 =	sadd.s32 s3, s9;
	s6 =	sadd.s32 @!p0 $0x88, s6;
	s7 =	simm.s32 @p2 $0x1082  }
0x22: {  	[simem:s7], [sflag:s8] =	dma.local @!p0 [hbm:s6], $0xF7A  }
0x23: {  	s9 =	sor.u32 $0xD0000000, s2;
	s6 =	simm.s32 $0x108;
	_ =	swait.ge @!p0 [sflag:s8], $0x0  }
0x24: {  	s3 =	sadd.s32 $0x88, s3;
	s6 =	simm.s32 @!p1 $0x1082;
	[sflag:s4] =	ssyncset.s32 $0xFFFFF086  }
0x25: {  	[simem:s6], [sflag:s4] =	dma.local [hbm:s3], $0xF7A  }
0x26: {  	[smem:$0x3F8E] =	sst s1;
	(tag) =	ssettag s2;
	_ =	strace s9  }
0x27: {  	s1 =	sld [smem:$0x3F9E]  }
0x28: {  	s2 =	sld [smem:$0x3F9F]  }
0x29: {  	s4 =	sld [smem:$0x3FA1]  }
0x2a: {  	p0 =	seq.s32 s5, $0x0;
	s5 =	sld [smem:$0x3FA2]  }
0x2b: {  	s6 =	sld [smem:$0x3FA3]  }
0x2c: {  	s7 =	sld [smem:$0x3FA4]  }
0x2d: {  	s3 =	simm.s32 $0x108;
	s8 =	sld [smem:$0x3FA5]  }
0x2e: {  	s3 =	simm.s32 @!p0 $0x1082;
	s9 =	sld [smem:$0x3FA6]  }
0x2f: {  	lr =	sadd.s32 s0, s3;
	s0 =	sld [smem:$0x3F9D]  }
0x30: {  	s3 =	sld [smem:$0x3FA0]  }
0x31: {  	[smem:$0x3FA9] =	sst s10  }
0x32: {  	s10 =	sld [smem:$0x3FA7];
	_ =	sdelay $0x3  }
0x33: {  	p0 =	seq.s32 s10, $0x1;
	s10 =	sld [smem:$0x3FA9];
	_ =	sdelay $0x3  }
0x34: {  	[smem:$0x3FA9] =	sst s10  }
0x35: {  	s10 =	sld [smem:$0x3FA8];
	_ =	sdelay $0x3  }
0x36: {  	p1 =	seq.s32 s10, $0x1;
	s10 =	sld [smem:$0x3FA9];
	_ =	sdelay $0x3  }
0x37: {  	[smem:$0x3FA9] =	sst s10  }
0x38: {  	s10 =	sld [smem:$0x3FAA]  }
0x39: {  	_ = 	snop;
	(pc) =	sbr.ind lr, $3  }
0x3a: {  	_ = 	snop  }
0x3b: {  	_ = 	snop  }
0x3c: {  	p2 =	seq.s32 s10, $0x1;
	s10 =	sld [smem:$0x3FA9]  }
0x3d: {  	_ =	shalt  }
0x3e: {  	_ =	shalt  }
0x3f: {  	_ =	shalt  }
0x40: {  	_ =	shalt  }
0x41: {  	_ =	shalt  }
0x42: {  	_ =	shalt  }
0x43: {  	_ =	shalt  }
0x44: {  	_ =	shalt  }
0x45: {  	_ =	shalt  }
0x46: {  	_ =	shalt  }
0x47: {  	_ =	shalt  }
0x48: {  	_ =	shalt  }
0x49: {  	_ =	shalt  }
0x4a: {  	_ =	shalt  }
0x4b: {  	_ =	shalt  }
0x4c: {  	_ =	shalt  }
0x4d: {  	_ =	shalt  }
0x4e: {  	_ =	shalt  }
0x4f: {  	_ =	shalt  }
0x50: {  	_ =	shalt  }
0x51: {  	_ =	shalt  }
0x52: {  	_ =	shalt  }
0x53: {  	_ =	shalt  }
0x54: {  	_ =	shalt  }
0x55: {  	_ =	shalt  }
0x56: {  	_ =	shalt  }
0x57: {  	_ =	shalt  }
0x58: {  	_ =	shalt  }
0x59: {  	_ =	shalt  }
0x5a: {  	_ =	shalt  }
0x5b: {  	_ =	shalt  }
0x5c: {  	_ =	shalt  }
0x5d: {  	_ =	shalt  }
0x5e: {  	_ =	shalt  }
0x5f: {  	_ =	shalt  }
0x60: {  	_ =	shalt  }
0x61: {  	_ =	shalt  }
0x62: {  	_ =	shalt  }
0x63: {  	_ =	shalt  }
0x64: {  	_ =	shalt  }
0x65: {  	_ =	shalt  }
0x66: {  	_ =	shalt  }
0x67: {  	_ =	shalt  }
0x68: {  	_ =	shalt  }
0x69: {  	_ =	shalt  }
0x6a: {  	_ =	shalt  }
0x6b: {  	_ =	shalt  }
0x6c: {  	_ =	shalt  }
0x6d: {  	_ =	shalt  }
0x6e: {  	_ =	shalt  }
0x6f: {  	_ =	shalt  }
0x70: {  	_ =	shalt  }
0x71: {  	_ =	shalt  }
0x72: {  	_ =	shalt  }
0x73: {  	_ =	shalt  }
0x74: {  	_ =	shalt  }
0x75: {  	_ =	shalt  }
0x76: {  	_ =	shalt  }
0x77: {  	_ =	shalt  }
0x78: {  	_ =	shalt  }
0x79: {  	_ =	shalt  }
0x7a: {  	_ =	shalt  }
0x7b: {  	_ =	shalt  }
0x7c: {  	_ =	shalt  }
0x7d: {  	_ =	shalt  }
0x7e: {  	_ =	shalt  }
0x7f: {  	_ =	shalt  }
0x80: {  	_ =	shalt  }
0x81: {  	_ =	shalt  }
0x82: {  	_ =	shalt  }
0x83: {  	_ =	shalt  }
0x84: {  	_ =	shalt  }
0x85: {  	_ =	shalt  }
0x86: {  	_ =	shalt  }
0x87: {  	_ =	shalt  }
.Lfunc_end0:
.L_simem_size_0:
called_computation_lowered:
.L_overlay_start_0:
0x88: {  	s2 =	sld [smem:$0x3FD9]  }
0x89: {  	s3 =	sld [smem:$0x3FFE];
	_ =	sdelay $0x1  }
0x8a: {  	s1 =	srdreg.scid  }
0x8b: {  	s0 =	sand.u32 $0x1, s1  }
0x8c: {  	s17 =	sshll.u32 s0, $0xA;
	s2 =	sadd.s32 s3, s2  }
0x8d: {  	s2 =	sadd.s32 s2, s17  }
0x8e: {  	[smem:$0x3FB5] =	sst s2  }
0x8f: {  	_ = 	snop  }
0x90: {  	s2 =	sld [smem:$0x3FD0];
	(tm) =	ssettm $0x1  }
0x91: {  	s18 =	sld [smem:$0x3FFB];
	_ =	sdelay $0x3  }
0x92: {  	_ =	strace s18  }
0x93: {  	s3 =	sld [smem:$0x3FFC];
	_ =	sdelay $0x3  }
0x94: {  	_ =	strace s3  }
0x95: {  	s3 =	sld [smem:$0x3FFD];
	_ =	sdelay $0x3  }
0x96: {  	_ =	strace s3  }
0x97: {  	_ =	strace $0x8FFFFFFF  }
0x98: {  	s19 =	sld [smem:$0x3FDB];
	_ =	sdelay $0x1  }
0x99: {  	s4 =	simm.s32 $_scs_section_size  }
0x9a: {  	s5 =	simm.s32 $_size__tile_overlayer_lowered;
	s6 =	simm.s32 $_tile_overlayer_lowered  }
0x9b: {  	s22 =	simm.s32 $0x1BFF;
	s21 =	sshll.u32 s6, $0x1;
	s3 =	sadd.s32 s4, s19  }
0x9c: {  	s7 =	simm.s32 $0x0;
	s20 =	sshll.u32 s5, $0x1;
	s5 =	sadd.s32 s21, s3  }
0x9d: {  	[timem:s7], [sflag:s22] =	dma.local [hbm:s5], s20  }
0x9e: {  	_ =	swait.ge [sflag:s22], s20  }
0x9f: {  	s4 =	ssub.s32 $0x0, s20;
	[sflag:s22] =	ssyncset.done $0x0  }
0xa0: {  	[sflag:s22] =	ssyncadd.s32 s4;
	_ =	sdelay $0x1  }
0xa1: {  	s23 =	simm.s32 $0x1B8B  }
0xa2: {  	_ =	swait.ge [sflag:s23], $0x1  }
0xa3: {  	[sflag:s23] =	ssyncset.done $0x0  }
0xa4: {  	s25 =	simm.s32 $0x1B8E;
	s24 =	sld [smem:$0x3FFE];
	[sflag:s23] =	ssyncadd.s32 $0xFFFFFFFF  }
0xa5: {  	s26 =	simm.s32 $execute0_lowered;
	[smem:$0x3FD2] =	sst s25  }
0xa6: {  	s5 =	sshll.u32 s26, $0x1;
	_ =	strace $0x80000046;
	[dreg:$0x1] =	wrdreg $0xFFFFFFFF  }
0xa7: {  	s28 =	simm.s32 $_size_execute0_lowered;
	s3 =	sadd.s32 s3, s5;
	[dreg:$0x0] =	wrdreg $0x0  }
0xa8: {  	s5 =	sshll.u32 s28, $0x1;
	[dreg:$0x2] =	wrdreg s3  }
0xa9: {  	[dreg:$0x3] =	wrdreg s5  }
0xaa: {  	[dreg:$0x4] =	wrdreg $0xC0  }
0xab: {  	_ =	task [dreg:s7], $0x5FFFF  }
0xac: {  	[dreg:$0x1] =	wrdreg $0xFFFFFFFF  }
0xad: {  	[dreg:$0x0] =	wrdreg $0x60  }
0xae: {  	[dreg:$0x2] =	wrdreg s2  }
0xaf: {  	[dreg:$0x3] =	wrdreg s24  }
0xb0: {  	[dreg:$0x4] =	wrdreg $0x9  }
0xb1: {  	_ =	task.clear_ibuf [dreg:s7], $0x5FFFF;
	_ =	strace $0x90000046  }
0xb2: {  	s29 =	simm.s32 $0x9;
	_ =	strace $0x80000048  }
0xb3: {  	_ =	swait.ge [sflag:s29], $0x1  }
0xb4: {  	[sflag:s29] =	ssyncadd.s32 $0xFFFFFFFF  }
0xb5: {  	_ =	strace $0x90000048  }
0xb6: {  	_ =	sfence  }
0xb7: {  	s30 =	sld [smem:$0x0];
	_ =	sdelay $0x2  }
0xb8: {  	s31 =	sshll.u32 s1, $0xD;
	s1 =	sshrl.u32 s1, $0x2  }
0xb9: {  	s3 =	sand.u32 $0x4000, s31;
	s1 =	sadd.s32 s1, s30  }
0xba: {  	s0 =	sor.u32 s3, s0;
	s1 =	sshll.u32 s1, $0x11  }
0xbb: {  	s0 =	sor.u32 s1, s0  }
0xbc: {  	s0 =	sadd.s32 $0x8F2B, s0  }
0xbd: {  	[sflag:s0] =	ssyncadd.remote.s32 $0x1  }
0xbe: {  	_ =	sfence.sel $0xFFFF  }
0xbf: {  	[dreg:$0x0] =	wrdreg $0xFFFFFFFF;
	(pc) =	sbr.abs _section_cstart, $3  }
0xc0: {  	[dreg:$0x1] =	wrdreg $0xFFFFFFFF  }
0xc1: {  	_ =	task.clear_ibuf [dreg:s7], $0x2FFFF;
	_ =	strace $0x9FFFFFFF  }
0xc2: {  	(tm) =	ssettm $0x7FFFFFFF  }
0xc3: {  	_ =	shalt  }
tec
execute0_lowered:
.L_overlay_start_1:
0x0: {  	(tag) =	ssettag $0x1  }
0x1: {  	s1 =	rddreg [dreg:$0x0]  }
0x2: {  	s0 =	rddreg [dreg:$0x1];
	s3 =	simm.s32 $0x0  }
0x3: {  	s2 =	srdreg.scid;
	s8 =	stileid.u32;
	s10 =	simm.s32 $0x28  }
0x4: {  	s11 =	simm.s32 $0x2000;
	s13 =	simm.s32 $0x3400;
	s15 =	simm.s32 $0x4800  }
0x5: {  	s19 =	simm.s32 $0x7000;
	s21 =	simm.s32 $0x8400;
	s22 =	simm.s32 $0x1  }
0x6: {  	s23 =	simm.s32 $0x9800;
	s24 =	simm.s32 $0x2;
	s25 =	simm.s32 $0xAC00  }
0x7: {  	s26 =	simm.s32 $0x3;
	s28 =	simm.s32 $0x5;
	s29 =	simm.s32 $0x7  }
0x8: {  	s30 =	simm.s32 $0x8;
	s12 =	simm.s32 $0xE;
	s16 =	simm.s32 $0x10  }
0x9: {  	[smem:$0x7FF] =	sst s3;
	s2 =	sand.u32 $0x1, s2;
	s4 =	sshll.u32 s8, $0x1  }
0xa: {  	s8 =	smul.u32 $0x14000, s8;
	_ =	strace $0x80000047;
	s4 =	sor.u32 s2, s4  }
0xb: {  	s6 =	ssub.s32 $0x2, s2;
	s2 =	smul.u32 $0xA000, s2;
	s5 =	sshll.u32 s4, $0xA  }
0xc: {  	s4 =	smul.u32 $0xA000, s4;
	s7 =	sshrl.u32 s6, $0x1;
	s5 =	sadd.s32 s5, s0  }
.Ltmp0:
0xd: {  	s0 =	sadd.s32 $0xBC00, s0;
	s6 =	ssub.s32 s6, s7;
	(pc) =	sbr.rel .LBB2_1-.Ltmp0, $4  }
0xe: {  	s5 =	sadd.s32 $0x3C00, s5;
	s4 =	sadd.s32 s0, s4;
	s0 =	sadd.s32 s8, s0  }
0xf: {  	s31 =	smax.u32 s6, $0x1;
	[dreg:$0x3] =	wrdreg s5;
	s0 =	sadd.s32 s2, s0  }
0x10: {  	s17 =	simm.s32 $0x0;
	[dreg:$0x4] =	wrdreg s31;
	s0 =	sadd.s32 $0xA00, s0  }
0x11: {  	s6 =	sadd.s32 $0x9380, s4;
	s7 =	sadd.s32 $0x9880, s4;
	[dreg:$0x5] =	wrdreg s0  }
.LBB2_4:
0x12: {  	s0 =	simm.s32 $0xB  }
0x13: {  	_ =	swait.ge [sflag:s0], $0x1400  }
0x14: {  	[sflag:s0] =	ssyncset.done $0x0  }
0x15: {  	s14 =	simm.s32 $0xC;
	[sflag:s0] =	ssyncadd.s32 $0xFFFFEC00  }
0x16: {  	_ =	swait.ge [sflag:s14], $0x1400  }
0x17: {  	[sflag:s14] =	ssyncset.done $0x0  }
0x18: {  	s18 =	simm.s32 $0xD;
	[sflag:s14] =	ssyncadd.s32 $0xFFFFEC00  }
0x19: {  	_ =	swait.ge [sflag:s18], $0x1400  }
0x1a: {  	[sflag:s18] =	ssyncset.done $0x0  }
0x1b: {  	[sflag:s18] =	ssyncadd.s32 $0xFFFFEC00  }
0x1c: {  	_ =	swait.ge [sflag:s12], $0x1400  }
0x1d: {  	[sflag:s12] =	ssyncset.done $0x0  }
0x1e: {  	s20 =	simm.s32 $0xF;
	[sflag:s12] =	ssyncadd.s32 $0xFFFFEC00  }
0x1f: {  	_ =	swait.ge [sflag:s20], $0x1400  }
0x20: {  	[sflag:s20] =	ssyncset.done $0x0  }
0x21: {  	[sflag:s20] =	ssyncadd.s32 $0xFFFFEC00  }
0x22: {  	_ =	swait.ge [sflag:s16], $0x1400  }
0x23: {  	s17 =	sadd.s32 $0x1, s17;
	s31 =	rddreg [dreg:$0x4]  }
0x24: {  	p0 =	sne.s32 s17, s31  }
.Ltmp1:
0x25: {  	_ = 	snop;
	(pc) =	sbr.rel @!p0 .LBB2_5-.Ltmp1, $3  }
0x26: {  	_ =	sdelay $0x1  }
0x27: {  	[sflag:s16] =	ssyncset.done $0x0  }
0x28: {  	[sflag:s16] =	ssyncadd.s32 $0xFFFFEC00  }
.LBB2_1:
0x29: {  	s0 =	rddreg [dreg:$0x3];
	s8 =	simm.s32 $0x11  }
0x2a: {  	[tilespmem:s3], [sflag:$0x11] =	stream.linear.gather [hbm4b:s0+s3], $0x2000, $0x38;
	[tilespmem:$0xC000] =	vst v63  }
0x2b: {  	_ =	swait.ge [sflag:s8], $0x2000  }
0x2c: {  	[sflag:s8] =	ssyncset.done $0x0  }
0x2d: {  	[sflag:s8] =	ssyncadd.s32 $0xFFFFE000  }
0x2e: {  	[tilespmem:s11], [sflag:$0x1] =	stream.indirect.gather [hbm4b:s1+s10], $0x80, s3, s10, $0xb8;
	[tilespmem:$0xC000] =	vst v63  }
0x2f: {  	s9 =	simm.s32 $0x80  }
0x30: {  	[tilespmem:s13], [sflag:$0x2] =	stream.indirect.gather [hbm4b:s1+s10], $0x80, s9, s10, $0xb8;
	[tilespmem:$0xC000] =	vst v63  }
0x31: {  	s14 =	simm.s32 $0x100  }
0x32: {  	[tilespmem:s15], [sflag:$0x3] =	stream.indirect.gather [hbm4b:s1+s10], $0x80, s14, s10, $0xb8;
	[tilespmem:$0xC000] =	vst v63  }
0x33: {  	s18 =	simm.s32 $0x180;
	s2 =	simm.s32 $0x5C00  }
0x34: {  	[tilespmem:s2], [sflag:$0x4] =	stream.indirect.gather [hbm4b:s1+s10], $0x80, s18, s10, $0xb8;
	[tilespmem:$0xC000] =	vst v63  }
0x35: {  	s20 =	simm.s32 $0x200  }
0x36: {  	[tilespmem:s19], [sflag:$0x5] =	stream.indirect.gather [hbm4b:s1+s10], $0x80, s20, s10, $0xb8;
	[tilespmem:$0xC000] =	vst v63  }
0x37: {  	s31 =	simm.s32 $0x280;
	s8 =	rddreg [dreg:$0x5];
	s20 =	simm.s32 $0x0  }
0x38: {  	[tilespmem:s21], [sflag:$0x6] =	stream.indirect.gather [hbm4b:s1+s10], $0x80, s31, s10, $0xb8;
	[tilespmem:$0xC000] =	vst v63  }
.LBB2_2:
0x39: {  	_ =	swait.ge [sflag:s22], $0x1400  }
0x3a: {  	p0 =	seq.s32 s20, $0x0;
	[sflag:s22] =	ssyncset.done $0x0  }
0x3b: {  	s4 =	sadd.s32 $0xFFFFF600, s8;
	s5 =	simm.s32 @!p0 $0xF;
	[sflag:s22] =	ssyncadd.s32 $0xFFFFEC00  }
0x3c: {  	[hbm4b:s4+s3] =	stream.linear.scatter [tilespmem:s11], [sflag:$0x9], $0x1400, $0x38;
	[tilespmem:$0xC000] =	vst v63  }
0x3d: {  	_ =	swait.ge @!p0 [sflag:s5], $0x1400  }
0x3e: {  	s4 =	sshra.s32 s20, $0x2;
	[sflag:s5] =	ssyncset.done @!p0 $0x0  }
0x3f: {  	s31 =	sadd.s32 $0x300, s4;
	[sflag:s5] =	ssyncadd.s32 @!p0 $0xFFFFEC00  }
0x40: {  	[tilespmem:s23], [sflag:$0x7] =	stream.indirect.gather [hbm4b:s1+s10], $0x80, s31, s10, $0xb8;
	[tilespmem:$0xC000] =	vst v63  }
0x41: {  	_ =	swait.ge [sflag:s24], $0x1400  }
0x42: {  	[sflag:s24] =	ssyncset.done $0x0  }
0x43: {  	s0 =	sadd.s32 $0xFFFFF880, s8;
	s5 =	simm.s32 @!p0 $0x10;
	[sflag:s24] =	ssyncadd.s32 $0xFFFFEC00  }
0x44: {  	[hbm4b:s0+s3] =	stream.linear.scatter [tilespmem:s13], [sflag:$0xA], $0x1400, $0x38;
	[tilespmem:$0xC000] =	vst v63  }
0x45: {  	_ =	swait.ge @!p0 [sflag:s5], $0x1400  }
0x46: {  	[sflag:s5] =	ssyncset.done @!p0 $0x0  }
0x47: {  	s2 =	sadd.s32 $0x380, s4;
	[sflag:s5] =	ssyncadd.s32 @!p0 $0xFFFFEC00  }
0x48: {  	[tilespmem:s25], [sflag:$0x8] =	stream.indirect.gather [hbm4b:s1+s10], $0x80, s2, s10, $0xb8;
	[tilespmem:$0xC000] =	vst v63  }
0x49: {  	_ =	swait.ge [sflag:s26], $0x1400  }
0x4a: {  	p0 =	seq.s32 s20, $0x7000;
	[sflag:s26] =	ssyncset.done $0x0  }
0x4b: {  	s9 =	sadd.s32 $0xFFFFFB00, s8;
	s5 =	simm.s32 @p0 $0x4;
	[sflag:s26] =	ssyncadd.s32 $0xFFFFEC00  }
0x4c: {  	[hbm4b:s9+s3] =	stream.linear.scatter [tilespmem:s15], [sflag:$0xB], $0x1400, $0x38;
	[tilespmem:$0xC000] =	vst v63  }
0x4d: {  	_ =	swait.ge @p0 [sflag:s5], $0x1400  }
0x4e: {  	[sflag:s5] =	ssyncset.done @p0 $0x0  }
0x4f: {  	s18 =	simm.s32 @p0 $0x5C00;
	[sflag:s5] =	ssyncadd.s32 @p0 $0xFFFFEC00;
	s5 =	simm.s32 @p0 $0x0  }
0x50: {  	[hbm4b:s6+s5] =	stream.linear.scatter @p0 [tilespmem:s18], [sflag:$0xC], $0x1400, $0x38;
	[tilespmem:$0xC000] =	vst v63  }
0x51: {  	s18 =	simm.s32 @!p0 $0x9  }
0x52: {  	_ =	swait.ge @!p0 [sflag:s18], $0x1400  }
0x53: {  	[sflag:s18] =	ssyncset.done @!p0 $0x0  }
0x54: {  	[sflag:s18] =	ssyncadd.s32 @!p0 $0xFFFFEC00;
	s18 =	sshra.s32 @!p0 s20, $0x2  }
0x55: {  	s31 =	simm.s32 @!p0 $0x28;
	s0 =	simm.s32 @!p0 $0x2000;
	s9 =	sadd.s32 @!p0 $0x400, s18  }
0x56: {  	[tilespmem:s0], [sflag:$0x1] =	stream.indirect.gather @!p0 [hbm4b:s1+s31], $0x80, s9, s31, $0xb8;
	[tilespmem:$0xC000] =	vst v63  }
0x57: {  	s0 =	simm.s32 @!p0 $0x4  }
0x58: {  	_ =	swait.ge @!p0 [sflag:s0], $0x1400  }
0x59: {  	s2 =	simm.s32 @!p0 $0x5C00;
	[sflag:s0] =	ssyncset.done @!p0 $0x0  }
0x5a: {  	s9 =	simm.s32 @!p0 $0x0;
	[sflag:s0] =	ssyncadd.s32 @!p0 $0xFFFFEC00;
	s0 =	sadd.s32 @!p0 $0xFFFFFD80, s8  }
0x5b: {  	[hbm4b:s0+s9] =	stream.linear.scatter @!p0 [tilespmem:s2], [sflag:$0xC], $0x1400, $0x38;
	[tilespmem:$0xC000] =	vst v63  }
0x5c: {  	s0 =	simm.s32 @!p0 $0xA  }
0x5d: {  	_ =	swait.ge @!p0 [sflag:s0], $0x1400  }
0x5e: {  	[sflag:s0] =	ssyncset.done @!p0 $0x0  }
0x5f: {  	s14 =	simm.s32 @!p0 $0x3400;
	[sflag:s0] =	ssyncadd.s32 @!p0 $0xFFFFEC00;
	s0 =	sadd.s32 @!p0 $0x480, s18  }
0x60: {  	[tilespmem:s14], [sflag:$0x2] =	stream.indirect.gather @!p0 [hbm4b:s1+s31], $0x80, s0, s31, $0xb8;
	[tilespmem:$0xC000] =	vst v63  }
0x61: {  	_ =	swait.ge [sflag:s28], $0x1400  }
0x62: {  	[sflag:s28] =	ssyncset.done $0x0  }
0x63: {  	s0 =	simm.s32 @p0 $0x6;
	[sflag:s28] =	ssyncadd.s32 $0xFFFFEC00  }
0x64: {  	[hbm4b:s8+s3] =	stream.linear.scatter [tilespmem:s19], [sflag:$0xD], $0x1400, $0x38;
	[tilespmem:$0xC000] =	vst v63  }
0x65: {  	_ =	swait.ge @p0 [sflag:s0], $0x1400  }
0x66: {  	[sflag:s0] =	ssyncset.done @p0 $0x0  }
0x67: {  	[sflag:s0] =	ssyncadd.s32 @p0 $0xFFFFEC00;
	s0 =	simm.s32 @p0 $0x8400  }
0x68: {  	[hbm4b:s7+s5] =	stream.linear.scatter @p0 [tilespmem:s0], [sflag:$0xE], $0x1400, $0x38;
	[tilespmem:$0xC000] =	vst v63  }
0x69: {  	s0 =	simm.s32 @!p0 $0xB  }
0x6a: {  	_ =	swait.ge @!p0 [sflag:s0], $0x1400  }
0x6b: {  	[sflag:s0] =	ssyncset.done @!p0 $0x0  }
0x6c: {  	s5 =	simm.s32 @!p0 $0x4800;
	[sflag:s0] =	ssyncadd.s32 @!p0 $0xFFFFEC00;
	s0 =	sadd.s32 @!p0 $0x500, s18  }
0x6d: {  	[tilespmem:s5], [sflag:$0x3] =	stream.indirect.gather @!p0 [hbm4b:s1+s31], $0x80, s0, s31, $0xb8;
	[tilespmem:$0xC000] =	vst v63  }
0x6e: {  	s0 =	simm.s32 @!p0 $0x6  }
0x6f: {  	_ =	swait.ge @!p0 [sflag:s0], $0x1400  }
0x70: {  	[sflag:s0] =	ssyncset.done @!p0 $0x0  }
0x71: {  	s5 =	simm.s32 @!p0 $0x8400;
	[sflag:s0] =	ssyncadd.s32 @!p0 $0xFFFFEC00;
	s0 =	sadd.s32 @!p0 $0x280, s8  }
0x72: {  	[hbm4b:s0+s9] =	stream.linear.scatter @!p0 [tilespmem:s5], [sflag:$0xE], $0x1400, $0x38;
	[tilespmem:$0xC000] =	vst v63  }
0x73: {  	s0 =	simm.s32 @!p0 $0xC  }
0x74: {  	_ =	swait.ge @!p0 [sflag:s0], $0x1400  }
0x75: {  	[sflag:s0] =	ssyncset.done @!p0 $0x0  }
0x76: {  	[sflag:s0] =	ssyncadd.s32 @!p0 $0xFFFFEC00;
	s0 =	sadd.s32 @!p0 $0x580, s18  }
0x77: {  	[tilespmem:s2], [sflag:$0x4] =	stream.indirect.gather @!p0 [hbm4b:s1+s31], $0x80, s0, s31, $0xb8;
	[tilespmem:$0xC000] =	vst v63  }
0x78: {  	_ =	swait.ge [sflag:s29], $0x1400  }
0x79: {  	[sflag:s29] =	ssyncset.done $0x0  }
0x7a: {  	s14 =	sadd.s32 $0x500, s8;
	s0 =	simm.s32 @!p0 $0xD;
	[sflag:s29] =	ssyncadd.s32 $0xFFFFEC00  }
0x7b: {  	[hbm4b:s14+s3] =	stream.linear.scatter [tilespmem:s23], [sflag:$0xF], $0x1400, $0x38;
	[tilespmem:$0xC000] =	vst v63  }
0x7c: {  	_ =	swait.ge @!p0 [sflag:s0], $0x1400  }
0x7d: {  	[sflag:s0] =	ssyncset.done @!p0 $0x0  }
0x7e: {  	s2 =	simm.s32 @!p0 $0x7000;
	[sflag:s0] =	ssyncadd.s32 @!p0 $0xFFFFEC00;
	s0 =	sadd.s32 @!p0 $0x600, s18  }
0x7f: {  	[tilespmem:s2], [sflag:$0x5] =	stream.indirect.gather @!p0 [hbm4b:s1+s31], $0x80, s0, s31, $0xb8;
	[tilespmem:$0xC000] =	vst v63  }
.Ltmp2:
0x80: {  	_ = 	snop;
	(pc) =	sbr.rel @p0 .LBB2_4-.Ltmp2, $4  }
0x81: {  	_ =	swait.ge [sflag:s30], $0x1400  }
0x82: {  	[sflag:s30] =	ssyncset.done $0x0  }
0x83: {  	s31 =	sadd.s32 $0x780, s8;
	[sflag:s30] =	ssyncadd.s32 $0xFFFFEC00  }
0x84: {  	[hbm4b:s31+s3] =	stream.linear.scatter [tilespmem:s25], [sflag:$0x10], $0x1400, $0x38;
	[tilespmem:$0xC000] =	vst v63  }
.Ltmp3:
0x85: {  	(pc) =	sbr.rel .LBB2_2-.Ltmp3, $4  }
0x86: {  	_ =	swait.ge [sflag:s12], $0x1400  }
0x87: {  	s0 =	sadd.s32 $0x680, s4;
	[sflag:s12] =	ssyncset.done $0x0  }
0x88: {  	s20 =	sadd.s32 $0x1000, s20;
	s8 =	sadd.s32 $0x1400, s8;
	[sflag:s12] =	ssyncadd.s32 $0xFFFFEC00  }
0x89: {  	[tilespmem:s21], [sflag:$0x6] =	stream.indirect.gather [hbm4b:s1+s10], $0x80, s0, s10, $0xb8;
	[tilespmem:$0xC000] =	vst v63  }
.LBB2_5:
0x8a: {  	_ =	sfence.sel $0x180000  }
0x8b: {  	[bflag:$0x0] =	sbarrier.arrive $0xFFFF  }
0x8c: {  	_ =	strace $0x90000047  }
0x8d: {  	s0 =	stileid.u32;
	[bflag:$0x2] =	sbarrier.arrive $0xFFFF  }
0x8e: {  	p0 =	sne.s32 s0, $0x0;
	s0 =	rddreg [dreg:$0x2]  }
0x8f: {  	s0 =	sadd.s32 @!p0 $0x100000, s0  }
0x90: {  	[sflag:s0] =	ssyncadd.tile.s32 @!p0 $0x1;
	_ =	shalt  }
.Lfunc_end2:
_tile_overlayer_lowered:
.L_overlay_start_2:
0x91: {  	(tag) =	ssettag $0x2  }
0x92: {  	s0 =	rddreg [dreg:$0x0];
	s2 =	stileid.u32  }
0x93: {  	s1 =	rddreg [dreg:$0x1];
	p0 =	sne.s32 s2, $0x0  }
0x94: {  	s3 =	rddreg [dreg:$0x2];
	[bflag:$0x3] =	sbarrier.arrive $0xFFFF;
	s2 =	simm.s32 @!p0 $0x1C11  }
0x95: {  	[timem:s3], [sflag:s2] =	dma.local @!p0 [hbm:s0], s1  }
0x96: {  	s0 =	simm.s32 @!p0 $0x11  }
0x97: {  	_ =	swait.ge @!p0 [sflag:s0], s1  }
0x98: {  	s1 =	ssub.s32 @!p0 $0x0, s1;
	[sflag:s0] =	ssyncset.done @!p0 $0x0  }
0x99: {  	[sflag:s0] =	ssyncadd.s32 @!p0 s1  }
0x9a: {  	[bflag:$0x3] =	sbarrier.arrive $0xFFFF  }
0x9b: {  	_ =	shalt  }

</sc_bundles>
